<compile_context>
chip_gen: v7x
topology: tpu7x:2x2x1
jax: 0.10.2.dev20260603
libtpu: 0.0.44.dev20260713+nightly
codegen_flags: <defaults>
</compile_context>

<pallas_src>
import functools

import jax
import jax.numpy as jnp
from jax import lax
from jax.experimental import pallas as pl
from jax.experimental.pallas import tpu as pltpu
from jax.experimental.pallas import tpu_sc as plsc

D_MODEL = 64
VOCAB = 1_000_000
B = 4096
P = 200
P2 = P // 2

VB = 4096
NBLK = -(-((VOCAB + 1) // 2) // VB)
H = NBLK * VB


def _pack_body(wl_ref, wr_ref, out_ref):
    out_ref[:, 0:64] = wl_ref[...].T
    out_ref[:, 64:128] = wr_ref[...].T


def _pack_table(W_E):
    return pl.pallas_call(
        _pack_body,
        grid=(NBLK,),
        in_specs=[
            pl.BlockSpec((D_MODEL, VB), lambda i: (0, i)),
            pl.BlockSpec(
                (D_MODEL, VB),
                lambda i: (0, jnp.minimum(i + NBLK, (VOCAB - 1) // VB)),
            ),
        ],
        out_specs=pl.BlockSpec((VB, 2 * D_MODEL), lambda i: (i, 0)),
        out_shape=jax.ShapeDtypeStruct((H, 2 * D_MODEL), jnp.float32),
    )(W_E, W_E)


NC, NS = 2, 16
NW = NC * NS
NHALF = 4
P2H = P2 // NHALF
B_PER_W = B // NW


def _sc_gather(table, idx):
    mesh = plsc.VectorSubcoreMesh(core_axis_name="c", subcore_axis_name="s")

    @functools.partial(
        pl.kernel,
        mesh=mesh,
        out_type=jax.ShapeDtypeStruct((P2H, B, 2 * D_MODEL), jnp.float32),
        scratch_types=[
            pltpu.VMEM((B_PER_W, 2 * P2H), jnp.int32),
            pltpu.VMEM((2, 2 * P2H, D_MODEL), jnp.float32),
            pltpu.SemaphoreType.DMA,
            pltpu.SemaphoreType.DMA,
        ],
        compiler_params=pltpu.CompilerParams(use_tc_tiling_on_sc=False),
    )
    def k(table_hbm, idx_hbm, out_hbm, idx_v, rows_v, sem_g, sem_w):
        wid = lax.axis_index("s") * NC + lax.axis_index("c")
        b0 = wid * B_PER_W
        pltpu.sync_copy(idx_hbm.at[pl.ds(b0, B_PER_W)], idx_v)

        def gather(bi, buf):
            return pltpu.async_copy(
                table_hbm.at[idx_v.at[bi]], rows_v.at[buf], sem_g)

        def write(bi, buf):
            b = b0 + bi
            pltpu.async_copy(
                rows_v.at[buf, pl.ds(0, P2H)],
                out_hbm.at[:, b, pl.ds(0, D_MODEL)], sem_w)
            pltpu.async_copy(
                rows_v.at[buf, pl.ds(P2H, P2H)],
                out_hbm.at[:, b, pl.ds(D_MODEL, D_MODEL)], sem_w)

        def wait_write_pair():
            pltpu.make_async_copy(
                rows_v.at[0, pl.ds(0, P2H)],
                out_hbm.at[:, 0, pl.ds(0, D_MODEL)], sem_w).wait()
            pltpu.make_async_copy(
                rows_v.at[0, pl.ds(P2H, P2H)],
                out_hbm.at[:, 0, pl.ds(D_MODEL, D_MODEL)], sem_w).wait()

        def wait_gather(bi, buf):
            pltpu.make_async_copy(
                table_hbm.at[idx_v.at[bi]], rows_v.at[buf], sem_g).wait()

        gather(0, 0).wait()
        gather(1, 1)
        write(0, 0)

        def body(bi, carry):
            wait_write_pair()
            gather(bi + 1, (bi + 1) % 2)
            wait_gather(bi, bi % 2)
            write(bi, bi % 2)
            return carry

        lax.fori_loop(1, B_PER_W - 1, body, 0, unroll=False)
        bi = B_PER_W - 1
        wait_write_pair()
        wait_gather(bi, bi % 2)
        write(bi, bi % 2)
        wait_write_pair()

    return k(table, idx)


def _relayout_body(*refs):
    in_ref, out_ref = refs[-2], refs[-1]
    x2 = in_ref[...]
    out_ref[0] = x2[:, 0:64].T
    out_ref[1] = x2[:, 64:128].T


def _relayout_half(g_prev, m3, h):
    v = m3.reshape(P2H * B, 2 * D_MODEL)
    in_spec = pl.BlockSpec((B, 2 * D_MODEL), lambda p2: (p2, 0))
    if g_prev is None:
        in_specs, args, aliases = [in_spec], (v,), {}
    else:
        in_specs = [pl.BlockSpec(memory_space=pl.ANY), in_spec]
        args, aliases = (g_prev, v), {0: 0}
    return pl.pallas_call(
        _relayout_body,
        grid=(P2H,),
        in_specs=in_specs,
        out_specs=pl.BlockSpec(
            (2, D_MODEL, B), lambda p2: (h * P2H + p2, 0, 0)
        ),
        out_shape=jax.ShapeDtypeStruct((P, D_MODEL, B), jnp.float32),
        input_output_aliases=aliases,
    )(*args)


def kernel(x, W_E):
    table2 = _pack_table(W_E)
    table = table2.reshape(2 * H, D_MODEL)
    xi = x.astype(jnp.int32)
    j = jnp.where(xi < H, 2 * xi, 2 * (xi - H) + 1)
    idx = j.reshape(B, P2, 2).transpose(0, 2, 1)
    m3s = [
        _sc_gather(
            table,
            idx[:, :, h * P2H:(h + 1) * P2H].reshape(B, 2 * P2H),
        )
        for h in range(NHALF)
    ]
    g = None
    for h in range(NHALF):
        g = _relayout_half(g, m3s[h], h)
    return jnp.transpose(g, (2, 0, 1))

# --- scband reference (transcript-rebuilt; emitter-appended) ---
"""Pipeline reference for scband-embed-69947837383100 (READ-ONLY COPY).

The authoritative reference and input builder live on the scoring server;
editing this copy changes nothing except your own understanding.
"""

import jax, jax.numpy as jnp
import numpy as np

D_VOCAB = 1000000
D_MODEL = 64


def setup_inputs(seed: int = 0) -> dict:
    key = jax.random.key(seed)
    k_idx, k_w = jax.random.split(key)
    x = jax.random.randint(k_idx, (4096, 200), 0, D_VOCAB, dtype=jnp.int64 if jax.config.jax_enable_x64 else jnp.int32)
    W_E = jax.random.normal(k_w, (D_MODEL, D_VOCAB), dtype=jnp.float32) / np.sqrt(D_MODEL)
    return {"x": x, "W_E": W_E}


def reference(x, W_E):
    # torch: t.einsum('dbp -> bpd', self.W_E[:, x])
    # W_E[:, x] -> [d, b, p]; transpose to [b, p, d]
    gathered = jnp.take(W_E, x, axis=1)  # [d_model, b, p]
    return jnp.transpose(gathered, (1, 2, 0))  # [b, p, d_model]

if __name__ == "__main__":
    import jax
    _d = setup_inputs()
    print(jax.jit(kernel)(*tuple(_d.values())))

</pallas_src>

<mosaic_0001>
#map = affine_map<(d0, d1) -> (0, 0)>
#map1 = affine_map<(d0, d1) -> (0, 0, 0)>
module attributes {stable_mosaic.version = 14 : i64} {
  func.func @k(%arg0: i32, %arg1: i32, %arg2: memref<1007616x64xf32, #tpu.memory_space<hbm>>, %arg3: memref<4096x50xi32, #tpu.memory_space<hbm>>, %arg4: memref<25x4096x128xf32, #tpu.memory_space<hbm>>, %arg5: memref<128x50xi32, #tpu.memory_space<vmem>>, %arg6: memref<2x50x64xf32, #tpu.memory_space<vmem>>, %arg7: memref<!tpu.dma_semaphore, #tpu.memory_space<semaphore_mem>>, %arg8: memref<!tpu.dma_semaphore, #tpu.memory_space<semaphore_mem>>) attributes {dimension_semantics = [#tpu.dimension_semantics<core_parallel>, #tpu.dimension_semantics<subcore_parallel>], iteration_bounds = array<i64: 2, 16>, scalar_prefetch = 0 : i64, scratch_operands = 4 : i64, tpu.core_type = #tpu.core_type<sc_vector_subcore>, window_params = [{transform_indices = #map}, {transform_indices = #map}, {transform_indices = #map1}]} {
    %mul3A = arith.constant 2 : i32
    %mul3A_0 = arith.muli %arg1, %mul3A : i32
    %add3A = arith.addi %mul3A_0, %arg0 : i32
    %mul3A_1 = arith.constant 128 : i32
    %mul3A_2 = arith.muli %add3A, %mul3A_1 : i32
    "tpu.region"() ({
      %run_scoped3A = tpu.sem_alloc : memref<!tpu.dma_semaphore, #tpu.memory_space<semaphore_mem>>
      %dma_start3A_198 = arith.constant 0 : i32
      %dma_start3A_199 = tpu.memref_slice %arg3[%mul3A_2, %dma_start3A_198] : memref<4096x50xi32, #tpu.memory_space<hbm>> -> memref<128x50xi32, #tpu.memory_space<hbm>>
      %dma_start3A_200 = arith.constant 0 : i32
      %dma_start3A_201 = tpu.memref_slice %arg3[%mul3A_2, %dma_start3A_200] : memref<4096x50xi32, #tpu.memory_space<hbm>> -> memref<128x50xi32, #tpu.memory_space<hbm>>
      tpu.enqueue_dma source(%dma_start3A_201 : memref<128x50xi32, #tpu.memory_space<hbm>>) target(%arg5 : memref<128x50xi32, #tpu.memory_space<vmem>>) target_semaphore(%run_scoped3A : memref<!tpu.dma_semaphore, #tpu.memory_space<semaphore_mem>>)
      %dma_wait3A_202 = arith.constant 0 : i32
      %dma_wait3A_203 = tpu.memref_slice %arg3[%mul3A_2, %dma_wait3A_202] : memref<4096x50xi32, #tpu.memory_space<hbm>> -> memref<128x50xi32, #tpu.memory_space<hbm>>
      %dma_wait3A_204 = arith.constant 0 : i32
      %dma_wait3A_205 = tpu.memref_slice %arg3[%mul3A_2, %dma_wait3A_204] : memref<4096x50xi32, #tpu.memory_space<hbm>> -> memref<128x50xi32, #tpu.memory_space<hbm>>
      tpu.wait_dma2 semaphore(%run_scoped3A : memref<!tpu.dma_semaphore, #tpu.memory_space<semaphore_mem>>) src(%dma_wait3A_205 : memref<128x50xi32, #tpu.memory_space<hbm>>) dst(%arg5 : memref<128x50xi32, #tpu.memory_space<vmem>>)
      tpu.yield
    }) : () -> ()
    %dma_start3A = arith.constant 0 : i32
    %dma_start3A_3 = arith.constant 0 : i32
    %dma_start3A_4 = arith.constant 0 : i32
    %dma_start3A_5 = arith.constant 0 : i32
    %dma_start3A_6 = tpu.memref_slice %arg6[%dma_start3A_3, %dma_start3A_4, %dma_start3A_5] : memref<2x50x64xf32, #tpu.memory_space<vmem>> -> memref<1x50x64xf32, #tpu.memory_space<vmem>>
    %dma_start3A_7 = tpu.memref_squeeze %dma_start3A_6 : memref<1x50x64xf32, #tpu.memory_space<vmem>> -> memref<50x64xf32, #tpu.memory_space<vmem>>
    %dma_start3A_8 = arith.constant 0 : i32
    %dma_start3A_9 = tpu.memref_slice %arg5[%dma_start3A, %dma_start3A_8] : memref<128x50xi32, #tpu.memory_space<vmem>> -> memref<1x50xi32, #tpu.memory_space<vmem>>
    %dma_start3A_10 = tpu.memref_squeeze %dma_start3A_9 : memref<1x50xi32, #tpu.memory_space<vmem>> -> memref<50xi32, #tpu.memory_space<vmem>>
    %dma_start3A_11 = arith.constant 0 : i32
    %dma_start3A_12 = arith.constant 0 : i32
    %dma_start3A_13 = tpu.memref_slice %arg2[%dma_start3A_11, %dma_start3A_12] : memref<1007616x64xf32, #tpu.memory_space<hbm>> -> memref<1007616x64xf32, #tpu.memory_space<hbm>>
    tpu.enqueue_indirect_dma source(%dma_start3A_13 : memref<1007616x64xf32, #tpu.memory_space<hbm>>) target(%dma_start3A_7 : memref<50x64xf32, #tpu.memory_space<vmem>>) offsets(%dma_start3A_10 : memref<50xi32, #tpu.memory_space<vmem>>) semaphore(%arg7 : memref<!tpu.dma_semaphore, #tpu.memory_space<semaphore_mem>>)
    %dma_wait3A = arith.constant 0 : i32
    %dma_wait3A_14 = arith.constant 0 : i32
    %dma_wait3A_15 = arith.constant 0 : i32
    %dma_wait3A_16 = arith.constant 0 : i32
    %dma_wait3A_17 = tpu.memref_slice %arg6[%dma_wait3A_14, %dma_wait3A_15, %dma_wait3A_16] : memref<2x50x64xf32, #tpu.memory_space<vmem>> -> memref<1x50x64xf32, #tpu.memory_space<vmem>>
    %dma_wait3A_18 = tpu.memref_squeeze %dma_wait3A_17 : memref<1x50x64xf32, #tpu.memory_space<vmem>> -> memref<50x64xf32, #tpu.memory_space<vmem>>
    %dma_wait3A_19 = arith.constant 0 : i32
    %dma_wait3A_20 = tpu.memref_slice %arg5[%dma_wait3A, %dma_wait3A_19] : memref<128x50xi32, #tpu.memory_space<vmem>> -> memref<1x50xi32, #tpu.memory_space<vmem>>
    %dma_wait3A_21 = tpu.memref_squeeze %dma_wait3A_20 : memref<1x50xi32, #tpu.memory_space<vmem>> -> memref<50xi32, #tpu.memory_space<vmem>>
    %dma_wait3A_22 = arith.constant 0 : i32
    %dma_wait3A_23 = arith.constant 0 : i32
    %dma_wait3A_24 = tpu.memref_slice %arg2[%dma_wait3A_22, %dma_wait3A_23] : memref<1007616x64xf32, #tpu.memory_space<hbm>> -> memref<1007616x64xf32, #tpu.memory_space<hbm>>
    tpu.wait_indirect_dma semaphore(%arg7 : memref<!tpu.dma_semaphore, #tpu.memory_space<semaphore_mem>>) src(%dma_wait3A_24 : memref<1007616x64xf32, #tpu.memory_space<hbm>>) dst(%dma_wait3A_18 : memref<50x64xf32, #tpu.memory_space<vmem>>)
    %dma_start3A_25 = arith.constant 1 : i32
    %dma_start3A_26 = arith.constant 1 : i32
    %dma_start3A_27 = arith.constant 0 : i32
    %dma_start3A_28 = arith.constant 0 : i32
    %dma_start3A_29 = tpu.memref_slice %arg6[%dma_start3A_26, %dma_start3A_27, %dma_start3A_28] : memref<2x50x64xf32, #tpu.memory_space<vmem>> -> memref<1x50x64xf32, #tpu.memory_space<vmem>>
    %dma_start3A_30 = tpu.memref_squeeze %dma_start3A_29 : memref<1x50x64xf32, #tpu.memory_space<vmem>> -> memref<50x64xf32, #tpu.memory_space<vmem>>
    %dma_start3A_31 = arith.constant 0 : i32
    %dma_start3A_32 = tpu.memref_slice %arg5[%dma_start3A_25, %dma_start3A_31] : memref<128x50xi32, #tpu.memory_space<vmem>> -> memref<1x50xi32, #tpu.memory_space<vmem>>
    %dma_start3A_33 = tpu.memref_squeeze %dma_start3A_32 : memref<1x50xi32, #tpu.memory_space<vmem>> -> memref<50xi32, #tpu.memory_space<vmem>>
    %dma_start3A_34 = arith.constant 0 : i32
    %dma_start3A_35 = arith.constant 0 : i32
    %dma_start3A_36 = tpu.memref_slice %arg2[%dma_start3A_34, %dma_start3A_35] : memref<1007616x64xf32, #tpu.memory_space<hbm>> -> memref<1007616x64xf32, #tpu.memory_space<hbm>>
    tpu.enqueue_indirect_dma source(%dma_start3A_36 : memref<1007616x64xf32, #tpu.memory_space<hbm>>) target(%dma_start3A_30 : memref<50x64xf32, #tpu.memory_space<vmem>>) offsets(%dma_start3A_33 : memref<50xi32, #tpu.memory_space<vmem>>) semaphore(%arg7 : memref<!tpu.dma_semaphore, #tpu.memory_space<semaphore_mem>>)
    %add3A_37 = arith.constant 0 : i32
    %add3A_38 = arith.addi %mul3A_2, %add3A_37 : i32
    %dma_start3A_39 = arith.constant 0 : i32
    %dma_start3A_40 = arith.constant 0 : i32
    %dma_start3A_41 = arith.constant 0 : i32
    %dma_start3A_42 = tpu.memref_slice %arg6[%dma_start3A_39, %dma_start3A_40, %dma_start3A_41] : memref<2x50x64xf32, #tpu.memory_space<vmem>> -> memref<1x25x64xf32, #tpu.memory_space<vmem>>
    %dma_start3A_43 = tpu.memref_squeeze %dma_start3A_42 : memref<1x25x64xf32, #tpu.memory_space<vmem>> -> memref<25x64xf32, #tpu.memory_space<vmem>>
    %dma_start3A_44 = arith.constant 0 : i32
    %dma_start3A_45 = arith.constant 0 : i32
    %dma_start3A_46 = tpu.memref_slice %arg4[%dma_start3A_44, %add3A_38, %dma_start3A_45] : memref<25x4096x128xf32, #tpu.memory_space<hbm>> -> memref<25x1x64xf32, #tpu.memory_space<hbm>>
    %dma_start3A_47 = tpu.memref_squeeze %dma_start3A_46 : memref<25x1x64xf32, #tpu.memory_space<hbm>> -> memref<25x64xf32, #tpu.memory_space<hbm>>
    %dma_start3A_48 = arith.constant 0 : i32
    %dma_start3A_49 = arith.constant 0 : i32
    %dma_start3A_50 = tpu.memref_slice %arg4[%dma_start3A_48, %add3A_38, %dma_start3A_49] : memref<25x4096x128xf32, #tpu.memory_space<hbm>> -> memref<25x1x64xf32, #tpu.memory_space<hbm>>
    %dma_start3A_51 = tpu.memref_squeeze %dma_start3A_50 : memref<25x1x64xf32, #tpu.memory_space<hbm>> -> memref<25x64xf32, #tpu.memory_space<hbm>>
    %dma_start3A_52 = arith.constant 0 : i32
    %dma_start3A_53 = arith.constant 0 : i32
    %dma_start3A_54 = tpu.memref_slice %arg6[%dma_start3A_39, %dma_start3A_52, %dma_start3A_53] : memref<2x50x64xf32, #tpu.memory_space<vmem>> -> memref<1x25x64xf32, #tpu.memory_space<vmem>>
    %dma_start3A_55 = tpu.memref_squeeze %dma_start3A_54 : memref<1x25x64xf32, #tpu.memory_space<vmem>> -> memref<25x64xf32, #tpu.memory_space<vmem>>
    tpu.enqueue_dma source(%dma_start3A_55 : memref<25x64xf32, #tpu.memory_space<vmem>>) target(%dma_start3A_51 : memref<25x64xf32, #tpu.memory_space<hbm>>) target_semaphore(%arg8 : memref<!tpu.dma_semaphore, #tpu.memory_space<semaphore_mem>>)
    %dma_start3A_56 = arith.constant 0 : i32
    %dma_start3A_57 = arith.constant 25 : i32
    %dma_start3A_58 = arith.constant 0 : i32
    %dma_start3A_59 = tpu.memref_slice %arg6[%dma_start3A_56, %dma_start3A_57, %dma_start3A_58] : memref<2x50x64xf32, #tpu.memory_space<vmem>> -> memref<1x25x64xf32, #tpu.memory_space<vmem>>
    %dma_start3A_60 = tpu.memref_squeeze %dma_start3A_59 : memref<1x25x64xf32, #tpu.memory_space<vmem>> -> memref<25x64xf32, #tpu.memory_space<vmem>>
    %dma_start3A_61 = arith.constant 0 : i32
    %dma_start3A_62 = arith.constant 64 : i32
    %dma_start3A_63 = tpu.memref_slice %arg4[%dma_start3A_61, %add3A_38, %dma_start3A_62] : memref<25x4096x128xf32, #tpu.memory_space<hbm>> -> memref<25x1x64xf32, #tpu.memory_space<hbm>>
    %dma_start3A_64 = tpu.memref_squeeze %dma_start3A_63 : memref<25x1x64xf32, #tpu.memory_space<hbm>> -> memref<25x64xf32, #tpu.memory_space<hbm>>
    %dma_start3A_65 = arith.constant 0 : i32
    %dma_start3A_66 = arith.constant 64 : i32
    %dma_start3A_67 = tpu.memref_slice %arg4[%dma_start3A_65, %add3A_38, %dma_start3A_66] : memref<25x4096x128xf32, #tpu.memory_space<hbm>> -> memref<25x1x64xf32, #tpu.memory_space<hbm>>
    %dma_start3A_68 = tpu.memref_squeeze %dma_start3A_67 : memref<25x1x64xf32, #tpu.memory_space<hbm>> -> memref<25x64xf32, #tpu.memory_space<hbm>>
    %dma_start3A_69 = arith.constant 25 : i32
    %dma_start3A_70 = arith.constant 0 : i32
    %dma_start3A_71 = tpu.memref_slice %arg6[%dma_start3A_56, %dma_start3A_69, %dma_start3A_70] : memref<2x50x64xf32, #tpu.memory_space<vmem>> -> memref<1x25x64xf32, #tpu.memory_space<vmem>>
    %dma_start3A_72 = tpu.memref_squeeze %dma_start3A_71 : memref<1x25x64xf32, #tpu.memory_space<vmem>> -> memref<25x64xf32, #tpu.memory_space<vmem>>
    tpu.enqueue_dma source(%dma_start3A_72 : memref<25x64xf32, #tpu.memory_space<vmem>>) target(%dma_start3A_68 : memref<25x64xf32, #tpu.memory_space<hbm>>) target_semaphore(%arg8 : memref<!tpu.dma_semaphore, #tpu.memory_space<semaphore_mem>>)
    %scan3A = arith.constant 0 : i32
    %scan3A_73 = arith.constant 1 : i32
    %scan3A_74 = arith.constant 126 : i32
    %scan3A_75 = arith.addi %scan3A_73, %scan3A_74 : i32
    %scan3A_76 = arith.constant 1 : i32
    scf.for %scan3A_198 = %scan3A_73 to %scan3A_75 step %scan3A_76  : i32 {
      %dma_wait3A_199 = arith.constant 0 : i32
      %dma_wait3A_200 = arith.constant 0 : i32
      %dma_wait3A_201 = arith.constant 0 : i32
      %dma_wait3A_202 = arith.constant 0 : i32
      %dma_wait3A_203 = tpu.memref_slice %arg6[%dma_wait3A_199, %dma_wait3A_201, %dma_wait3A_202] : memref<2x50x64xf32, #tpu.memory_space<vmem>> -> memref<1x25x64xf32, #tpu.memory_space<vmem>>
      %dma_wait3A_204 = tpu.memref_squeeze %dma_wait3A_203 : memref<1x25x64xf32, #tpu.memory_space<vmem>> -> memref<25x64xf32, #tpu.memory_space<vmem>>
      %dma_wait3A_205 = arith.constant 0 : i32
      %dma_wait3A_206 = arith.constant 0 : i32
      %dma_wait3A_207 = tpu.memref_slice %arg4[%dma_wait3A_205, %dma_wait3A_200, %dma_wait3A_206] : memref<25x4096x128xf32, #tpu.memory_space<hbm>> -> memref<25x1x64xf32, #tpu.memory_space<hbm>>
      %dma_wait3A_208 = tpu.memref_squeeze %dma_wait3A_207 : memref<25x1x64xf32, #tpu.memory_space<hbm>> -> memref<25x64xf32, #tpu.memory_space<hbm>>
      %dma_wait3A_209 = arith.constant 0 : i32
      %dma_wait3A_210 = arith.constant 0 : i32
      %dma_wait3A_211 = tpu.memref_slice %arg4[%dma_wait3A_209, %dma_wait3A_200, %dma_wait3A_210] : memref<25x4096x128xf32, #tpu.memory_space<hbm>> -> memref<25x1x64xf32, #tpu.memory_space<hbm>>
      %dma_wait3A_212 = tpu.memref_squeeze %dma_wait3A_211 : memref<25x1x64xf32, #tpu.memory_space<hbm>> -> memref<25x64xf32, #tpu.memory_space<hbm>>
      %dma_wait3A_213 = arith.constant 0 : i32
      %dma_wait3A_214 = arith.constant 0 : i32
      %dma_wait3A_215 = tpu.memref_slice %arg6[%dma_wait3A_199, %dma_wait3A_213, %dma_wait3A_214] : memref<2x50x64xf32, #tpu.memory_space<vmem>> -> memref<1x25x64xf32, #tpu.memory_space<vmem>>
      %dma_wait3A_216 = tpu.memref_squeeze %dma_wait3A_215 : memref<1x25x64xf32, #tpu.memory_space<vmem>> -> memref<25x64xf32, #tpu.memory_space<vmem>>
      tpu.wait_dma2 semaphore(%arg8 : memref<!tpu.dma_semaphore, #tpu.memory_space<semaphore_mem>>) src(%dma_wait3A_216 : memref<25x64xf32, #tpu.memory_space<vmem>>) dst(%dma_wait3A_212 : memref<25x64xf32, #tpu.memory_space<hbm>>)
      %dma_wait3A_217 = arith.constant 0 : i32
      %dma_wait3A_218 = arith.constant 0 : i32
      %dma_wait3A_219 = arith.constant 25 : i32
      %dma_wait3A_220 = arith.constant 0 : i32
      %dma_wait3A_221 = tpu.memref_slice %arg6[%dma_wait3A_217, %dma_wait3A_219, %dma_wait3A_220] : memref<2x50x64xf32, #tpu.memory_space<vmem>> -> memref<1x25x64xf32, #tpu.memory_space<vmem>>
      %dma_wait3A_222 = tpu.memref_squeeze %dma_wait3A_221 : memref<1x25x64xf32, #tpu.memory_space<vmem>> -> memref<25x64xf32, #tpu.memory_space<vmem>>
      %dma_wait3A_223 = arith.constant 0 : i32
      %dma_wait3A_224 = arith.constant 64 : i32
      %dma_wait3A_225 = tpu.memref_slice %arg4[%dma_wait3A_223, %dma_wait3A_218, %dma_wait3A_224] : memref<25x4096x128xf32, #tpu.memory_space<hbm>> -> memref<25x1x64xf32, #tpu.memory_space<hbm>>
      %dma_wait3A_226 = tpu.memref_squeeze %dma_wait3A_225 : memref<25x1x64xf32, #tpu.memory_space<hbm>> -> memref<25x64xf32, #tpu.memory_space<hbm>>
      %dma_wait3A_227 = arith.constant 0 : i32
      %dma_wait3A_228 = arith.constant 64 : i32
      %dma_wait3A_229 = tpu.memref_slice %arg4[%dma_wait3A_227, %dma_wait3A_218, %dma_wait3A_228] : memref<25x4096x128xf32, #tpu.memory_space<hbm>> -> memref<25x1x64xf32, #tpu.memory_space<hbm>>
      %dma_wait3A_230 = tpu.memref_squeeze %dma_wait3A_229 : memref<25x1x64xf32, #tpu.memory_space<hbm>> -> memref<25x64xf32, #tpu.memory_space<hbm>>
      %dma_wait3A_231 = arith.constant 25 : i32
      %dma_wait3A_232 = arith.constant 0 : i32
      %dma_wait3A_233 = tpu.memref_slice %arg6[%dma_wait3A_217, %dma_wait3A_231, %dma_wait3A_232] : memref<2x50x64xf32, #tpu.memory_space<vmem>> -> memref<1x25x64xf32, #tpu.memory_space<vmem>>
      %dma_wait3A_234 = tpu.memref_squeeze %dma_wait3A_233 : memref<1x25x64xf32, #tpu.memory_space<vmem>> -> memref<25x64xf32, #tpu.memory_space<vmem>>
      tpu.wait_dma2 semaphore(%arg8 : memref<!tpu.dma_semaphore, #tpu.memory_space<semaphore_mem>>) src(%dma_wait3A_234 : memref<25x64xf32, #tpu.memory_space<vmem>>) dst(%dma_wait3A_230 : memref<25x64xf32, #tpu.memory_space<hbm>>)
      %add3A_235 = arith.constant 1 : i32
      %add3A_236 = arith.addi %scan3A_198, %add3A_235 : i32
      %add3A_237 = arith.constant 1 : i32
      %add3A_238 = arith.addi %scan3A_198, %add3A_237 : i32
      %jit3A = arith.constant 2 : i32
      %eq3A = arith.constant 0 : i32
      %eq3A_239 = arith.cmpi eq, %jit3A, %eq3A : i32
      %jit3A_240 = arith.constant 1 : i32
      %select_n3A = arith.select %eq3A_239, %jit3A_240, %jit3A : i32
      %rem3A = arith.remsi %add3A_238, %select_n3A : i32
      %ne3A = arith.constant 0 : i32
      %ne3A_241 = arith.cmpi ne, %rem3A, %ne3A : i32
      %lt3A = arith.constant 0 : i32
      %lt3A_242 = arith.cmpi slt, %rem3A, %lt3A : i32
      %lt3A_243 = arith.constant 0 : i32
      %lt3A_244 = arith.cmpi slt, %select_n3A, %lt3A_243 : i32
      %ne3A_245 = arith.xori %lt3A_242, %lt3A_244 : i1
      %and3A = arith.andi %ne3A_245, %ne3A_241 : i1
      %add3A_246 = arith.addi %rem3A, %select_n3A : i32
      %select_n3A_247 = arith.select %and3A, %add3A_246, %rem3A : i32
      %dma_start3A_248 = arith.constant 0 : i32
      %dma_start3A_249 = arith.constant 0 : i32
      %dma_start3A_250 = tpu.memref_slice %arg6[%select_n3A_247, %dma_start3A_248, %dma_start3A_249] : memref<2x50x64xf32, #tpu.memory_space<vmem>> -> memref<1x50x64xf32, #tpu.memory_space<vmem>>
      %dma_start3A_251 = tpu.memref_squeeze %dma_start3A_250 : memref<1x50x64xf32, #tpu.memory_space<vmem>> -> memref<50x64xf32, #tpu.memory_space<vmem>>
      %dma_start3A_252 = arith.constant 0 : i32
      %dma_start3A_253 = tpu.memref_slice %arg5[%add3A_236, %dma_start3A_252] : memref<128x50xi32, #tpu.memory_space<vmem>> -> memref<1x50xi32, #tpu.memory_space<vmem>>
      %dma_start3A_254 = tpu.memref_squeeze %dma_start3A_253 : memref<1x50xi32, #tpu.memory_space<vmem>> -> memref<50xi32, #tpu.memory_space<vmem>>
      %dma_start3A_255 = arith.constant 0 : i32
      %dma_start3A_256 = arith.constant 0 : i32
      %dma_start3A_257 = tpu.memref_slice %arg2[%dma_start3A_255, %dma_start3A_256] : memref<1007616x64xf32, #tpu.memory_space<hbm>> -> memref<1007616x64xf32, #tpu.memory_space<hbm>>
      tpu.enqueue_indirect_dma source(%dma_start3A_257 : memref<1007616x64xf32, #tpu.memory_space<hbm>>) target(%dma_start3A_251 : memref<50x64xf32, #tpu.memory_space<vmem>>) offsets(%dma_start3A_254 : memref<50xi32, #tpu.memory_space<vmem>>) semaphore(%arg7 : memref<!tpu.dma_semaphore, #tpu.memory_space<semaphore_mem>>)
      %jit3A_258 = arith.constant 2 : i32
      %eq3A_259 = arith.constant 0 : i32
      %eq3A_260 = arith.cmpi eq, %jit3A_258, %eq3A_259 : i32
      %jit3A_261 = arith.constant 1 : i32
      %select_n3A_262 = arith.select %eq3A_260, %jit3A_261, %jit3A_258 : i32
      %rem3A_263 = arith.remsi %scan3A_198, %select_n3A_262 : i32
      %ne3A_264 = arith.constant 0 : i32
      %ne3A_265 = arith.cmpi ne, %rem3A_263, %ne3A_264 : i32
      %lt3A_266 = arith.constant 0 : i32
      %lt3A_267 = arith.cmpi slt, %rem3A_263, %lt3A_266 : i32
      %lt3A_268 = arith.constant 0 : i32
      %lt3A_269 = arith.cmpi slt, %select_n3A_262, %lt3A_268 : i32
      %ne3A_270 = arith.xori %lt3A_267, %lt3A_269 : i1
      %and3A_271 = arith.andi %ne3A_270, %ne3A_265 : i1
      %add3A_272 = arith.addi %rem3A_263, %select_n3A_262 : i32
      %select_n3A_273 = arith.select %and3A_271, %add3A_272, %rem3A_263 : i32
      %dma_wait3A_274 = arith.constant 0 : i32
      %dma_wait3A_275 = arith.constant 0 : i32
      %dma_wait3A_276 = tpu.memref_slice %arg6[%select_n3A_273, %dma_wait3A_274, %dma_wait3A_275] : memref<2x50x64xf32, #tpu.memory_space<vmem>> -> memref<1x50x64xf32, #tpu.memory_space<vmem>>
      %dma_wait3A_277 = tpu.memref_squeeze %dma_wait3A_276 : memref<1x50x64xf32, #tpu.memory_space<vmem>> -> memref<50x64xf32, #tpu.memory_space<vmem>>
      %dma_wait3A_278 = arith.constant 0 : i32
      %dma_wait3A_279 = tpu.memref_slice %arg5[%scan3A_198, %dma_wait3A_278] : memref<128x50xi32, #tpu.memory_space<vmem>> -> memref<1x50xi32, #tpu.memory_space<vmem>>
      %dma_wait3A_280 = tpu.memref_squeeze %dma_wait3A_279 : memref<1x50xi32, #tpu.memory_space<vmem>> -> memref<50xi32, #tpu.memory_space<vmem>>
      %dma_wait3A_281 = arith.constant 0 : i32
      %dma_wait3A_282 = arith.constant 0 : i32
      %dma_wait3A_283 = tpu.memref_slice %arg2[%dma_wait3A_281, %dma_wait3A_282] : memref<1007616x64xf32, #tpu.memory_space<hbm>> -> memref<1007616x64xf32, #tpu.memory_space<hbm>>
      tpu.wait_indirect_dma semaphore(%arg7 : memref<!tpu.dma_semaphore, #tpu.memory_space<semaphore_mem>>) src(%dma_wait3A_283 : memref<1007616x64xf32, #tpu.memory_space<hbm>>) dst(%dma_wait3A_277 : memref<50x64xf32, #tpu.memory_space<vmem>>)
      %jit3A_284 = arith.constant 2 : i32
      %eq3A_285 = arith.constant 0 : i32
      %eq3A_286 = arith.cmpi eq, %jit3A_284, %eq3A_285 : i32
      %jit3A_287 = arith.constant 1 : i32
      %select_n3A_288 = arith.select %eq3A_286, %jit3A_287, %jit3A_284 : i32
      %rem3A_289 = arith.remsi %scan3A_198, %select_n3A_288 : i32
      %ne3A_290 = arith.constant 0 : i32
      %ne3A_291 = arith.cmpi ne, %rem3A_289, %ne3A_290 : i32
      %lt3A_292 = arith.constant 0 : i32
      %lt3A_293 = arith.cmpi slt, %rem3A_289, %lt3A_292 : i32
      %lt3A_294 = arith.constant 0 : i32
      %lt3A_295 = arith.cmpi slt, %select_n3A_288, %lt3A_294 : i32
      %ne3A_296 = arith.xori %lt3A_293, %lt3A_295 : i1
      %and3A_297 = arith.andi %ne3A_296, %ne3A_291 : i1
      %add3A_298 = arith.addi %rem3A_289, %select_n3A_288 : i32
      %select_n3A_299 = arith.select %and3A_297, %add3A_298, %rem3A_289 : i32
      %add3A_300 = arith.addi %mul3A_2, %scan3A_198 : i32
      %dma_start3A_301 = arith.constant 0 : i32
      %dma_start3A_302 = arith.constant 0 : i32
      %dma_start3A_303 = tpu.memref_slice %arg6[%select_n3A_299, %dma_start3A_301, %dma_start3A_302] : memref<2x50x64xf32, #tpu.memory_space<vmem>> -> memref<1x25x64xf32, #tpu.memory_space<vmem>>
      %dma_start3A_304 = tpu.memref_squeeze %dma_start3A_303 : memref<1x25x64xf32, #tpu.memory_space<vmem>> -> memref<25x64xf32, #tpu.memory_space<vmem>>
      %dma_start3A_305 = arith.constant 0 : i32
      %dma_start3A_306 = arith.constant 0 : i32
      %dma_start3A_307 = tpu.memref_slice %arg4[%dma_start3A_305, %add3A_300, %dma_start3A_306] : memref<25x4096x128xf32, #tpu.memory_space<hbm>> -> memref<25x1x64xf32, #tpu.memory_space<hbm>>
      %dma_start3A_308 = tpu.memref_squeeze %dma_start3A_307 : memref<25x1x64xf32, #tpu.memory_space<hbm>> -> memref<25x64xf32, #tpu.memory_space<hbm>>
      %dma_start3A_309 = arith.constant 0 : i32
      %dma_start3A_310 = arith.constant 0 : i32
      %dma_start3A_311 = tpu.memref_slice %arg4[%dma_start3A_309, %add3A_300, %dma_start3A_310] : memref<25x4096x128xf32, #tpu.memory_space<hbm>> -> memref<25x1x64xf32, #tpu.memory_space<hbm>>
      %dma_start3A_312 = tpu.memref_squeeze %dma_start3A_311 : memref<25x1x64xf32, #tpu.memory_space<hbm>> -> memref<25x64xf32, #tpu.memory_space<hbm>>
      %dma_start3A_313 = arith.constant 0 : i32
      %dma_start3A_314 = arith.constant 0 : i32
      %dma_start3A_315 = tpu.memref_slice %arg6[%select_n3A_299, %dma_start3A_313, %dma_start3A_314] : memref<2x50x64xf32, #tpu.memory_space<vmem>> -> memref<1x25x64xf32, #tpu.memory_space<vmem>>
      %dma_start3A_316 = tpu.memref_squeeze %dma_start3A_315 : memref<1x25x64xf32, #tpu.memory_space<vmem>> -> memref<25x64xf32, #tpu.memory_space<vmem>>
      tpu.enqueue_dma source(%dma_start3A_316 : memref<25x64xf32, #tpu.memory_space<vmem>>) target(%dma_start3A_312 : memref<25x64xf32, #tpu.memory_space<hbm>>) target_semaphore(%arg8 : memref<!tpu.dma_semaphore, #tpu.memory_space<semaphore_mem>>)
      %dma_start3A_317 = arith.constant 25 : i32
      %dma_start3A_318 = arith.constant 0 : i32
      %dma_start3A_319 = tpu.memref_slice %arg6[%select_n3A_299, %dma_start3A_317, %dma_start3A_318] : memref<2x50x64xf32, #tpu.memory_space<vmem>> -> memref<1x25x64xf32, #tpu.memory_space<vmem>>
      %dma_start3A_320 = tpu.memref_squeeze %dma_start3A_319 : memref<1x25x64xf32, #tpu.memory_space<vmem>> -> memref<25x64xf32, #tpu.memory_space<vmem>>
      %dma_start3A_321 = arith.constant 0 : i32
      %dma_start3A_322 = arith.constant 64 : i32
      %dma_start3A_323 = tpu.memref_slice %arg4[%dma_start3A_321, %add3A_300, %dma_start3A_322] : memref<25x4096x128xf32, #tpu.memory_space<hbm>> -> memref<25x1x64xf32, #tpu.memory_space<hbm>>
      %dma_start3A_324 = tpu.memref_squeeze %dma_start3A_323 : memref<25x1x64xf32, #tpu.memory_space<hbm>> -> memref<25x64xf32, #tpu.memory_space<hbm>>
      %dma_start3A_325 = arith.constant 0 : i32
      %dma_start3A_326 = arith.constant 64 : i32
      %dma_start3A_327 = tpu.memref_slice %arg4[%dma_start3A_325, %add3A_300, %dma_start3A_326] : memref<25x4096x128xf32, #tpu.memory_space<hbm>> -> memref<25x1x64xf32, #tpu.memory_space<hbm>>
      %dma_start3A_328 = tpu.memref_squeeze %dma_start3A_327 : memref<25x1x64xf32, #tpu.memory_space<hbm>> -> memref<25x64xf32, #tpu.memory_space<hbm>>
      %dma_start3A_329 = arith.constant 25 : i32
      %dma_start3A_330 = arith.constant 0 : i32
      %dma_start3A_331 = tpu.memref_slice %arg6[%select_n3A_299, %dma_start3A_329, %dma_start3A_330] : memref<2x50x64xf32, #tpu.memory_space<vmem>> -> memref<1x25x64xf32, #tpu.memory_space<vmem>>
      %dma_start3A_332 = tpu.memref_squeeze %dma_start3A_331 : memref<1x25x64xf32, #tpu.memory_space<vmem>> -> memref<25x64xf32, #tpu.memory_space<vmem>>
      tpu.enqueue_dma source(%dma_start3A_332 : memref<25x64xf32, #tpu.memory_space<vmem>>) target(%dma_start3A_328 : memref<25x64xf32, #tpu.memory_space<hbm>>) target_semaphore(%arg8 : memref<!tpu.dma_semaphore, #tpu.memory_space<semaphore_mem>>)
    }
    %scan3A_77 = arith.constant 126 : i32
    %dma_wait3A_78 = arith.constant 0 : i32
    %dma_wait3A_79 = arith.constant 0 : i32
    %dma_wait3A_80 = arith.constant 0 : i32
    %dma_wait3A_81 = arith.constant 0 : i32
    %dma_wait3A_82 = tpu.memref_slice %arg6[%dma_wait3A_78, %dma_wait3A_80, %dma_wait3A_81] : memref<2x50x64xf32, #tpu.memory_space<vmem>> -> memref<1x25x64xf32, #tpu.memory_space<vmem>>
    %dma_wait3A_83 = tpu.memref_squeeze %dma_wait3A_82 : memref<1x25x64xf32, #tpu.memory_space<vmem>> -> memref<25x64xf32, #tpu.memory_space<vmem>>
    %dma_wait3A_84 = arith.constant 0 : i32
    %dma_wait3A_85 = arith.constant 0 : i32
    %dma_wait3A_86 = tpu.memref_slice %arg4[%dma_wait3A_84, %dma_wait3A_79, %dma_wait3A_85] : memref<25x4096x128xf32, #tpu.memory_space<hbm>> -> memref<25x1x64xf32, #tpu.memory_space<hbm>>
    %dma_wait3A_87 = tpu.memref_squeeze %dma_wait3A_86 : memref<25x1x64xf32, #tpu.memory_space<hbm>> -> memref<25x64xf32, #tpu.memory_space<hbm>>
    %dma_wait3A_88 = arith.constant 0 : i32
    %dma_wait3A_89 = arith.constant 0 : i32
    %dma_wait3A_90 = tpu.memref_slice %arg4[%dma_wait3A_88, %dma_wait3A_79, %dma_wait3A_89] : memref<25x4096x128xf32, #tpu.memory_space<hbm>> -> memref<25x1x64xf32, #tpu.memory_space<hbm>>
    %dma_wait3A_91 = tpu.memref_squeeze %dma_wait3A_90 : memref<25x1x64xf32, #tpu.memory_space<hbm>> -> memref<25x64xf32, #tpu.memory_space<hbm>>
    %dma_wait3A_92 = arith.constant 0 : i32
    %dma_wait3A_93 = arith.constant 0 : i32
    %dma_wait3A_94 = tpu.memref_slice %arg6[%dma_wait3A_78, %dma_wait3A_92, %dma_wait3A_93] : memref<2x50x64xf32, #tpu.memory_space<vmem>> -> memref<1x25x64xf32, #tpu.memory_space<vmem>>
    %dma_wait3A_95 = tpu.memref_squeeze %dma_wait3A_94 : memref<1x25x64xf32, #tpu.memory_space<vmem>> -> memref<25x64xf32, #tpu.memory_space<vmem>>
    tpu.wait_dma2 semaphore(%arg8 : memref<!tpu.dma_semaphore, #tpu.memory_space<semaphore_mem>>) src(%dma_wait3A_95 : memref<25x64xf32, #tpu.memory_space<vmem>>) dst(%dma_wait3A_91 : memref<25x64xf32, #tpu.memory_space<hbm>>)
    %dma_wait3A_96 = arith.constant 0 : i32
    %dma_wait3A_97 = arith.constant 0 : i32
    %dma_wait3A_98 = arith.constant 25 : i32
    %dma_wait3A_99 = arith.constant 0 : i32
    %dma_wait3A_100 = tpu.memref_slice %arg6[%dma_wait3A_96, %dma_wait3A_98, %dma_wait3A_99] : memref<2x50x64xf32, #tpu.memory_space<vmem>> -> memref<1x25x64xf32, #tpu.memory_space<vmem>>
    %dma_wait3A_101 = tpu.memref_squeeze %dma_wait3A_100 : memref<1x25x64xf32, #tpu.memory_space<vmem>> -> memref<25x64xf32, #tpu.memory_space<vmem>>
    %dma_wait3A_102 = arith.constant 0 : i32
    %dma_wait3A_103 = arith.constant 64 : i32
    %dma_wait3A_104 = tpu.memref_slice %arg4[%dma_wait3A_102, %dma_wait3A_97, %dma_wait3A_103] : memref<25x4096x128xf32, #tpu.memory_space<hbm>> -> memref<25x1x64xf32, #tpu.memory_space<hbm>>
    %dma_wait3A_105 = tpu.memref_squeeze %dma_wait3A_104 : memref<25x1x64xf32, #tpu.memory_space<hbm>> -> memref<25x64xf32, #tpu.memory_space<hbm>>
    %dma_wait3A_106 = arith.constant 0 : i32
    %dma_wait3A_107 = arith.constant 64 : i32
    %dma_wait3A_108 = tpu.memref_slice %arg4[%dma_wait3A_106, %dma_wait3A_97, %dma_wait3A_107] : memref<25x4096x128xf32, #tpu.memory_space<hbm>> -> memref<25x1x64xf32, #tpu.memory_space<hbm>>
    %dma_wait3A_109 = tpu.memref_squeeze %dma_wait3A_108 : memref<25x1x64xf32, #tpu.memory_space<hbm>> -> memref<25x64xf32, #tpu.memory_space<hbm>>
    %dma_wait3A_110 = arith.constant 25 : i32
    %dma_wait3A_111 = arith.constant 0 : i32
    %dma_wait3A_112 = tpu.memref_slice %arg6[%dma_wait3A_96, %dma_wait3A_110, %dma_wait3A_111] : memref<2x50x64xf32, #tpu.memory_space<vmem>> -> memref<1x25x64xf32, #tpu.memory_space<vmem>>
    %dma_wait3A_113 = tpu.memref_squeeze %dma_wait3A_112 : memref<1x25x64xf32, #tpu.memory_space<vmem>> -> memref<25x64xf32, #tpu.memory_space<vmem>>
    tpu.wait_dma2 semaphore(%arg8 : memref<!tpu.dma_semaphore, #tpu.memory_space<semaphore_mem>>) src(%dma_wait3A_113 : memref<25x64xf32, #tpu.memory_space<vmem>>) dst(%dma_wait3A_109 : memref<25x64xf32, #tpu.memory_space<hbm>>)
    %dma_wait3A_114 = arith.constant 127 : i32
    %dma_wait3A_115 = arith.constant 1 : i32
    %dma_wait3A_116 = arith.constant 0 : i32
    %dma_wait3A_117 = arith.constant 0 : i32
    %dma_wait3A_118 = tpu.memref_slice %arg6[%dma_wait3A_115, %dma_wait3A_116, %dma_wait3A_117] : memref<2x50x64xf32, #tpu.memory_space<vmem>> -> memref<1x50x64xf32, #tpu.memory_space<vmem>>
    %dma_wait3A_119 = tpu.memref_squeeze %dma_wait3A_118 : memref<1x50x64xf32, #tpu.memory_space<vmem>> -> memref<50x64xf32, #tpu.memory_space<vmem>>
    %dma_wait3A_120 = arith.constant 0 : i32
    %dma_wait3A_121 = tpu.memref_slice %arg5[%dma_wait3A_114, %dma_wait3A_120] : memref<128x50xi32, #tpu.memory_space<vmem>> -> memref<1x50xi32, #tpu.memory_space<vmem>>
    %dma_wait3A_122 = tpu.memref_squeeze %dma_wait3A_121 : memref<1x50xi32, #tpu.memory_space<vmem>> -> memref<50xi32, #tpu.memory_space<vmem>>
    %dma_wait3A_123 = arith.constant 0 : i32
    %dma_wait3A_124 = arith.constant 0 : i32
    %dma_wait3A_125 = tpu.memref_slice %arg2[%dma_wait3A_123, %dma_wait3A_124] : memref<1007616x64xf32, #tpu.memory_space<hbm>> -> memref<1007616x64xf32, #tpu.memory_space<hbm>>
    tpu.wait_indirect_dma semaphore(%arg7 : memref<!tpu.dma_semaphore, #tpu.memory_space<semaphore_mem>>) src(%dma_wait3A_125 : memref<1007616x64xf32, #tpu.memory_space<hbm>>) dst(%dma_wait3A_119 : memref<50x64xf32, #tpu.memory_space<vmem>>)
    %add3A_126 = arith.constant 127 : i32
    %add3A_127 = arith.addi %mul3A_2, %add3A_126 : i32
    %dma_start3A_128 = arith.constant 1 : i32
    %dma_start3A_129 = arith.constant 0 : i32
    %dma_start3A_130 = arith.constant 0 : i32
    %dma_start3A_131 = tpu.memref_slice %arg6[%dma_start3A_128, %dma_start3A_129, %dma_start3A_130] : memref<2x50x64xf32, #tpu.memory_space<vmem>> -> memref<1x25x64xf32, #tpu.memory_space<vmem>>
    %dma_start3A_132 = tpu.memref_squeeze %dma_start3A_131 : memref<1x25x64xf32, #tpu.memory_space<vmem>> -> memref<25x64xf32, #tpu.memory_space<vmem>>
    %dma_start3A_133 = arith.constant 0 : i32
    %dma_start3A_134 = arith.constant 0 : i32
    %dma_start3A_135 = tpu.memref_slice %arg4[%dma_start3A_133, %add3A_127, %dma_start3A_134] : memref<25x4096x128xf32, #tpu.memory_space<hbm>> -> memref<25x1x64xf32, #tpu.memory_space<hbm>>
    %dma_start3A_136 = tpu.memref_squeeze %dma_start3A_135 : memref<25x1x64xf32, #tpu.memory_space<hbm>> -> memref<25x64xf32, #tpu.memory_space<hbm>>
    %dma_start3A_137 = arith.constant 0 : i32
    %dma_start3A_138 = arith.constant 0 : i32
    %dma_start3A_139 = tpu.memref_slice %arg4[%dma_start3A_137, %add3A_127, %dma_start3A_138] : memref<25x4096x128xf32, #tpu.memory_space<hbm>> -> memref<25x1x64xf32, #tpu.memory_space<hbm>>
    %dma_start3A_140 = tpu.memref_squeeze %dma_start3A_139 : memref<25x1x64xf32, #tpu.memory_space<hbm>> -> memref<25x64xf32, #tpu.memory_space<hbm>>
    %dma_start3A_141 = arith.constant 0 : i32
    %dma_start3A_142 = arith.constant 0 : i32
    %dma_start3A_143 = tpu.memref_slice %arg6[%dma_start3A_128, %dma_start3A_141, %dma_start3A_142] : memref<2x50x64xf32, #tpu.memory_space<vmem>> -> memref<1x25x64xf32, #tpu.memory_space<vmem>>
    %dma_start3A_144 = tpu.memref_squeeze %dma_start3A_143 : memref<1x25x64xf32, #tpu.memory_space<vmem>> -> memref<25x64xf32, #tpu.memory_space<vmem>>
    tpu.enqueue_dma source(%dma_start3A_144 : memref<25x64xf32, #tpu.memory_space<vmem>>) target(%dma_start3A_140 : memref<25x64xf32, #tpu.memory_space<hbm>>) target_semaphore(%arg8 : memref<!tpu.dma_semaphore, #tpu.memory_space<semaphore_mem>>)
    %dma_start3A_145 = arith.constant 1 : i32
    %dma_start3A_146 = arith.constant 25 : i32
    %dma_start3A_147 = arith.constant 0 : i32
    %dma_start3A_148 = tpu.memref_slice %arg6[%dma_start3A_145, %dma_start3A_146, %dma_start3A_147] : memref<2x50x64xf32, #tpu.memory_space<vmem>> -> memref<1x25x64xf32, #tpu.memory_space<vmem>>
    %dma_start3A_149 = tpu.memref_squeeze %dma_start3A_148 : memref<1x25x64xf32, #tpu.memory_space<vmem>> -> memref<25x64xf32, #tpu.memory_space<vmem>>
    %dma_start3A_150 = arith.constant 0 : i32
    %dma_start3A_151 = arith.constant 64 : i32
    %dma_start3A_152 = tpu.memref_slice %arg4[%dma_start3A_150, %add3A_127, %dma_start3A_151] : memref<25x4096x128xf32, #tpu.memory_space<hbm>> -> memref<25x1x64xf32, #tpu.memory_space<hbm>>
    %dma_start3A_153 = tpu.memref_squeeze %dma_start3A_152 : memref<25x1x64xf32, #tpu.memory_space<hbm>> -> memref<25x64xf32, #tpu.memory_space<hbm>>
    %dma_start3A_154 = arith.constant 0 : i32
    %dma_start3A_155 = arith.constant 64 : i32
    %dma_start3A_156 = tpu.memref_slice %arg4[%dma_start3A_154, %add3A_127, %dma_start3A_155] : memref<25x4096x128xf32, #tpu.memory_space<hbm>> -> memref<25x1x64xf32, #tpu.memory_space<hbm>>
    %dma_start3A_157 = tpu.memref_squeeze %dma_start3A_156 : memref<25x1x64xf32, #tpu.memory_space<hbm>> -> memref<25x64xf32, #tpu.memory_space<hbm>>
    %dma_start3A_158 = arith.constant 25 : i32
    %dma_start3A_159 = arith.constant 0 : i32
    %dma_start3A_160 = tpu.memref_slice %arg6[%dma_start3A_145, %dma_start3A_158, %dma_start3A_159] : memref<2x50x64xf32, #tpu.memory_space<vmem>> -> memref<1x25x64xf32, #tpu.memory_space<vmem>>
    %dma_start3A_161 = tpu.memref_squeeze %dma_start3A_160 : memref<1x25x64xf32, #tpu.memory_space<vmem>> -> memref<25x64xf32, #tpu.memory_space<vmem>>
    tpu.enqueue_dma source(%dma_start3A_161 : memref<25x64xf32, #tpu.memory_space<vmem>>) target(%dma_start3A_157 : memref<25x64xf32, #tpu.memory_space<hbm>>) target_semaphore(%arg8 : memref<!tpu.dma_semaphore, #tpu.memory_space<semaphore_mem>>)
    %dma_wait3A_162 = arith.constant 0 : i32
    %dma_wait3A_163 = arith.constant 0 : i32
    %dma_wait3A_164 = arith.constant 0 : i32
    %dma_wait3A_165 = arith.constant 0 : i32
    %dma_wait3A_166 = tpu.memref_slice %arg6[%dma_wait3A_162, %dma_wait3A_164, %dma_wait3A_165] : memref<2x50x64xf32, #tpu.memory_space<vmem>> -> memref<1x25x64xf32, #tpu.memory_space<vmem>>
    %dma_wait3A_167 = tpu.memref_squeeze %dma_wait3A_166 : memref<1x25x64xf32, #tpu.memory_space<vmem>> -> memref<25x64xf32, #tpu.memory_space<vmem>>
    %dma_wait3A_168 = arith.constant 0 : i32
    %dma_wait3A_169 = arith.constant 0 : i32
    %dma_wait3A_170 = tpu.memref_slice %arg4[%dma_wait3A_168, %dma_wait3A_163, %dma_wait3A_169] : memref<25x4096x128xf32, #tpu.memory_space<hbm>> -> memref<25x1x64xf32, #tpu.memory_space<hbm>>
    %dma_wait3A_171 = tpu.memref_squeeze %dma_wait3A_170 : memref<25x1x64xf32, #tpu.memory_space<hbm>> -> memref<25x64xf32, #tpu.memory_space<hbm>>
    %dma_wait3A_172 = arith.constant 0 : i32
    %dma_wait3A_173 = arith.constant 0 : i32
    %dma_wait3A_174 = tpu.memref_slice %arg4[%dma_wait3A_172, %dma_wait3A_163, %dma_wait3A_173] : memref<25x4096x128xf32, #tpu.memory_space<hbm>> -> memref<25x1x64xf32, #tpu.memory_space<hbm>>
    %dma_wait3A_175 = tpu.memref_squeeze %dma_wait3A_174 : memref<25x1x64xf32, #tpu.memory_space<hbm>> -> memref<25x64xf32, #tpu.memory_space<hbm>>
    %dma_wait3A_176 = arith.constant 0 : i32
    %dma_wait3A_177 = arith.constant 0 : i32
    %dma_wait3A_178 = tpu.memref_slice %arg6[%dma_wait3A_162, %dma_wait3A_176, %dma_wait3A_177] : memref<2x50x64xf32, #tpu.memory_space<vmem>> -> memref<1x25x64xf32, #tpu.memory_space<vmem>>
    %dma_wait3A_179 = tpu.memref_squeeze %dma_wait3A_178 : memref<1x25x64xf32, #tpu.memory_space<vmem>> -> memref<25x64xf32, #tpu.memory_space<vmem>>
    tpu.wait_dma2 semaphore(%arg8 : memref<!tpu.dma_semaphore, #tpu.memory_space<semaphore_mem>>) src(%dma_wait3A_179 : memref<25x64xf32, #tpu.memory_space<vmem>>) dst(%dma_wait3A_175 : memref<25x64xf32, #tpu.memory_space<hbm>>)
    %dma_wait3A_180 = arith.constant 0 : i32
    %dma_wait3A_181 = arith.constant 0 : i32
    %dma_wait3A_182 = arith.constant 25 : i32
    %dma_wait3A_183 = arith.constant 0 : i32
    %dma_wait3A_184 = tpu.memref_slice %arg6[%dma_wait3A_180, %dma_wait3A_182, %dma_wait3A_183] : memref<2x50x64xf32, #tpu.memory_space<vmem>> -> memref<1x25x64xf32, #tpu.memory_space<vmem>>
    %dma_wait3A_185 = tpu.memref_squeeze %dma_wait3A_184 : memref<1x25x64xf32, #tpu.memory_space<vmem>> -> memref<25x64xf32, #tpu.memory_space<vmem>>
    %dma_wait3A_186 = arith.constant 0 : i32
    %dma_wait3A_187 = arith.constant 64 : i32
    %dma_wait3A_188 = tpu.memref_slice %arg4[%dma_wait3A_186, %dma_wait3A_181, %dma_wait3A_187] : memref<25x4096x128xf32, #tpu.memory_space<hbm>> -> memref<25x1x64xf32, #tpu.memory_space<hbm>>
    %dma_wait3A_189 = tpu.memref_squeeze %dma_wait3A_188 : memref<25x1x64xf32, #tpu.memory_space<hbm>> -> memref<25x64xf32, #tpu.memory_space<hbm>>
    %dma_wait3A_190 = arith.constant 0 : i32
    %dma_wait3A_191 = arith.constant 64 : i32
    %dma_wait3A_192 = tpu.memref_slice %arg4[%dma_wait3A_190, %dma_wait3A_181, %dma_wait3A_191] : memref<25x4096x128xf32, #tpu.memory_space<hbm>> -> memref<25x1x64xf32, #tpu.memory_space<hbm>>
    %dma_wait3A_193 = tpu.memref_squeeze %dma_wait3A_192 : memref<25x1x64xf32, #tpu.memory_space<hbm>> -> memref<25x64xf32, #tpu.memory_space<hbm>>
    %dma_wait3A_194 = arith.constant 25 : i32
    %dma_wait3A_195 = arith.constant 0 : i32
    %dma_wait3A_196 = tpu.memref_slice %arg6[%dma_wait3A_180, %dma_wait3A_194, %dma_wait3A_195] : memref<2x50x64xf32, #tpu.memory_space<vmem>> -> memref<1x25x64xf32, #tpu.memory_space<vmem>>
    %dma_wait3A_197 = tpu.memref_squeeze %dma_wait3A_196 : memref<1x25x64xf32, #tpu.memory_space<vmem>> -> memref<25x64xf32, #tpu.memory_space<vmem>>
    tpu.wait_dma2 semaphore(%arg8 : memref<!tpu.dma_semaphore, #tpu.memory_space<semaphore_mem>>) src(%dma_wait3A_197 : memref<25x64xf32, #tpu.memory_space<vmem>>) dst(%dma_wait3A_193 : memref<25x64xf32, #tpu.memory_space<hbm>>)
    return
  }
}

#map = affine_map<(d0, d1) -> (0, 0)>
#map1 = affine_map<(d0, d1) -> (0, 0, 0)>
module attributes {stable_mosaic.version = 14 : i64} {
  func.func @k(%arg0: i32, %arg1: i32, %arg2: memref<1007616x64xf32, #tpu.memory_space<hbm>>, %arg3: memref<4096x50xi32, #tpu.memory_space<hbm>>, %arg4: memref<25x4096x128xf32, #tpu.memory_space<hbm>>, %arg5: memref<128x50xi32, #tpu.memory_space<vmem>>, %arg6: memref<2x50x64xf32, #tpu.memory_space<vmem>>, %arg7: memref<!tpu.dma_semaphore, #tpu.memory_space<semaphore_mem>>, %arg8: memref<!tpu.dma_semaphore, #tpu.memory_space<semaphore_mem>>) attributes {dimension_semantics = [#tpu.dimension_semantics<core_parallel>, #tpu.dimension_semantics<subcore_parallel>], iteration_bounds = array<i64: 2, 16>, scalar_prefetch = 0 : i64, scratch_operands = 4 : i64, tpu.core_type = #tpu.core_type<sc_vector_subcore>, window_params = [{transform_indices = #map}, {transform_indices = #map}, {transform_indices = #map1}]} {
    %mul3A = arith.constant 2 : i32
    %mul3A_0 = arith.muli %arg1, %mul3A : i32
    %add3A = arith.addi %mul3A_0, %arg0 : i32
    %mul3A_1 = arith.constant 128 : i32
    %mul3A_2 = arith.muli %add3A, %mul3A_1 : i32
    "tpu.region"() ({
      %run_scoped3A = tpu.sem_alloc : memref<!tpu.dma_semaphore, #tpu.memory_space<semaphore_mem>>
      %dma_start3A_198 = arith.constant 0 : i32
      %dma_start3A_199 = tpu.memref_slice %arg3[%mul3A_2, %dma_start3A_198] : memref<4096x50xi32, #tpu.memory_space<hbm>> -> memref<128x50xi32, #tpu.memory_space<hbm>>
      %dma_start3A_200 = arith.constant 0 : i32
      %dma_start3A_201 = tpu.memref_slice %arg3[%mul3A_2, %dma_start3A_200] : memref<4096x50xi32, #tpu.memory_space<hbm>> -> memref<128x50xi32, #tpu.memory_space<hbm>>
      tpu.enqueue_dma source(%dma_start3A_201 : memref<128x50xi32, #tpu.memory_space<hbm>>) target(%arg5 : memref<128x50xi32, #tpu.memory_space<vmem>>) target_semaphore(%run_scoped3A : memref<!tpu.dma_semaphore, #tpu.memory_space<semaphore_mem>>)
      %dma_wait3A_202 = arith.constant 0 : i32
      %dma_wait3A_203 = tpu.memref_slice %arg3[%mul3A_2, %dma_wait3A_202] : memref<4096x50xi32, #tpu.memory_space<hbm>> -> memref<128x50xi32, #tpu.memory_space<hbm>>
      %dma_wait3A_204 = arith.constant 0 : i32
      %dma_wait3A_205 = tpu.memref_slice %arg3[%mul3A_2, %dma_wait3A_204] : memref<4096x50xi32, #tpu.memory_space<hbm>> -> memref<128x50xi32, #tpu.memory_space<hbm>>
      tpu.wait_dma2 semaphore(%run_scoped3A : memref<!tpu.dma_semaphore, #tpu.memory_space<semaphore_mem>>) src(%dma_wait3A_205 : memref<128x50xi32, #tpu.memory_space<hbm>>) dst(%arg5 : memref<128x50xi32, #tpu.memory_space<vmem>>)
      tpu.yield
    }) : () -> ()
    %dma_start3A = arith.constant 0 : i32
    %dma_start3A_3 = arith.constant 0 : i32
    %dma_start3A_4 = arith.constant 0 : i32
    %dma_start3A_5 = arith.constant 0 : i32
    %dma_start3A_6 = tpu.memref_slice %arg6[%dma_start3A_3, %dma_start3A_4, %dma_start3A_5] : memref<2x50x64xf32, #tpu.memory_space<vmem>> -> memref<1x50x64xf32, #tpu.memory_space<vmem>>
    %dma_start3A_7 = tpu.memref_squeeze %dma_start3A_6 : memref<1x50x64xf32, #tpu.memory_space<vmem>> -> memref<50x64xf32, #tpu.memory_space<vmem>>
    %dma_start3A_8 = arith.constant 0 : i32
    %dma_start3A_9 = tpu.memref_slice %arg5[%dma_start3A, %dma_start3A_8] : memref<128x50xi32, #tpu.memory_space<vmem>> -> memref<1x50xi32, #tpu.memory_space<vmem>>
    %dma_start3A_10 = tpu.memref_squeeze %dma_start3A_9 : memref<1x50xi32, #tpu.memory_space<vmem>> -> memref<50xi32, #tpu.memory_space<vmem>>
    %dma_start3A_11 = arith.constant 0 : i32
    %dma_start3A_12 = arith.constant 0 : i32
    %dma_start3A_13 = tpu.memref_slice %arg2[%dma_start3A_11, %dma_start3A_12] : memref<1007616x64xf32, #tpu.memory_space<hbm>> -> memref<1007616x64xf32, #tpu.memory_space<hbm>>
    tpu.enqueue_indirect_dma source(%dma_start3A_13 : memref<1007616x64xf32, #tpu.memory_space<hbm>>) target(%dma_start3A_7 : memref<50x64xf32, #tpu.memory_space<vmem>>) offsets(%dma_start3A_10 : memref<50xi32, #tpu.memory_space<vmem>>) semaphore(%arg7 : memref<!tpu.dma_semaphore, #tpu.memory_space<semaphore_mem>>)
    %dma_wait3A = arith.constant 0 : i32
    %dma_wait3A_14 = arith.constant 0 : i32
    %dma_wait3A_15 = arith.constant 0 : i32
    %dma_wait3A_16 = arith.constant 0 : i32
    %dma_wait3A_17 = tpu.memref_slice %arg6[%dma_wait3A_14, %dma_wait3A_15, %dma_wait3A_16] : memref<2x50x64xf32, #tpu.memory_space<vmem>> -> memref<1x50x64xf32, #tpu.memory_space<vmem>>
    %dma_wait3A_18 = tpu.memref_squeeze %dma_wait3A_17 : memref<1x50x64xf32, #tpu.memory_space<vmem>> -> memref<50x64xf32, #tpu.memory_space<vmem>>
    %dma_wait3A_19 = arith.constant 0 : i32
    %dma_wait3A_20 = tpu.memref_slice %arg5[%dma_wait3A, %dma_wait3A_19] : memref<128x50xi32, #tpu.memory_space<vmem>> -> memref<1x50xi32, #tpu.memory_space<vmem>>
    %dma_wait3A_21 = tpu.memref_squeeze %dma_wait3A_20 : memref<1x50xi32, #tpu.memory_space<vmem>> -> memref<50xi32, #tpu.memory_space<vmem>>
    %dma_wait3A_22 = arith.constant 0 : i32
    %dma_wait3A_23 = arith.constant 0 : i32
    %dma_wait3A_24 = tpu.memref_slice %arg2[%dma_wait3A_22, %dma_wait3A_23] : memref<1007616x64xf32, #tpu.memory_space<hbm>> -> memref<1007616x64xf32, #tpu.memory_space<hbm>>
    tpu.wait_indirect_dma semaphore(%arg7 : memref<!tpu.dma_semaphore, #tpu.memory_space<semaphore_mem>>) src(%dma_wait3A_24 : memref<1007616x64xf32, #tpu.memory_space<hbm>>) dst(%dma_wait3A_18 : memref<50x64xf32, #tpu.memory_space<vmem>>)
    %dma_start3A_25 = arith.constant 1 : i32
    %dma_start3A_26 = arith.constant 1 : i32
    %dma_start3A_27 = arith.constant 0 : i32
    %dma_start3A_28 = arith.constant 0 : i32
    %dma_start3A_29 = tpu.memref_slice %arg6[%dma_start3A_26, %dma_start3A_27, %dma_start3A_28] : memref<2x50x64xf32, #tpu.memory_space<vmem>> -> memref<1x50x64xf32, #tpu.memory_space<vmem>>
    %dma_start3A_30 = tpu.memref_squeeze %dma_start3A_29 : memref<1x50x64xf32, #tpu.memory_space<vmem>> -> memref<50x64xf32, #tpu.memory_space<vmem>>
    %dma_start3A_31 = arith.constant 0 : i32
    %dma_start3A_32 = tpu.memref_slice %arg5[%dma_start3A_25, %dma_start3A_31] : memref<128x50xi32, #tpu.memory_space<vmem>> -> memref<1x50xi32, #tpu.memory_space<vmem>>
    %dma_start3A_33 = tpu.memref_squeeze %dma_start3A_32 : memref<1x50xi32, #tpu.memory_space<vmem>> -> memref<50xi32, #tpu.memory_space<vmem>>
    %dma_start3A_34 = arith.constant 0 : i32
    %dma_start3A_35 = arith.constant 0 : i32
    %dma_start3A_36 = tpu.memref_slice %arg2[%dma_start3A_34, %dma_start3A_35] : memref<1007616x64xf32, #tpu.memory_space<hbm>> -> memref<1007616x64xf32, #tpu.memory_space<hbm>>
    tpu.enqueue_indirect_dma source(%dma_start3A_36 : memref<1007616x64xf32, #tpu.memory_space<hbm>>) target(%dma_start3A_30 : memref<50x64xf32, #tpu.memory_space<vmem>>) offsets(%dma_start3A_33 : memref<50xi32, #tpu.memory_space<vmem>>) semaphore(%arg7 : memref<!tpu.dma_semaphore, #tpu.memory_space<semaphore_mem>>)
    %add3A_37 = arith.constant 0 : i32
    %add3A_38 = arith.addi %mul3A_2, %add3A_37 : i32
    %dma_start3A_39 = arith.constant 0 : i32
    %dma_start3A_40 = arith.constant 0 : i32
    %dma_start3A_41 = arith.constant 0 : i32
    %dma_start3A_42 = tpu.memref_slice %arg6[%dma_start3A_39, %dma_start3A_40, %dma_start3A_41] : memref<2x50x64xf32, #tpu.memory_space<vmem>> -> memref<1x25x64xf32, #tpu.memory_space<vmem>>
    %dma_start3A_43 = tpu.memref_squeeze %dma_start3A_42 : memref<1x25x64xf32, #tpu.memory_space<vmem>> -> memref<25x64xf32, #tpu.memory_space<vmem>>
    %dma_start3A_44 = arith.constant 0 : i32
    %dma_start3A_45 = arith.constant 0 : i32
    %dma_start3A_46 = tpu.memref_slice %arg4[%dma_start3A_44, %add3A_38, %dma_start3A_45] : memref<25x4096x128xf32, #tpu.memory_space<hbm>> -> memref<25x1x64xf32, #tpu.memory_space<hbm>>
    %dma_start3A_47 = tpu.memref_squeeze %dma_start3A_46 : memref<25x1x64xf32, #tpu.memory_space<hbm>> -> memref<25x64xf32, #tpu.memory_space<hbm>>
    %dma_start3A_48 = arith.constant 0 : i32
    %dma_start3A_49 = arith.constant 0 : i32
    %dma_start3A_50 = tpu.memref_slice %arg4[%dma_start3A_48, %add3A_38, %dma_start3A_49] : memref<25x4096x128xf32, #tpu.memory_space<hbm>> -> memref<25x1x64xf32, #tpu.memory_space<hbm>>
    %dma_start3A_51 = tpu.memref_squeeze %dma_start3A_50 : memref<25x1x64xf32, #tpu.memory_space<hbm>> -> memref<25x64xf32, #tpu.memory_space<hbm>>
    %dma_start3A_52 = arith.constant 0 : i32
    %dma_start3A_53 = arith.constant 0 : i32
    %dma_start3A_54 = tpu.memref_slice %arg6[%dma_start3A_39, %dma_start3A_52, %dma_start3A_53] : memref<2x50x64xf32, #tpu.memory_space<vmem>> -> memref<1x25x64xf32, #tpu.memory_space<vmem>>
    %dma_start3A_55 = tpu.memref_squeeze %dma_start3A_54 : memref<1x25x64xf32, #tpu.memory_space<vmem>> -> memref<25x64xf32, #tpu.memory_space<vmem>>
    tpu.enqueue_dma source(%dma_start3A_55 : memref<25x64xf32, #tpu.memory_space<vmem>>) target(%dma_start3A_51 : memref<25x64xf32, #tpu.memory_space<hbm>>) target_semaphore(%arg8 : memref<!tpu.dma_semaphore, #tpu.memory_space<semaphore_mem>>)
    %dma_start3A_56 = arith.constant 0 : i32
    %dma_start3A_57 = arith.constant 25 : i32
    %dma_start3A_58 = arith.constant 0 : i32
    %dma_start3A_59 = tpu.memref_slice %arg6[%dma_start3A_56, %dma_start3A_57, %dma_start3A_58] : memref<2x50x64xf32, #tpu.memory_space<vmem>> -> memref<1x25x64xf32, #tpu.memory_space<vmem>>
    %dma_start3A_60 = tpu.memref_squeeze %dma_start3A_59 : memref<1x25x64xf32, #tpu.memory_space<vmem>> -> memref<25x64xf32, #tpu.memory_space<vmem>>
    %dma_start3A_61 = arith.constant 0 : i32
    %dma_start3A_62 = arith.constant 64 : i32
    %dma_start3A_63 = tpu.memref_slice %arg4[%dma_start3A_61, %add3A_38, %dma_start3A_62] : memref<25x4096x128xf32, #tpu.memory_space<hbm>> -> memref<25x1x64xf32, #tpu.memory_space<hbm>>
    %dma_start3A_64 = tpu.memref_squeeze %dma_start3A_63 : memref<25x1x64xf32, #tpu.memory_space<hbm>> -> memref<25x64xf32, #tpu.memory_space<hbm>>
    %dma_start3A_65 = arith.constant 0 : i32
    %dma_start3A_66 = arith.constant 64 : i32
    %dma_start3A_67 = tpu.memref_slice %arg4[%dma_start3A_65, %add3A_38, %dma_start3A_66] : memref<25x4096x128xf32, #tpu.memory_space<hbm>> -> memref<25x1x64xf32, #tpu.memory_space<hbm>>
    %dma_start3A_68 = tpu.memref_squeeze %dma_start3A_67 : memref<25x1x64xf32, #tpu.memory_space<hbm>> -> memref<25x64xf32, #tpu.memory_space<hbm>>
    %dma_start3A_69 = arith.constant 25 : i32
    %dma_start3A_70 = arith.constant 0 : i32
    %dma_start3A_71 = tpu.memref_slice %arg6[%dma_start3A_56, %dma_start3A_69, %dma_start3A_70] : memref<2x50x64xf32, #tpu.memory_space<vmem>> -> memref<1x25x64xf32, #tpu.memory_space<vmem>>
    %dma_start3A_72 = tpu.memref_squeeze %dma_start3A_71 : memref<1x25x64xf32, #tpu.memory_space<vmem>> -> memref<25x64xf32, #tpu.memory_space<vmem>>
    tpu.enqueue_dma source(%dma_start3A_72 : memref<25x64xf32, #tpu.memory_space<vmem>>) target(%dma_start3A_68 : memref<25x64xf32, #tpu.memory_space<hbm>>) target_semaphore(%arg8 : memref<!tpu.dma_semaphore, #tpu.memory_space<semaphore_mem>>)
    %scan3A = arith.constant 0 : i32
    %scan3A_73 = arith.constant 1 : i32
    %scan3A_74 = arith.constant 126 : i32
    %scan3A_75 = arith.addi %scan3A_73, %scan3A_74 : i32
    %scan3A_76 = arith.constant 1 : i32
    scf.for %scan3A_198 = %scan3A_73 to %scan3A_75 step %scan3A_76  : i32 {
      %dma_wait3A_199 = arith.constant 0 : i32
      %dma_wait3A_200 = arith.constant 0 : i32
      %dma_wait3A_201 = arith.constant 0 : i32
      %dma_wait3A_202 = arith.constant 0 : i32
      %dma_wait3A_203 = tpu.memref_slice %arg6[%dma_wait3A_199, %dma_wait3A_201, %dma_wait3A_202] : memref<2x50x64xf32, #tpu.memory_space<vmem>> -> memref<1x25x64xf32, #tpu.memory_space<vmem>>
      %dma_wait3A_204 = tpu.memref_squeeze %dma_wait3A_203 : memref<1x25x64xf32, #tpu.memory_space<vmem>> -> memref<25x64xf32, #tpu.memory_space<vmem>>
      %dma_wait3A_205 = arith.constant 0 : i32
      %dma_wait3A_206 = arith.constant 0 : i32
      %dma_wait3A_207 = tpu.memref_slice %arg4[%dma_wait3A_205, %dma_wait3A_200, %dma_wait3A_206] : memref<25x4096x128xf32, #tpu.memory_space<hbm>> -> memref<25x1x64xf32, #tpu.memory_space<hbm>>
      %dma_wait3A_208 = tpu.memref_squeeze %dma_wait3A_207 : memref<25x1x64xf32, #tpu.memory_space<hbm>> -> memref<25x64xf32, #tpu.memory_space<hbm>>
      %dma_wait3A_209 = arith.constant 0 : i32
      %dma_wait3A_210 = arith.constant 0 : i32
      %dma_wait3A_211 = tpu.memref_slice %arg4[%dma_wait3A_209, %dma_wait3A_200, %dma_wait3A_210] : memref<25x4096x128xf32, #tpu.memory_space<hbm>> -> memref<25x1x64xf32, #tpu.memory_space<hbm>>
      %dma_wait3A_212 = tpu.memref_squeeze %dma_wait3A_211 : memref<25x1x64xf32, #tpu.memory_space<hbm>> -> memref<25x64xf32, #tpu.memory_space<hbm>>
      %dma_wait3A_213 = arith.constant 0 : i32
      %dma_wait3A_214 = arith.constant 0 : i32
      %dma_wait3A_215 = tpu.memref_slice %arg6[%dma_wait3A_199, %dma_wait3A_213, %dma_wait3A_214] : memref<2x50x64xf32, #tpu.memory_space<vmem>> -> memref<1x25x64xf32, #tpu.memory_space<vmem>>
      %dma_wait3A_216 = tpu.memref_squeeze %dma_wait3A_215 : memref<1x25x64xf32, #tpu.memory_space<vmem>> -> memref<25x64xf32, #tpu.memory_space<vmem>>
      tpu.wait_dma2 semaphore(%arg8 : memref<!tpu.dma_semaphore, #tpu.memory_space<semaphore_mem>>) src(%dma_wait3A_216 : memref<25x64xf32, #tpu.memory_space<vmem>>) dst(%dma_wait3A_212 : memref<25x64xf32, #tpu.memory_space<hbm>>)
      %dma_wait3A_217 = arith.constant 0 : i32
      %dma_wait3A_218 = arith.constant 0 : i32
      %dma_wait3A_219 = arith.constant 25 : i32
      %dma_wait3A_220 = arith.constant 0 : i32
      %dma_wait3A_221 = tpu.memref_slice %arg6[%dma_wait3A_217, %dma_wait3A_219, %dma_wait3A_220] : memref<2x50x64xf32, #tpu.memory_space<vmem>> -> memref<1x25x64xf32, #tpu.memory_space<vmem>>
      %dma_wait3A_222 = tpu.memref_squeeze %dma_wait3A_221 : memref<1x25x64xf32, #tpu.memory_space<vmem>> -> memref<25x64xf32, #tpu.memory_space<vmem>>
      %dma_wait3A_223 = arith.constant 0 : i32
      %dma_wait3A_224 = arith.constant 64 : i32
      %dma_wait3A_225 = tpu.memref_slice %arg4[%dma_wait3A_223, %dma_wait3A_218, %dma_wait3A_224] : memref<25x4096x128xf32, #tpu.memory_space<hbm>> -> memref<25x1x64xf32, #tpu.memory_space<hbm>>
      %dma_wait3A_226 = tpu.memref_squeeze %dma_wait3A_225 : memref<25x1x64xf32, #tpu.memory_space<hbm>> -> memref<25x64xf32, #tpu.memory_space<hbm>>
      %dma_wait3A_227 = arith.constant 0 : i32
      %dma_wait3A_228 = arith.constant 64 : i32
      %dma_wait3A_229 = tpu.memref_slice %arg4[%dma_wait3A_227, %dma_wait3A_218, %dma_wait3A_228] : memref<25x4096x128xf32, #tpu.memory_space<hbm>> -> memref<25x1x64xf32, #tpu.memory_space<hbm>>
      %dma_wait3A_230 = tpu.memref_squeeze %dma_wait3A_229 : memref<25x1x64xf32, #tpu.memory_space<hbm>> -> memref<25x64xf32, #tpu.memory_space<hbm>>
      %dma_wait3A_231 = arith.constant 25 : i32
      %dma_wait3A_232 = arith.constant 0 : i32
      %dma_wait3A_233 = tpu.memref_slice %arg6[%dma_wait3A_217, %dma_wait3A_231, %dma_wait3A_232] : memref<2x50x64xf32, #tpu.memory_space<vmem>> -> memref<1x25x64xf32, #tpu.memory_space<vmem>>
      %dma_wait3A_234 = tpu.memref_squeeze %dma_wait3A_233 : memref<1x25x64xf32, #tpu.memory_space<vmem>> -> memref<25x64xf32, #tpu.memory_space<vmem>>
      tpu.wait_dma2 semaphore(%arg8 : memref<!tpu.dma_semaphore, #tpu.memory_space<semaphore_mem>>) src(%dma_wait3A_234 : memref<25x64xf32, #tpu.memory_space<vmem>>) dst(%dma_wait3A_230 : memref<25x64xf32, #tpu.memory_space<hbm>>)
      %add3A_235 = arith.constant 1 : i32
      %add3A_236 = arith.addi %scan3A_198, %add3A_235 : i32
      %add3A_237 = arith.constant 1 : i32
      %add3A_238 = arith.addi %scan3A_198, %add3A_237 : i32
      %jit3A = arith.constant 2 : i32
      %eq3A = arith.constant 0 : i32
      %eq3A_239 = arith.cmpi eq, %jit3A, %eq3A : i32
      %jit3A_240 = arith.constant 1 : i32
      %select_n3A = arith.select %eq3A_239, %jit3A_240, %jit3A : i32
      %rem3A = arith.remsi %add3A_238, %select_n3A : i32
      %ne3A = arith.constant 0 : i32
      %ne3A_241 = arith.cmpi ne, %rem3A, %ne3A : i32
      %lt3A = arith.constant 0 : i32
      %lt3A_242 = arith.cmpi slt, %rem3A, %lt3A : i32
      %lt3A_243 = arith.constant 0 : i32
      %lt3A_244 = arith.cmpi slt, %select_n3A, %lt3A_243 : i32
      %ne3A_245 = arith.xori %lt3A_242, %lt3A_244 : i1
      %and3A = arith.andi %ne3A_245, %ne3A_241 : i1
      %add3A_246 = arith.addi %rem3A, %select_n3A : i32
      %select_n3A_247 = arith.select %and3A, %add3A_246, %rem3A : i32
      %dma_start3A_248 = arith.constant 0 : i32
      %dma_start3A_249 = arith.constant 0 : i32
      %dma_start3A_250 = tpu.memref_slice %arg6[%select_n3A_247, %dma_start3A_248, %dma_start3A_249] : memref<2x50x64xf32, #tpu.memory_space<vmem>> -> memref<1x50x64xf32, #tpu.memory_space<vmem>>
      %dma_start3A_251 = tpu.memref_squeeze %dma_start3A_250 : memref<1x50x64xf32, #tpu.memory_space<vmem>> -> memref<50x64xf32, #tpu.memory_space<vmem>>
      %dma_start3A_252 = arith.constant 0 : i32
      %dma_start3A_253 = tpu.memref_slice %arg5[%add3A_236, %dma_start3A_252] : memref<128x50xi32, #tpu.memory_space<vmem>> -> memref<1x50xi32, #tpu.memory_space<vmem>>
      %dma_start3A_254 = tpu.memref_squeeze %dma_start3A_253 : memref<1x50xi32, #tpu.memory_space<vmem>> -> memref<50xi32, #tpu.memory_space<vmem>>
      %dma_start3A_255 = arith.constant 0 : i32
      %dma_start3A_256 = arith.constant 0 : i32
      %dma_start3A_257 = tpu.memref_slice %arg2[%dma_start3A_255, %dma_start3A_256] : memref<1007616x64xf32, #tpu.memory_space<hbm>> -> memref<1007616x64xf32, #tpu.memory_space<hbm>>
      tpu.enqueue_indirect_dma source(%dma_start3A_257 : memref<1007616x64xf32, #tpu.memory_space<hbm>>) target(%dma_start3A_251 : memref<50x64xf32, #tpu.memory_space<vmem>>) offsets(%dma_start3A_254 : memref<50xi32, #tpu.memory_space<vmem>>) semaphore(%arg7 : memref<!tpu.dma_semaphore, #tpu.memory_space<semaphore_mem>>)
      %jit3A_258 = arith.constant 2 : i32
      %eq3A_259 = arith.constant 0 : i32
      %eq3A_260 = arith.cmpi eq, %jit3A_258, %eq3A_259 : i32
      %jit3A_261 = arith.constant 1 : i32
      %select_n3A_262 = arith.select %eq3A_260, %jit3A_261, %jit3A_258 : i32
      %rem3A_263 = arith.remsi %scan3A_198, %select_n3A_262 : i32
      %ne3A_264 = arith.constant 0 : i32
      %ne3A_265 = arith.cmpi ne, %rem3A_263, %ne3A_264 : i32
      %lt3A_266 = arith.constant 0 : i32
      %lt3A_267 = arith.cmpi slt, %rem3A_263, %lt3A_266 : i32
      %lt3A_268 = arith.constant 0 : i32
      %lt3A_269 = arith.cmpi slt, %select_n3A_262, %lt3A_268 : i32
      %ne3A_270 = arith.xori %lt3A_267, %lt3A_269 : i1
      %and3A_271 = arith.andi %ne3A_270, %ne3A_265 : i1
      %add3A_272 = arith.addi %rem3A_263, %select_n3A_262 : i32
      %select_n3A_273 = arith.select %and3A_271, %add3A_272, %rem3A_263 : i32
      %dma_wait3A_274 = arith.constant 0 : i32
      %dma_wait3A_275 = arith.constant 0 : i32
      %dma_wait3A_276 = tpu.memref_slice %arg6[%select_n3A_273, %dma_wait3A_274, %dma_wait3A_275] : memref<2x50x64xf32, #tpu.memory_space<vmem>> -> memref<1x50x64xf32, #tpu.memory_space<vmem>>
      %dma_wait3A_277 = tpu.memref_squeeze %dma_wait3A_276 : memref<1x50x64xf32, #tpu.memory_space<vmem>> -> memref<50x64xf32, #tpu.memory_space<vmem>>
      %dma_wait3A_278 = arith.constant 0 : i32
      %dma_wait3A_279 = tpu.memref_slice %arg5[%scan3A_198, %dma_wait3A_278] : memref<128x50xi32, #tpu.memory_space<vmem>> -> memref<1x50xi32, #tpu.memory_space<vmem>>
      %dma_wait3A_280 = tpu.memref_squeeze %dma_wait3A_279 : memref<1x50xi32, #tpu.memory_space<vmem>> -> memref<50xi32, #tpu.memory_space<vmem>>
      %dma_wait3A_281 = arith.constant 0 : i32
      %dma_wait3A_282 = arith.constant 0 : i32
      %dma_wait3A_283 = tpu.memref_slice %arg2[%dma_wait3A_281, %dma_wait3A_282] : memref<1007616x64xf32, #tpu.memory_space<hbm>> -> memref<1007616x64xf32, #tpu.memory_space<hbm>>
      tpu.wait_indirect_dma semaphore(%arg7 : memref<!tpu.dma_semaphore, #tpu.memory_space<semaphore_mem>>) src(%dma_wait3A_283 : memref<1007616x64xf32, #tpu.memory_space<hbm>>) dst(%dma_wait3A_277 : memref<50x64xf32, #tpu.memory_space<vmem>>)
      %jit3A_284 = arith.constant 2 : i32
      %eq3A_285 = arith.constant 0 : i32
      %eq3A_286 = arith.cmpi eq, %jit3A_284, %eq3A_285 : i32
      %jit3A_287 = arith.constant 1 : i32
      %select_n3A_288 = arith.select %eq3A_286, %jit3A_287, %jit3A_284 : i32
      %rem3A_289 = arith.remsi %scan3A_198, %select_n3A_288 : i32
      %ne3A_290 = arith.constant 0 : i32
      %ne3A_291 = arith.cmpi ne, %rem3A_289, %ne3A_290 : i32
      %lt3A_292 = arith.constant 0 : i32
      %lt3A_293 = arith.cmpi slt, %rem3A_289, %lt3A_292 : i32
      %lt3A_294 = arith.constant 0 : i32
      %lt3A_295 = arith.cmpi slt, %select_n3A_288, %lt3A_294 : i32
      %ne3A_296 = arith.xori %lt3A_293, %lt3A_295 : i1
      %and3A_297 = arith.andi %ne3A_296, %ne3A_291 : i1
      %add3A_298 = arith.addi %rem3A_289, %select_n3A_288 : i32
      %select_n3A_299 = arith.select %and3A_297, %add3A_298, %rem3A_289 : i32
      %add3A_300 = arith.addi %mul3A_2, %scan3A_198 : i32
      %dma_start3A_301 = arith.constant 0 : i32
      %dma_start3A_302 = arith.constant 0 : i32
      %dma_start3A_303 = tpu.memref_slice %arg6[%select_n3A_299, %dma_start3A_301, %dma_start3A_302] : memref<2x50x64xf32, #tpu.memory_space<vmem>> -> memref<1x25x64xf32, #tpu.memory_space<vmem>>
      %dma_start3A_304 = tpu.memref_squeeze %dma_start3A_303 : memref<1x25x64xf32, #tpu.memory_space<vmem>> -> memref<25x64xf32, #tpu.memory_space<vmem>>
      %dma_start3A_305 = arith.constant 0 : i32
      %dma_start3A_306 = arith.constant 0 : i32
      %dma_start3A_307 = tpu.memref_slice %arg4[%dma_start3A_305, %add3A_300, %dma_start3A_306] : memref<25x4096x128xf32, #tpu.memory_space<hbm>> -> memref<25x1x64xf32, #tpu.memory_space<hbm>>
      %dma_start3A_308 = tpu.memref_squeeze %dma_start3A_307 : memref<25x1x64xf32, #tpu.memory_space<hbm>> -> memref<25x64xf32, #tpu.memory_space<hbm>>
      %dma_start3A_309 = arith.constant 0 : i32
      %dma_start3A_310 = arith.constant 0 : i32
      %dma_start3A_311 = tpu.memref_slice %arg4[%dma_start3A_309, %add3A_300, %dma_start3A_310] : memref<25x4096x128xf32, #tpu.memory_space<hbm>> -> memref<25x1x64xf32, #tpu.memory_space<hbm>>
      %dma_start3A_312 = tpu.memref_squeeze %dma_start3A_311 : memref<25x1x64xf32, #tpu.memory_space<hbm>> -> memref<25x64xf32, #tpu.memory_space<hbm>>
      %dma_start3A_313 = arith.constant 0 : i32
      %dma_start3A_314 = arith.constant 0 : i32
      %dma_start3A_315 = tpu.memref_slice %arg6[%select_n3A_299, %dma_start3A_313, %dma_start3A_314] : memref<2x50x64xf32, #tpu.memory_space<vmem>> -> memref<1x25x64xf32, #tpu.memory_space<vmem>>
      %dma_start3A_316 = tpu.memref_squeeze %dma_start3A_315 : memref<1x25x64xf32, #tpu.memory_space<vmem>> -> memref<25x64xf32, #tpu.memory_space<vmem>>
      tpu.enqueue_dma source(%dma_start3A_316 : memref<25x64xf32, #tpu.memory_space<vmem>>) target(%dma_start3A_312 : memref<25x64xf32, #tpu.memory_space<hbm>>) target_semaphore(%arg8 : memref<!tpu.dma_semaphore, #tpu.memory_space<semaphore_mem>>)
      %dma_start3A_317 = arith.constant 25 : i32
      %dma_start3A_318 = arith.constant 0 : i32
      %dma_start3A_319 = tpu.memref_slice %arg6[%select_n3A_299, %dma_start3A_317, %dma_start3A_318] : memref<2x50x64xf32, #tpu.memory_space<vmem>> -> memref<1x25x64xf32, #tpu.memory_space<vmem>>
      %dma_start3A_320 = tpu.memref_squeeze %dma_start3A_319 : memref<1x25x64xf32, #tpu.memory_space<vmem>> -> memref<25x64xf32, #tpu.memory_space<vmem>>
      %dma_start3A_321 = arith.constant 0 : i32
      %dma_start3A_322 = arith.constant 64 : i32
      %dma_start3A_323 = tpu.memref_slice %arg4[%dma_start3A_321, %add3A_300, %dma_start3A_322] : memref<25x4096x128xf32, #tpu.memory_space<hbm>> -> memref<25x1x64xf32, #tpu.memory_space<hbm>>
      %dma_start3A_324 = tpu.memref_squeeze %dma_start3A_323 : memref<25x1x64xf32, #tpu.memory_space<hbm>> -> memref<25x64xf32, #tpu.memory_space<hbm>>
      %dma_start3A_325 = arith.constant 0 : i32
      %dma_start3A_326 = arith.constant 64 : i32
      %dma_start3A_327 = tpu.memref_slice %arg4[%dma_start3A_325, %add3A_300, %dma_start3A_326] : memref<25x4096x128xf32, #tpu.memory_space<hbm>> -> memref<25x1x64xf32, #tpu.memory_space<hbm>>
      %dma_start3A_328 = tpu.memref_squeeze %dma_start3A_327 : memref<25x1x64xf32, #tpu.memory_space<hbm>> -> memref<25x64xf32, #tpu.memory_space<hbm>>
      %dma_start3A_329 = arith.constant 25 : i32
      %dma_start3A_330 = arith.constant 0 : i32
      %dma_start3A_331 = tpu.memref_slice %arg6[%select_n3A_299, %dma_start3A_329, %dma_start3A_330] : memref<2x50x64xf32, #tpu.memory_space<vmem>> -> memref<1x25x64xf32, #tpu.memory_space<vmem>>
      %dma_start3A_332 = tpu.memref_squeeze %dma_start3A_331 : memref<1x25x64xf32, #tpu.memory_space<vmem>> -> memref<25x64xf32, #tpu.memory_space<vmem>>
      tpu.enqueue_dma source(%dma_start3A_332 : memref<25x64xf32, #tpu.memory_space<vmem>>) target(%dma_start3A_328 : memref<25x64xf32, #tpu.memory_space<hbm>>) target_semaphore(%arg8 : memref<!tpu.dma_semaphore, #tpu.memory_space<semaphore_mem>>)
    }
    %scan3A_77 = arith.constant 126 : i32
    %dma_wait3A_78 = arith.constant 0 : i32
    %dma_wait3A_79 = arith.constant 0 : i32
    %dma_wait3A_80 = arith.constant 0 : i32
    %dma_wait3A_81 = arith.constant 0 : i32
    %dma_wait3A_82 = tpu.memref_slice %arg6[%dma_wait3A_78, %dma_wait3A_80, %dma_wait3A_81] : memref<2x50x64xf32, #tpu.memory_space<vmem>> -> memref<1x25x64xf32, #tpu.memory_space<vmem>>
    %dma_wait3A_83 = tpu.memref_squeeze %dma_wait3A_82 : memref<1x25x64xf32, #tpu.memory_space<vmem>> -> memref<25x64xf32, #tpu.memory_space<vmem>>
    %dma_wait3A_84 = arith.constant 0 : i32
    %dma_wait3A_85 = arith.constant 0 : i32
    %dma_wait3A_86 = tpu.memref_slice %arg4[%dma_wait3A_84, %dma_wait3A_79, %dma_wait3A_85] : memref<25x4096x128xf32, #tpu.memory_space<hbm>> -> memref<25x1x64xf32, #tpu.memory_space<hbm>>
    %dma_wait3A_87 = tpu.memref_squeeze %dma_wait3A_86 : memref<25x1x64xf32, #tpu.memory_space<hbm>> -> memref<25x64xf32, #tpu.memory_space<hbm>>
    %dma_wait3A_88 = arith.constant 0 : i32
    %dma_wait3A_89 = arith.constant 0 : i32
    %dma_wait3A_90 = tpu.memref_slice %arg4[%dma_wait3A_88, %dma_wait3A_79, %dma_wait3A_89] : memref<25x4096x128xf32, #tpu.memory_space<hbm>> -> memref<25x1x64xf32, #tpu.memory_space<hbm>>
    %dma_wait3A_91 = tpu.memref_squeeze %dma_wait3A_90 : memref<25x1x64xf32, #tpu.memory_space<hbm>> -> memref<25x64xf32, #tpu.memory_space<hbm>>
    %dma_wait3A_92 = arith.constant 0 : i32
    %dma_wait3A_93 = arith.constant 0 : i32
    %dma_wait3A_94 = tpu.memref_slice %arg6[%dma_wait3A_78, %dma_wait3A_92, %dma_wait3A_93] : memref<2x50x64xf32, #tpu.memory_space<vmem>> -> memref<1x25x64xf32, #tpu.memory_space<vmem>>
    %dma_wait3A_95 = tpu.memref_squeeze %dma_wait3A_94 : memref<1x25x64xf32, #tpu.memory_space<vmem>> -> memref<25x64xf32, #tpu.memory_space<vmem>>
    tpu.wait_dma2 semaphore(%arg8 : memref<!tpu.dma_semaphore, #tpu.memory_space<semaphore_mem>>) src(%dma_wait3A_95 : memref<25x64xf32, #tpu.memory_space<vmem>>) dst(%dma_wait3A_91 : memref<25x64xf32, #tpu.memory_space<hbm>>)
    %dma_wait3A_96 = arith.constant 0 : i32
    %dma_wait3A_97 = arith.constant 0 : i32
    %dma_wait3A_98 = arith.constant 25 : i32
    %dma_wait3A_99 = arith.constant 0 : i32
    %dma_wait3A_100 = tpu.memref_slice %arg6[%dma_wait3A_96, %dma_wait3A_98, %dma_wait3A_99] : memref<2x50x64xf32, #tpu.memory_space<vmem>> -> memref<1x25x64xf32, #tpu.memory_space<vmem>>
    %dma_wait3A_101 = tpu.memref_squeeze %dma_wait3A_100 : memref<1x25x64xf32, #tpu.memory_space<vmem>> -> memref<25x64xf32, #tpu.memory_space<vmem>>
    %dma_wait3A_102 = arith.constant 0 : i32
    %dma_wait3A_103 = arith.constant 64 : i32
    %dma_wait3A_104 = tpu.memref_slice %arg4[%dma_wait3A_102, %dma_wait3A_97, %dma_wait3A_103] : memref<25x4096x128xf32, #tpu.memory_space<hbm>> -> memref<25x1x64xf32, #tpu.memory_space<hbm>>
    %dma_wait3A_105 = tpu.memref_squeeze %dma_wait3A_104 : memref<25x1x64xf32, #tpu.memory_space<hbm>> -> memref<25x64xf32, #tpu.memory_space<hbm>>
    %dma_wait3A_106 = arith.constant 0 : i32
    %dma_wait3A_107 = arith.constant 64 : i32
    %dma_wait3A_108 = tpu.memref_slice %arg4[%dma_wait3A_106, %dma_wait3A_97, %dma_wait3A_107] : memref<25x4096x128xf32, #tpu.memory_space<hbm>> -> memref<25x1x64xf32, #tpu.memory_space<hbm>>
    %dma_wait3A_109 = tpu.memref_squeeze %dma_wait3A_108 : memref<25x1x64xf32, #tpu.memory_space<hbm>> -> memref<25x64xf32, #tpu.memory_space<hbm>>
    %dma_wait3A_110 = arith.constant 25 : i32
    %dma_wait3A_111 = arith.constant 0 : i32
    %dma_wait3A_112 = tpu.memref_slice %arg6[%dma_wait3A_96, %dma_wait3A_110, %dma_wait3A_111] : memref<2x50x64xf32, #tpu.memory_space<vmem>> -> memref<1x25x64xf32, #tpu.memory_space<vmem>>
    %dma_wait3A_113 = tpu.memref_squeeze %dma_wait3A_112 : memref<1x25x64xf32, #tpu.memory_space<vmem>> -> memref<25x64xf32, #tpu.memory_space<vmem>>
    tpu.wait_dma2 semaphore(%arg8 : memref<!tpu.dma_semaphore, #tpu.memory_space<semaphore_mem>>) src(%dma_wait3A_113 : memref<25x64xf32, #tpu.memory_space<vmem>>) dst(%dma_wait3A_109 : memref<25x64xf32, #tpu.memory_space<hbm>>)
    %dma_wait3A_114 = arith.constant 127 : i32
    %dma_wait3A_115 = arith.constant 1 : i32
    %dma_wait3A_116 = arith.constant 0 : i32
    %dma_wait3A_117 = arith.constant 0 : i32
    %dma_wait3A_118 = tpu.memref_slice %arg6[%dma_wait3A_115, %dma_wait3A_116, %dma_wait3A_117] : memref<2x50x64xf32, #tpu.memory_space<vmem>> -> memref<1x50x64xf32, #tpu.memory_space<vmem>>
    %dma_wait3A_119 = tpu.memref_squeeze %dma_wait3A_118 : memref<1x50x64xf32, #tpu.memory_space<vmem>> -> memref<50x64xf32, #tpu.memory_space<vmem>>
    %dma_wait3A_120 = arith.constant 0 : i32
    %dma_wait3A_121 = tpu.memref_slice %arg5[%dma_wait3A_114, %dma_wait3A_120] : memref<128x50xi32, #tpu.memory_space<vmem>> -> memref<1x50xi32, #tpu.memory_space<vmem>>
    %dma_wait3A_122 = tpu.memref_squeeze %dma_wait3A_121 : memref<1x50xi32, #tpu.memory_space<vmem>> -> memref<50xi32, #tpu.memory_space<vmem>>
    %dma_wait3A_123 = arith.constant 0 : i32
    %dma_wait3A_124 = arith.constant 0 : i32
    %dma_wait3A_125 = tpu.memref_slice %arg2[%dma_wait3A_123, %dma_wait3A_124] : memref<1007616x64xf32, #tpu.memory_space<hbm>> -> memref<1007616x64xf32, #tpu.memory_space<hbm>>
    tpu.wait_indirect_dma semaphore(%arg7 : memref<!tpu.dma_semaphore, #tpu.memory_space<semaphore_mem>>) src(%dma_wait3A_125 : memref<1007616x64xf32, #tpu.memory_space<hbm>>) dst(%dma_wait3A_119 : memref<50x64xf32, #tpu.memory_space<vmem>>)
    %add3A_126 = arith.constant 127 : i32
    %add3A_127 = arith.addi %mul3A_2, %add3A_126 : i32
    %dma_start3A_128 = arith.constant 1 : i32
    %dma_start3A_129 = arith.constant 0 : i32
    %dma_start3A_130 = arith.constant 0 : i32
    %dma_start3A_131 = tpu.memref_slice %arg6[%dma_start3A_128, %dma_start3A_129, %dma_start3A_130] : memref<2x50x64xf32, #tpu.memory_space<vmem>> -> memref<1x25x64xf32, #tpu.memory_space<vmem>>
    %dma_start3A_132 = tpu.memref_squeeze %dma_start3A_131 : memref<1x25x64xf32, #tpu.memory_space<vmem>> -> memref<25x64xf32, #tpu.memory_space<vmem>>
    %dma_start3A_133 = arith.constant 0 : i32
    %dma_start3A_134 = arith.constant 0 : i32
    %dma_start3A_135 = tpu.memref_slice %arg4[%dma_start3A_133, %add3A_127, %dma_start3A_134] : memref<25x4096x128xf32, #tpu.memory_space<hbm>> -> memref<25x1x64xf32, #tpu.memory_space<hbm>>
    %dma_start3A_136 = tpu.memref_squeeze %dma_start3A_135 : memref<25x1x64xf32, #tpu.memory_space<hbm>> -> memref<25x64xf32, #tpu.memory_space<hbm>>
    %dma_start3A_137 = arith.constant 0 : i32
    %dma_start3A_138 = arith.constant 0 : i32
    %dma_start3A_139 = tpu.memref_slice %arg4[%dma_start3A_137, %add3A_127, %dma_start3A_138] : memref<25x4096x128xf32, #tpu.memory_space<hbm>> -> memref<25x1x64xf32, #tpu.memory_space<hbm>>
    %dma_start3A_140 = tpu.memref_squeeze %dma_start3A_139 : memref<25x1x64xf32, #tpu.memory_space<hbm>> -> memref<25x64xf32, #tpu.memory_space<hbm>>
    %dma_start3A_141 = arith.constant 0 : i32
    %dma_start3A_142 = arith.constant 0 : i32
    %dma_start3A_143 = tpu.memref_slice %arg6[%dma_start3A_128, %dma_start3A_141, %dma_start3A_142] : memref<2x50x64xf32, #tpu.memory_space<vmem>> -> memref<1x25x64xf32, #tpu.memory_space<vmem>>
    %dma_start3A_144 = tpu.memref_squeeze %dma_start3A_143 : memref<1x25x64xf32, #tpu.memory_space<vmem>> -> memref<25x64xf32, #tpu.memory_space<vmem>>
    tpu.enqueue_dma source(%dma_start3A_144 : memref<25x64xf32, #tpu.memory_space<vmem>>) target(%dma_start3A_140 : memref<25x64xf32, #tpu.memory_space<hbm>>) target_semaphore(%arg8 : memref<!tpu.dma_semaphore, #tpu.memory_space<semaphore_mem>>)
    %dma_start3A_145 = arith.constant 1 : i32
    %dma_start3A_146 = arith.constant 25 : i32
    %dma_start3A_147 = arith.constant 0 : i32
    %dma_start3A_148 = tpu.memref_slice %arg6[%dma_start3A_145, %dma_start3A_146, %dma_start3A_147] : memref<2x50x64xf32, #tpu.memory_space<vmem>> -> memref<1x25x64xf32, #tpu.memory_space<vmem>>
    %dma_start3A_149 = tpu.memref_squeeze %dma_start3A_148 : memref<1x25x64xf32, #tpu.memory_space<vmem>> -> memref<25x64xf32, #tpu.memory_space<vmem>>
    %dma_start3A_150 = arith.constant 0 : i32
    %dma_start3A_151 = arith.constant 64 : i32
    %dma_start3A_152 = tpu.memref_slice %arg4[%dma_start3A_150, %add3A_127, %dma_start3A_151] : memref<25x4096x128xf32, #tpu.memory_space<hbm>> -> memref<25x1x64xf32, #tpu.memory_space<hbm>>
    %dma_start3A_153 = tpu.memref_squeeze %dma_start3A_152 : memref<25x1x64xf32, #tpu.memory_space<hbm>> -> memref<25x64xf32, #tpu.memory_space<hbm>>
    %dma_start3A_154 = arith.constant 0 : i32
    %dma_start3A_155 = arith.constant 64 : i32
    %dma_start3A_156 = tpu.memref_slice %arg4[%dma_start3A_154, %add3A_127, %dma_start3A_155] : memref<25x4096x128xf32, #tpu.memory_space<hbm>> -> memref<25x1x64xf32, #tpu.memory_space<hbm>>
    %dma_start3A_157 = tpu.memref_squeeze %dma_start3A_156 : memref<25x1x64xf32, #tpu.memory_space<hbm>> -> memref<25x64xf32, #tpu.memory_space<hbm>>
    %dma_start3A_158 = arith.constant 25 : i32
    %dma_start3A_159 = arith.constant 0 : i32
    %dma_start3A_160 = tpu.memref_slice %arg6[%dma_start3A_145, %dma_start3A_158, %dma_start3A_159] : memref<2x50x64xf32, #tpu.memory_space<vmem>> -> memref<1x25x64xf32, #tpu.memory_space<vmem>>
    %dma_start3A_161 = tpu.memref_squeeze %dma_start3A_160 : memref<1x25x64xf32, #tpu.memory_space<vmem>> -> memref<25x64xf32, #tpu.memory_space<vmem>>
    tpu.enqueue_dma source(%dma_start3A_161 : memref<25x64xf32, #tpu.memory_space<vmem>>) target(%dma_start3A_157 : memref<25x64xf32, #tpu.memory_space<hbm>>) target_semaphore(%arg8 : memref<!tpu.dma_semaphore, #tpu.memory_space<semaphore_mem>>)
    %dma_wait3A_162 = arith.constant 0 : i32
    %dma_wait3A_163 = arith.constant 0 : i32
    %dma_wait3A_164 = arith.constant 0 : i32
    %dma_wait3A_165 = arith.constant 0 : i32
    %dma_wait3A_166 = tpu.memref_slice %arg6[%dma_wait3A_162, %dma_wait3A_164, %dma_wait3A_165] : memref<2x50x64xf32, #tpu.memory_space<vmem>> -> memref<1x25x64xf32, #tpu.memory_space<vmem>>
    %dma_wait3A_167 = tpu.memref_squeeze %dma_wait3A_166 : memref<1x25x64xf32, #tpu.memory_space<vmem>> -> memref<25x64xf32, #tpu.memory_space<vmem>>
    %dma_wait3A_168 = arith.constant 0 : i32
    %dma_wait3A_169 = arith.constant 0 : i32
    %dma_wait3A_170 = tpu.memref_slice %arg4[%dma_wait3A_168, %dma_wait3A_163, %dma_wait3A_169] : memref<25x4096x128xf32, #tpu.memory_space<hbm>> -> memref<25x1x64xf32, #tpu.memory_space<hbm>>
    %dma_wait3A_171 = tpu.memref_squeeze %dma_wait3A_170 : memref<25x1x64xf32, #tpu.memory_space<hbm>> -> memref<25x64xf32, #tpu.memory_space<hbm>>
    %dma_wait3A_172 = arith.constant 0 : i32
    %dma_wait3A_173 = arith.constant 0 : i32
    %dma_wait3A_174 = tpu.memref_slice %arg4[%dma_wait3A_172, %dma_wait3A_163, %dma_wait3A_173] : memref<25x4096x128xf32, #tpu.memory_space<hbm>> -> memref<25x1x64xf32, #tpu.memory_space<hbm>>
    %dma_wait3A_175 = tpu.memref_squeeze %dma_wait3A_174 : memref<25x1x64xf32, #tpu.memory_space<hbm>> -> memref<25x64xf32, #tpu.memory_space<hbm>>
    %dma_wait3A_176 = arith.constant 0 : i32
    %dma_wait3A_177 = arith.constant 0 : i32
    %dma_wait3A_178 = tpu.memref_slice %arg6[%dma_wait3A_162, %dma_wait3A_176, %dma_wait3A_177] : memref<2x50x64xf32, #tpu.memory_space<vmem>> -> memref<1x25x64xf32, #tpu.memory_space<vmem>>
    %dma_wait3A_179 = tpu.memref_squeeze %dma_wait3A_178 : memref<1x25x64xf32, #tpu.memory_space<vmem>> -> memref<25x64xf32, #tpu.memory_space<vmem>>
    tpu.wait_dma2 semaphore(%arg8 : memref<!tpu.dma_semaphore, #tpu.memory_space<semaphore_mem>>) src(%dma_wait3A_179 : memref<25x64xf32, #tpu.memory_space<vmem>>) dst(%dma_wait3A_175 : memref<25x64xf32, #tpu.memory_space<hbm>>)
    %dma_wait3A_180 = arith.constant 0 : i32
    %dma_wait3A_181 = arith.constant 0 : i32
    %dma_wait3A_182 = arith.constant 25 : i32
    %dma_wait3A_183 = arith.constant 0 : i32
    %dma_wait3A_184 = tpu.memref_slice %arg6[%dma_wait3A_180, %dma_wait3A_182, %dma_wait3A_183] : memref<2x50x64xf32, #tpu.memory_space<vmem>> -> memref<1x25x64xf32, #tpu.memory_space<vmem>>
    %dma_wait3A_185 = tpu.memref_squeeze %dma_wait3A_184 : memref<1x25x64xf32, #tpu.memory_space<vmem>> -> memref<25x64xf32, #tpu.memory_space<vmem>>
    %dma_wait3A_186 = arith.constant 0 : i32
    %dma_wait3A_187 = arith.constant 64 : i32
    %dma_wait3A_188 = tpu.memref_slice %arg4[%dma_wait3A_186, %dma_wait3A_181, %dma_wait3A_187] : memref<25x4096x128xf32, #tpu.memory_space<hbm>> -> memref<25x1x64xf32, #tpu.memory_space<hbm>>
    %dma_wait3A_189 = tpu.memref_squeeze %dma_wait3A_188 : memref<25x1x64xf32, #tpu.memory_space<hbm>> -> memref<25x64xf32, #tpu.memory_space<hbm>>
    %dma_wait3A_190 = arith.constant 0 : i32
    %dma_wait3A_191 = arith.constant 64 : i32
    %dma_wait3A_192 = tpu.memref_slice %arg4[%dma_wait3A_190, %dma_wait3A_181, %dma_wait3A_191] : memref<25x4096x128xf32, #tpu.memory_space<hbm>> -> memref<25x1x64xf32, #tpu.memory_space<hbm>>
    %dma_wait3A_193 = tpu.memref_squeeze %dma_wait3A_192 : memref<25x1x64xf32, #tpu.memory_space<hbm>> -> memref<25x64xf32, #tpu.memory_space<hbm>>
    %dma_wait3A_194 = arith.constant 25 : i32
    %dma_wait3A_195 = arith.constant 0 : i32
    %dma_wait3A_196 = tpu.memref_slice %arg6[%dma_wait3A_180, %dma_wait3A_194, %dma_wait3A_195] : memref<2x50x64xf32, #tpu.memory_space<vmem>> -> memref<1x25x64xf32, #tpu.memory_space<vmem>>
    %dma_wait3A_197 = tpu.memref_squeeze %dma_wait3A_196 : memref<1x25x64xf32, #tpu.memory_space<vmem>> -> memref<25x64xf32, #tpu.memory_space<vmem>>
    tpu.wait_dma2 semaphore(%arg8 : memref<!tpu.dma_semaphore, #tpu.memory_space<semaphore_mem>>) src(%dma_wait3A_197 : memref<25x64xf32, #tpu.memory_space<vmem>>) dst(%dma_wait3A_193 : memref<25x64xf32, #tpu.memory_space<hbm>>)
    return
  }
}

#map = affine_map<(d0, d1) -> (0, 0)>
#map1 = affine_map<(d0, d1) -> (0, 0, 0)>
module attributes {stable_mosaic.version = 14 : i64} {
  func.func @k(%arg0: i32, %arg1: i32, %arg2: memref<1007616x64xf32, #tpu.memory_space<hbm>>, %arg3: memref<4096x50xi32, #tpu.memory_space<hbm>>, %arg4: memref<25x4096x128xf32, #tpu.memory_space<hbm>>, %arg5: memref<128x50xi32, #tpu.memory_space<vmem>>, %arg6: memref<2x50x64xf32, #tpu.memory_space<vmem>>, %arg7: memref<!tpu.dma_semaphore, #tpu.memory_space<semaphore_mem>>, %arg8: memref<!tpu.dma_semaphore, #tpu.memory_space<semaphore_mem>>) attributes {dimension_semantics = [#tpu.dimension_semantics<core_parallel>, #tpu.dimension_semantics<subcore_parallel>], iteration_bounds = array<i64: 2, 16>, scalar_prefetch = 0 : i64, scratch_operands = 4 : i64, tpu.core_type = #tpu.core_type<sc_vector_subcore>, window_params = [{transform_indices = #map}, {transform_indices = #map}, {transform_indices = #map1}]} {
    %mul3A = arith.constant 2 : i32
    %mul3A_0 = arith.muli %arg1, %mul3A : i32
    %add3A = arith.addi %mul3A_0, %arg0 : i32
    %mul3A_1 = arith.constant 128 : i32
    %mul3A_2 = arith.muli %add3A, %mul3A_1 : i32
    "tpu.region"() ({
      %run_scoped3A = tpu.sem_alloc : memref<!tpu.dma_semaphore, #tpu.memory_space<semaphore_mem>>
      %dma_start3A_198 = arith.constant 0 : i32
      %dma_start3A_199 = tpu.memref_slice %arg3[%mul3A_2, %dma_start3A_198] : memref<4096x50xi32, #tpu.memory_space<hbm>> -> memref<128x50xi32, #tpu.memory_space<hbm>>
      %dma_start3A_200 = arith.constant 0 : i32
      %dma_start3A_201 = tpu.memref_slice %arg3[%mul3A_2, %dma_start3A_200] : memref<4096x50xi32, #tpu.memory_space<hbm>> -> memref<128x50xi32, #tpu.memory_space<hbm>>
      tpu.enqueue_dma source(%dma_start3A_201 : memref<128x50xi32, #tpu.memory_space<hbm>>) target(%arg5 : memref<128x50xi32, #tpu.memory_space<vmem>>) target_semaphore(%run_scoped3A : memref<!tpu.dma_semaphore, #tpu.memory_space<semaphore_mem>>)
      %dma_wait3A_202 = arith.constant 0 : i32
      %dma_wait3A_203 = tpu.memref_slice %arg3[%mul3A_2, %dma_wait3A_202] : memref<4096x50xi32, #tpu.memory_space<hbm>> -> memref<128x50xi32, #tpu.memory_space<hbm>>
      %dma_wait3A_204 = arith.constant 0 : i32
      %dma_wait3A_205 = tpu.memref_slice %arg3[%mul3A_2, %dma_wait3A_204] : memref<4096x50xi32, #tpu.memory_space<hbm>> -> memref<128x50xi32, #tpu.memory_space<hbm>>
      tpu.wait_dma2 semaphore(%run_scoped3A : memref<!tpu.dma_semaphore, #tpu.memory_space<semaphore_mem>>) src(%dma_wait3A_205 : memref<128x50xi32, #tpu.memory_space<hbm>>) dst(%arg5 : memref<128x50xi32, #tpu.memory_space<vmem>>)
      tpu.yield
    }) : () -> ()
    %dma_start3A = arith.constant 0 : i32
    %dma_start3A_3 = arith.constant 0 : i32
    %dma_start3A_4 = arith.constant 0 : i32
    %dma_start3A_5 = arith.constant 0 : i32
    %dma_start3A_6 = tpu.memref_slice %arg6[%dma_start3A_3, %dma_start3A_4, %dma_start3A_5] : memref<2x50x64xf32, #tpu.memory_space<vmem>> -> memref<1x50x64xf32, #tpu.memory_space<vmem>>
    %dma_start3A_7 = tpu.memref_squeeze %dma_start3A_6 : memref<1x50x64xf32, #tpu.memory_space<vmem>> -> memref<50x64xf32, #tpu.memory_space<vmem>>
    %dma_start3A_8 = arith.constant 0 : i32
    %dma_start3A_9 = tpu.memref_slice %arg5[%dma_start3A, %dma_start3A_8] : memref<128x50xi32, #tpu.memory_space<vmem>> -> memref<1x50xi32, #tpu.memory_space<vmem>>
    %dma_start3A_10 = tpu.memref_squeeze %dma_start3A_9 : memref<1x50xi32, #tpu.memory_space<vmem>> -> memref<50xi32, #tpu.memory_space<vmem>>
    %dma_start3A_11 = arith.constant 0 : i32
    %dma_start3A_12 = arith.constant 0 : i32
    %dma_start3A_13 = tpu.memref_slice %arg2[%dma_start3A_11, %dma_start3A_12] : memref<1007616x64xf32, #tpu.memory_space<hbm>> -> memref<1007616x64xf32, #tpu.memory_space<hbm>>
    tpu.enqueue_indirect_dma source(%dma_start3A_13 : memref<1007616x64xf32, #tpu.memory_space<hbm>>) target(%dma_start3A_7 : memref<50x64xf32, #tpu.memory_space<vmem>>) offsets(%dma_start3A_10 : memref<50xi32, #tpu.memory_space<vmem>>) semaphore(%arg7 : memref<!tpu.dma_semaphore, #tpu.memory_space<semaphore_mem>>)
    %dma_wait3A = arith.constant 0 : i32
    %dma_wait3A_14 = arith.constant 0 : i32
    %dma_wait3A_15 = arith.constant 0 : i32
    %dma_wait3A_16 = arith.constant 0 : i32
    %dma_wait3A_17 = tpu.memref_slice %arg6[%dma_wait3A_14, %dma_wait3A_15, %dma_wait3A_16] : memref<2x50x64xf32, #tpu.memory_space<vmem>> -> memref<1x50x64xf32, #tpu.memory_space<vmem>>
    %dma_wait3A_18 = tpu.memref_squeeze %dma_wait3A_17 : memref<1x50x64xf32, #tpu.memory_space<vmem>> -> memref<50x64xf32, #tpu.memory_space<vmem>>
    %dma_wait3A_19 = arith.constant 0 : i32
    %dma_wait3A_20 = tpu.memref_slice %arg5[%dma_wait3A, %dma_wait3A_19] : memref<128x50xi32, #tpu.memory_space<vmem>> -> memref<1x50xi32, #tpu.memory_space<vmem>>
    %dma_wait3A_21 = tpu.memref_squeeze %dma_wait3A_20 : memref<1x50xi32, #tpu.memory_space<vmem>> -> memref<50xi32, #tpu.memory_space<vmem>>
    %dma_wait3A_22 = arith.constant 0 : i32
    %dma_wait3A_23 = arith.constant 0 : i32
    %dma_wait3A_24 = tpu.memref_slice %arg2[%dma_wait3A_22, %dma_wait3A_23] : memref<1007616x64xf32, #tpu.memory_space<hbm>> -> memref<1007616x64xf32, #tpu.memory_space<hbm>>
    tpu.wait_indirect_dma semaphore(%arg7 : memref<!tpu.dma_semaphore, #tpu.memory_space<semaphore_mem>>) src(%dma_wait3A_24 : memref<1007616x64xf32, #tpu.memory_space<hbm>>) dst(%dma_wait3A_18 : memref<50x64xf32, #tpu.memory_space<vmem>>)
    %dma_start3A_25 = arith.constant 1 : i32
    %dma_start3A_26 = arith.constant 1 : i32
    %dma_start3A_27 = arith.constant 0 : i32
    %dma_start3A_28 = arith.constant 0 : i32
    %dma_start3A_29 = tpu.memref_slice %arg6[%dma_start3A_26, %dma_start3A_27, %dma_start3A_28] : memref<2x50x64xf32, #tpu.memory_space<vmem>> -> memref<1x50x64xf32, #tpu.memory_space<vmem>>
    %dma_start3A_30 = tpu.memref_squeeze %dma_start3A_29 : memref<1x50x64xf32, #tpu.memory_space<vmem>> -> memref<50x64xf32, #tpu.memory_space<vmem>>
    %dma_start3A_31 = arith.constant 0 : i32
    %dma_start3A_32 = tpu.memref_slice %arg5[%dma_start3A_25, %dma_start3A_31] : memref<128x50xi32, #tpu.memory_space<vmem>> -> memref<1x50xi32, #tpu.memory_space<vmem>>
    %dma_start3A_33 = tpu.memref_squeeze %dma_start3A_32 : memref<1x50xi32, #tpu.memory_space<vmem>> -> memref<50xi32, #tpu.memory_space<vmem>>
    %dma_start3A_34 = arith.constant 0 : i32
    %dma_start3A_35 = arith.constant 0 : i32
    %dma_start3A_36 = tpu.memref_slice %arg2[%dma_start3A_34, %dma_start3A_35] : memref<1007616x64xf32, #tpu.memory_space<hbm>> -> memref<1007616x64xf32, #tpu.memory_space<hbm>>
    tpu.enqueue_indirect_dma source(%dma_start3A_36 : memref<1007616x64xf32, #tpu.memory_space<hbm>>) target(%dma_start3A_30 : memref<50x64xf32, #tpu.memory_space<vmem>>) offsets(%dma_start3A_33 : memref<50xi32, #tpu.memory_space<vmem>>) semaphore(%arg7 : memref<!tpu.dma_semaphore, #tpu.memory_space<semaphore_mem>>)
    %add3A_37 = arith.constant 0 : i32
    %add3A_38 = arith.addi %mul3A_2, %add3A_37 : i32
    %dma_start3A_39 = arith.constant 0 : i32
    %dma_start3A_40 = arith.constant 0 : i32
    %dma_start3A_41 = arith.constant 0 : i32
    %dma_start3A_42 = tpu.memref_slice %arg6[%dma_start3A_39, %dma_start3A_40, %dma_start3A_41] : memref<2x50x64xf32, #tpu.memory_space<vmem>> -> memref<1x25x64xf32, #tpu.memory_space<vmem>>
    %dma_start3A_43 = tpu.memref_squeeze %dma_start3A_42 : memref<1x25x64xf32, #tpu.memory_space<vmem>> -> memref<25x64xf32, #tpu.memory_space<vmem>>
    %dma_start3A_44 = arith.constant 0 : i32
    %dma_start3A_45 = arith.constant 0 : i32
    %dma_start3A_46 = tpu.memref_slice %arg4[%dma_start3A_44, %add3A_38, %dma_start3A_45] : memref<25x4096x128xf32, #tpu.memory_space<hbm>> -> memref<25x1x64xf32, #tpu.memory_space<hbm>>
    %dma_start3A_47 = tpu.memref_squeeze %dma_start3A_46 : memref<25x1x64xf32, #tpu.memory_space<hbm>> -> memref<25x64xf32, #tpu.memory_space<hbm>>
    %dma_start3A_48 = arith.constant 0 : i32
    %dma_start3A_49 = arith.constant 0 : i32
    %dma_start3A_50 = tpu.memref_slice %arg4[%dma_start3A_48, %add3A_38, %dma_start3A_49] : memref<25x4096x128xf32, #tpu.memory_space<hbm>> -> memref<25x1x64xf32, #tpu.memory_space<hbm>>
    %dma_start3A_51 = tpu.memref_squeeze %dma_start3A_50 : memref<25x1x64xf32, #tpu.memory_space<hbm>> -> memref<25x64xf32, #tpu.memory_space<hbm>>
    %dma_start3A_52 = arith.constant 0 : i32
    %dma_start3A_53 = arith.constant 0 : i32
    %dma_start3A_54 = tpu.memref_slice %arg6[%dma_start3A_39, %dma_start3A_52, %dma_start3A_53] : memref<2x50x64xf32, #tpu.memory_space<vmem>> -> memref<1x25x64xf32, #tpu.memory_space<vmem>>
    %dma_start3A_55 = tpu.memref_squeeze %dma_start3A_54 : memref<1x25x64xf32, #tpu.memory_space<vmem>> -> memref<25x64xf32, #tpu.memory_space<vmem>>
    tpu.enqueue_dma source(%dma_start3A_55 : memref<25x64xf32, #tpu.memory_space<vmem>>) target(%dma_start3A_51 : memref<25x64xf32, #tpu.memory_space<hbm>>) target_semaphore(%arg8 : memref<!tpu.dma_semaphore, #tpu.memory_space<semaphore_mem>>)
    %dma_start3A_56 = arith.constant 0 : i32
    %dma_start3A_57 = arith.constant 25 : i32
    %dma_start3A_58 = arith.constant 0 : i32
    %dma_start3A_59 = tpu.memref_slice %arg6[%dma_start3A_56, %dma_start3A_57, %dma_start3A_58] : memref<2x50x64xf32, #tpu.memory_space<vmem>> -> memref<1x25x64xf32, #tpu.memory_space<vmem>>
    %dma_start3A_60 = tpu.memref_squeeze %dma_start3A_59 : memref<1x25x64xf32, #tpu.memory_space<vmem>> -> memref<25x64xf32, #tpu.memory_space<vmem>>
    %dma_start3A_61 = arith.constant 0 : i32
    %dma_start3A_62 = arith.constant 64 : i32
    %dma_start3A_63 = tpu.memref_slice %arg4[%dma_start3A_61, %add3A_38, %dma_start3A_62] : memref<25x4096x128xf32, #tpu.memory_space<hbm>> -> memref<25x1x64xf32, #tpu.memory_space<hbm>>
    %dma_start3A_64 = tpu.memref_squeeze %dma_start3A_63 : memref<25x1x64xf32, #tpu.memory_space<hbm>> -> memref<25x64xf32, #tpu.memory_space<hbm>>
    %dma_start3A_65 = arith.constant 0 : i32
    %dma_start3A_66 = arith.constant 64 : i32
    %dma_start3A_67 = tpu.memref_slice %arg4[%dma_start3A_65, %add3A_38, %dma_start3A_66] : memref<25x4096x128xf32, #tpu.memory_space<hbm>> -> memref<25x1x64xf32, #tpu.memory_space<hbm>>
    %dma_start3A_68 = tpu.memref_squeeze %dma_start3A_67 : memref<25x1x64xf32, #tpu.memory_space<hbm>> -> memref<25x64xf32, #tpu.memory_space<hbm>>
    %dma_start3A_69 = arith.constant 25 : i32
    %dma_start3A_70 = arith.constant 0 : i32
    %dma_start3A_71 = tpu.memref_slice %arg6[%dma_start3A_56, %dma_start3A_69, %dma_start3A_70] : memref<2x50x64xf32, #tpu.memory_space<vmem>> -> memref<1x25x64xf32, #tpu.memory_space<vmem>>
    %dma_start3A_72 = tpu.memref_squeeze %dma_start3A_71 : memref<1x25x64xf32, #tpu.memory_space<vmem>> -> memref<25x64xf32, #tpu.memory_space<vmem>>
    tpu.enqueue_dma source(%dma_start3A_72 : memref<25x64xf32, #tpu.memory_space<vmem>>) target(%dma_start3A_68 : memref<25x64xf32, #tpu.memory_space<hbm>>) target_semaphore(%arg8 : memref<!tpu.dma_semaphore, #tpu.memory_space<semaphore_mem>>)
    %scan3A = arith.constant 0 : i32
    %scan3A_73 = arith.constant 1 : i32
    %scan3A_74 = arith.constant 126 : i32
    %scan3A_75 = arith.addi %scan3A_73, %scan3A_74 : i32
    %scan3A_76 = arith.constant 1 : i32
    scf.for %scan3A_198 = %scan3A_73 to %scan3A_75 step %scan3A_76  : i32 {
      %dma_wait3A_199 = arith.constant 0 : i32
      %dma_wait3A_200 = arith.constant 0 : i32
      %dma_wait3A_201 = arith.constant 0 : i32
      %dma_wait3A_202 = arith.constant 0 : i32
      %dma_wait3A_203 = tpu.memref_slice %arg6[%dma_wait3A_199, %dma_wait3A_201, %dma_wait3A_202] : memref<2x50x64xf32, #tpu.memory_space<vmem>> -> memref<1x25x64xf32, #tpu.memory_space<vmem>>
      %dma_wait3A_204 = tpu.memref_squeeze %dma_wait3A_203 : memref<1x25x64xf32, #tpu.memory_space<vmem>> -> memref<25x64xf32, #tpu.memory_space<vmem>>
      %dma_wait3A_205 = arith.constant 0 : i32
      %dma_wait3A_206 = arith.constant 0 : i32
      %dma_wait3A_207 = tpu.memref_slice %arg4[%dma_wait3A_205, %dma_wait3A_200, %dma_wait3A_206] : memref<25x4096x128xf32, #tpu.memory_space<hbm>> -> memref<25x1x64xf32, #tpu.memory_space<hbm>>
      %dma_wait3A_208 = tpu.memref_squeeze %dma_wait3A_207 : memref<25x1x64xf32, #tpu.memory_space<hbm>> -> memref<25x64xf32, #tpu.memory_space<hbm>>
      %dma_wait3A_209 = arith.constant 0 : i32
      %dma_wait3A_210 = arith.constant 0 : i32
      %dma_wait3A_211 = tpu.memref_slice %arg4[%dma_wait3A_209, %dma_wait3A_200, %dma_wait3A_210] : memref<25x4096x128xf32, #tpu.memory_space<hbm>> -> memref<25x1x64xf32, #tpu.memory_space<hbm>>
      %dma_wait3A_212 = tpu.memref_squeeze %dma_wait3A_211 : memref<25x1x64xf32, #tpu.memory_space<hbm>> -> memref<25x64xf32, #tpu.memory_space<hbm>>
      %dma_wait3A_213 = arith.constant 0 : i32
      %dma_wait3A_214 = arith.constant 0 : i32
      %dma_wait3A_215 = tpu.memref_slice %arg6[%dma_wait3A_199, %dma_wait3A_213, %dma_wait3A_214] : memref<2x50x64xf32, #tpu.memory_space<vmem>> -> memref<1x25x64xf32, #tpu.memory_space<vmem>>
      %dma_wait3A_216 = tpu.memref_squeeze %dma_wait3A_215 : memref<1x25x64xf32, #tpu.memory_space<vmem>> -> memref<25x64xf32, #tpu.memory_space<vmem>>
      tpu.wait_dma2 semaphore(%arg8 : memref<!tpu.dma_semaphore, #tpu.memory_space<semaphore_mem>>) src(%dma_wait3A_216 : memref<25x64xf32, #tpu.memory_space<vmem>>) dst(%dma_wait3A_212 : memref<25x64xf32, #tpu.memory_space<hbm>>)
      %dma_wait3A_217 = arith.constant 0 : i32
      %dma_wait3A_218 = arith.constant 0 : i32
      %dma_wait3A_219 = arith.constant 25 : i32
      %dma_wait3A_220 = arith.constant 0 : i32
      %dma_wait3A_221 = tpu.memref_slice %arg6[%dma_wait3A_217, %dma_wait3A_219, %dma_wait3A_220] : memref<2x50x64xf32, #tpu.memory_space<vmem>> -> memref<1x25x64xf32, #tpu.memory_space<vmem>>
      %dma_wait3A_222 = tpu.memref_squeeze %dma_wait3A_221 : memref<1x25x64xf32, #tpu.memory_space<vmem>> -> memref<25x64xf32, #tpu.memory_space<vmem>>
      %dma_wait3A_223 = arith.constant 0 : i32
      %dma_wait3A_224 = arith.constant 64 : i32
      %dma_wait3A_225 = tpu.memref_slice %arg4[%dma_wait3A_223, %dma_wait3A_218, %dma_wait3A_224] : memref<25x4096x128xf32, #tpu.memory_space<hbm>> -> memref<25x1x64xf32, #tpu.memory_space<hbm>>
      %dma_wait3A_226 = tpu.memref_squeeze %dma_wait3A_225 : memref<25x1x64xf32, #tpu.memory_space<hbm>> -> memref<25x64xf32, #tpu.memory_space<hbm>>
      %dma_wait3A_227 = arith.constant 0 : i32
      %dma_wait3A_228 = arith.constant 64 : i32
      %dma_wait3A_229 = tpu.memref_slice %arg4[%dma_wait3A_227, %dma_wait3A_218, %dma_wait3A_228] : memref<25x4096x128xf32, #tpu.memory_space<hbm>> -> memref<25x1x64xf32, #tpu.memory_space<hbm>>
      %dma_wait3A_230 = tpu.memref_squeeze %dma_wait3A_229 : memref<25x1x64xf32, #tpu.memory_space<hbm>> -> memref<25x64xf32, #tpu.memory_space<hbm>>
      %dma_wait3A_231 = arith.constant 25 : i32
      %dma_wait3A_232 = arith.constant 0 : i32
      %dma_wait3A_233 = tpu.memref_slice %arg6[%dma_wait3A_217, %dma_wait3A_231, %dma_wait3A_232] : memref<2x50x64xf32, #tpu.memory_space<vmem>> -> memref<1x25x64xf32, #tpu.memory_space<vmem>>
      %dma_wait3A_234 = tpu.memref_squeeze %dma_wait3A_233 : memref<1x25x64xf32, #tpu.memory_space<vmem>> -> memref<25x64xf32, #tpu.memory_space<vmem>>
      tpu.wait_dma2 semaphore(%arg8 : memref<!tpu.dma_semaphore, #tpu.memory_space<semaphore_mem>>) src(%dma_wait3A_234 : memref<25x64xf32, #tpu.memory_space<vmem>>) dst(%dma_wait3A_230 : memref<25x64xf32, #tpu.memory_space<hbm>>)
      %add3A_235 = arith.constant 1 : i32
      %add3A_236 = arith.addi %scan3A_198, %add3A_235 : i32
      %add3A_237 = arith.constant 1 : i32
      %add3A_238 = arith.addi %scan3A_198, %add3A_237 : i32
      %jit3A = arith.constant 2 : i32
      %eq3A = arith.constant 0 : i32
      %eq3A_239 = arith.cmpi eq, %jit3A, %eq3A : i32
      %jit3A_240 = arith.constant 1 : i32
      %select_n3A = arith.select %eq3A_239, %jit3A_240, %jit3A : i32
      %rem3A = arith.remsi %add3A_238, %select_n3A : i32
      %ne3A = arith.constant 0 : i32
      %ne3A_241 = arith.cmpi ne, %rem3A, %ne3A : i32
      %lt3A = arith.constant 0 : i32
      %lt3A_242 = arith.cmpi slt, %rem3A, %lt3A : i32
      %lt3A_243 = arith.constant 0 : i32
      %lt3A_244 = arith.cmpi slt, %select_n3A, %lt3A_243 : i32
      %ne3A_245 = arith.xori %lt3A_242, %lt3A_244 : i1
      %and3A = arith.andi %ne3A_245, %ne3A_241 : i1
      %add3A_246 = arith.addi %rem3A, %select_n3A : i32
      %select_n3A_247 = arith.select %and3A, %add3A_246, %rem3A : i32
      %dma_start3A_248 = arith.constant 0 : i32
      %dma_start3A_249 = arith.constant 0 : i32
      %dma_start3A_250 = tpu.memref_slice %arg6[%select_n3A_247, %dma_start3A_248, %dma_start3A_249] : memref<2x50x64xf32, #tpu.memory_space<vmem>> -> memref<1x50x64xf32, #tpu.memory_space<vmem>>
      %dma_start3A_251 = tpu.memref_squeeze %dma_start3A_250 : memref<1x50x64xf32, #tpu.memory_space<vmem>> -> memref<50x64xf32, #tpu.memory_space<vmem>>
      %dma_start3A_252 = arith.constant 0 : i32
      %dma_start3A_253 = tpu.memref_slice %arg5[%add3A_236, %dma_start3A_252] : memref<128x50xi32, #tpu.memory_space<vmem>> -> memref<1x50xi32, #tpu.memory_space<vmem>>
      %dma_start3A_254 = tpu.memref_squeeze %dma_start3A_253 : memref<1x50xi32, #tpu.memory_space<vmem>> -> memref<50xi32, #tpu.memory_space<vmem>>
      %dma_start3A_255 = arith.constant 0 : i32
      %dma_start3A_256 = arith.constant 0 : i32
      %dma_start3A_257 = tpu.memref_slice %arg2[%dma_start3A_255, %dma_start3A_256] : memref<1007616x64xf32, #tpu.memory_space<hbm>> -> memref<1007616x64xf32, #tpu.memory_space<hbm>>
      tpu.enqueue_indirect_dma source(%dma_start3A_257 : memref<1007616x64xf32, #tpu.memory_space<hbm>>) target(%dma_start3A_251 : memref<50x64xf32, #tpu.memory_space<vmem>>) offsets(%dma_start3A_254 : memref<50xi32, #tpu.memory_space<vmem>>) semaphore(%arg7 : memref<!tpu.dma_semaphore, #tpu.memory_space<semaphore_mem>>)
      %jit3A_258 = arith.constant 2 : i32
      %eq3A_259 = arith.constant 0 : i32
      %eq3A_260 = arith.cmpi eq, %jit3A_258, %eq3A_259 : i32
      %jit3A_261 = arith.constant 1 : i32
      %select_n3A_262 = arith.select %eq3A_260, %jit3A_261, %jit3A_258 : i32
      %rem3A_263 = arith.remsi %scan3A_198, %select_n3A_262 : i32
      %ne3A_264 = arith.constant 0 : i32
      %ne3A_265 = arith.cmpi ne, %rem3A_263, %ne3A_264 : i32
      %lt3A_266 = arith.constant 0 : i32
      %lt3A_267 = arith.cmpi slt, %rem3A_263, %lt3A_266 : i32
      %lt3A_268 = arith.constant 0 : i32
      %lt3A_269 = arith.cmpi slt, %select_n3A_262, %lt3A_268 : i32
      %ne3A_270 = arith.xori %lt3A_267, %lt3A_269 : i1
      %and3A_271 = arith.andi %ne3A_270, %ne3A_265 : i1
      %add3A_272 = arith.addi %rem3A_263, %select_n3A_262 : i32
      %select_n3A_273 = arith.select %and3A_271, %add3A_272, %rem3A_263 : i32
      %dma_wait3A_274 = arith.constant 0 : i32
      %dma_wait3A_275 = arith.constant 0 : i32
      %dma_wait3A_276 = tpu.memref_slice %arg6[%select_n3A_273, %dma_wait3A_274, %dma_wait3A_275] : memref<2x50x64xf32, #tpu.memory_space<vmem>> -> memref<1x50x64xf32, #tpu.memory_space<vmem>>
      %dma_wait3A_277 = tpu.memref_squeeze %dma_wait3A_276 : memref<1x50x64xf32, #tpu.memory_space<vmem>> -> memref<50x64xf32, #tpu.memory_space<vmem>>
      %dma_wait3A_278 = arith.constant 0 : i32
      %dma_wait3A_279 = tpu.memref_slice %arg5[%scan3A_198, %dma_wait3A_278] : memref<128x50xi32, #tpu.memory_space<vmem>> -> memref<1x50xi32, #tpu.memory_space<vmem>>
      %dma_wait3A_280 = tpu.memref_squeeze %dma_wait3A_279 : memref<1x50xi32, #tpu.memory_space<vmem>> -> memref<50xi32, #tpu.memory_space<vmem>>
      %dma_wait3A_281 = arith.constant 0 : i32
      %dma_wait3A_282 = arith.constant 0 : i32
      %dma_wait3A_283 = tpu.memref_slice %arg2[%dma_wait3A_281, %dma_wait3A_282] : memref<1007616x64xf32, #tpu.memory_space<hbm>> -> memref<1007616x64xf32, #tpu.memory_space<hbm>>
      tpu.wait_indirect_dma semaphore(%arg7 : memref<!tpu.dma_semaphore, #tpu.memory_space<semaphore_mem>>) src(%dma_wait3A_283 : memref<1007616x64xf32, #tpu.memory_space<hbm>>) dst(%dma_wait3A_277 : memref<50x64xf32, #tpu.memory_space<vmem>>)
      %jit3A_284 = arith.constant 2 : i32
      %eq3A_285 = arith.constant 0 : i32
      %eq3A_286 = arith.cmpi eq, %jit3A_284, %eq3A_285 : i32
      %jit3A_287 = arith.constant 1 : i32
      %select_n3A_288 = arith.select %eq3A_286, %jit3A_287, %jit3A_284 : i32
      %rem3A_289 = arith.remsi %scan3A_198, %select_n3A_288 : i32
      %ne3A_290 = arith.constant 0 : i32
      %ne3A_291 = arith.cmpi ne, %rem3A_289, %ne3A_290 : i32
      %lt3A_292 = arith.constant 0 : i32
      %lt3A_293 = arith.cmpi slt, %rem3A_289, %lt3A_292 : i32
      %lt3A_294 = arith.constant 0 : i32
      %lt3A_295 = arith.cmpi slt, %select_n3A_288, %lt3A_294 : i32
      %ne3A_296 = arith.xori %lt3A_293, %lt3A_295 : i1
      %and3A_297 = arith.andi %ne3A_296, %ne3A_291 : i1
      %add3A_298 = arith.addi %rem3A_289, %select_n3A_288 : i32
      %select_n3A_299 = arith.select %and3A_297, %add3A_298, %rem3A_289 : i32
      %add3A_300 = arith.addi %mul3A_2, %scan3A_198 : i32
      %dma_start3A_301 = arith.constant 0 : i32
      %dma_start3A_302 = arith.constant 0 : i32
      %dma_start3A_303 = tpu.memref_slice %arg6[%select_n3A_299, %dma_start3A_301, %dma_start3A_302] : memref<2x50x64xf32, #tpu.memory_space<vmem>> -> memref<1x25x64xf32, #tpu.memory_space<vmem>>
      %dma_start3A_304 = tpu.memref_squeeze %dma_start3A_303 : memref<1x25x64xf32, #tpu.memory_space<vmem>> -> memref<25x64xf32, #tpu.memory_space<vmem>>
      %dma_start3A_305 = arith.constant 0 : i32
      %dma_start3A_306 = arith.constant 0 : i32
      %dma_start3A_307 = tpu.memref_slice %arg4[%dma_start3A_305, %add3A_300, %dma_start3A_306] : memref<25x4096x128xf32, #tpu.memory_space<hbm>> -> memref<25x1x64xf32, #tpu.memory_space<hbm>>
      %dma_start3A_308 = tpu.memref_squeeze %dma_start3A_307 : memref<25x1x64xf32, #tpu.memory_space<hbm>> -> memref<25x64xf32, #tpu.memory_space<hbm>>
      %dma_start3A_309 = arith.constant 0 : i32
      %dma_start3A_310 = arith.constant 0 : i32
      %dma_start3A_311 = tpu.memref_slice %arg4[%dma_start3A_309, %add3A_300, %dma_start3A_310] : memref<25x4096x128xf32, #tpu.memory_space<hbm>> -> memref<25x1x64xf32, #tpu.memory_space<hbm>>
      %dma_start3A_312 = tpu.memref_squeeze %dma_start3A_311 : memref<25x1x64xf32, #tpu.memory_space<hbm>> -> memref<25x64xf32, #tpu.memory_space<hbm>>
      %dma_start3A_313 = arith.constant 0 : i32
      %dma_start3A_314 = arith.constant 0 : i32
      %dma_start3A_315 = tpu.memref_slice %arg6[%select_n3A_299, %dma_start3A_313, %dma_start3A_314] : memref<2x50x64xf32, #tpu.memory_space<vmem>> -> memref<1x25x64xf32, #tpu.memory_space<vmem>>
      %dma_start3A_316 = tpu.memref_squeeze %dma_start3A_315 : memref<1x25x64xf32, #tpu.memory_space<vmem>> -> memref<25x64xf32, #tpu.memory_space<vmem>>
      tpu.enqueue_dma source(%dma_start3A_316 : memref<25x64xf32, #tpu.memory_space<vmem>>) target(%dma_start3A_312 : memref<25x64xf32, #tpu.memory_space<hbm>>) target_semaphore(%arg8 : memref<!tpu.dma_semaphore, #tpu.memory_space<semaphore_mem>>)
      %dma_start3A_317 = arith.constant 25 : i32
      %dma_start3A_318 = arith.constant 0 : i32
      %dma_start3A_319 = tpu.memref_slice %arg6[%select_n3A_299, %dma_start3A_317, %dma_start3A_318] : memref<2x50x64xf32, #tpu.memory_space<vmem>> -> memref<1x25x64xf32, #tpu.memory_space<vmem>>
      %dma_start3A_320 = tpu.memref_squeeze %dma_start3A_319 : memref<1x25x64xf32, #tpu.memory_space<vmem>> -> memref<25x64xf32, #tpu.memory_space<vmem>>
      %dma_start3A_321 = arith.constant 0 : i32
      %dma_start3A_322 = arith.constant 64 : i32
      %dma_start3A_323 = tpu.memref_slice %arg4[%dma_start3A_321, %add3A_300, %dma_start3A_322] : memref<25x4096x128xf32, #tpu.memory_space<hbm>> -> memref<25x1x64xf32, #tpu.memory_space<hbm>>
      %dma_start3A_324 = tpu.memref_squeeze %dma_start3A_323 : memref<25x1x64xf32, #tpu.memory_space<hbm>> -> memref<25x64xf32, #tpu.memory_space<hbm>>
      %dma_start3A_325 = arith.constant 0 : i32
      %dma_start3A_326 = arith.constant 64 : i32
      %dma_start3A_327 = tpu.memref_slice %arg4[%dma_start3A_325, %add3A_300, %dma_start3A_326] : memref<25x4096x128xf32, #tpu.memory_space<hbm>> -> memref<25x1x64xf32, #tpu.memory_space<hbm>>
      %dma_start3A_328 = tpu.memref_squeeze %dma_start3A_327 : memref<25x1x64xf32, #tpu.memory_space<hbm>> -> memref<25x64xf32, #tpu.memory_space<hbm>>
      %dma_start3A_329 = arith.constant 25 : i32
      %dma_start3A_330 = arith.constant 0 : i32
      %dma_start3A_331 = tpu.memref_slice %arg6[%select_n3A_299, %dma_start3A_329, %dma_start3A_330] : memref<2x50x64xf32, #tpu.memory_space<vmem>> -> memref<1x25x64xf32, #tpu.memory_space<vmem>>
      %dma_start3A_332 = tpu.memref_squeeze %dma_start3A_331 : memref<1x25x64xf32, #tpu.memory_space<vmem>> -> memref<25x64xf32, #tpu.memory_space<vmem>>
      tpu.enqueue_dma source(%dma_start3A_332 : memref<25x64xf32, #tpu.memory_space<vmem>>) target(%dma_start3A_328 : memref<25x64xf32, #tpu.memory_space<hbm>>) target_semaphore(%arg8 : memref<!tpu.dma_semaphore, #tpu.memory_space<semaphore_mem>>)
    }
    %scan3A_77 = arith.constant 126 : i32
    %dma_wait3A_78 = arith.constant 0 : i32
    %dma_wait3A_79 = arith.constant 0 : i32
    %dma_wait3A_80 = arith.constant 0 : i32
    %dma_wait3A_81 = arith.constant 0 : i32
    %dma_wait3A_82 = tpu.memref_slice %arg6[%dma_wait3A_78, %dma_wait3A_80, %dma_wait3A_81] : memref<2x50x64xf32, #tpu.memory_space<vmem>> -> memref<1x25x64xf32, #tpu.memory_space<vmem>>
    %dma_wait3A_83 = tpu.memref_squeeze %dma_wait3A_82 : memref<1x25x64xf32, #tpu.memory_space<vmem>> -> memref<25x64xf32, #tpu.memory_space<vmem>>
    %dma_wait3A_84 = arith.constant 0 : i32
    %dma_wait3A_85 = arith.constant 0 : i32
    %dma_wait3A_86 = tpu.memref_slice %arg4[%dma_wait3A_84, %dma_wait3A_79, %dma_wait3A_85] : memref<25x4096x128xf32, #tpu.memory_space<hbm>> -> memref<25x1x64xf32, #tpu.memory_space<hbm>>
    %dma_wait3A_87 = tpu.memref_squeeze %dma_wait3A_86 : memref<25x1x64xf32, #tpu.memory_space<hbm>> -> memref<25x64xf32, #tpu.memory_space<hbm>>
    %dma_wait3A_88 = arith.constant 0 : i32
    %dma_wait3A_89 = arith.constant 0 : i32
    %dma_wait3A_90 = tpu.memref_slice %arg4[%dma_wait3A_88, %dma_wait3A_79, %dma_wait3A_89] : memref<25x4096x128xf32, #tpu.memory_space<hbm>> -> memref<25x1x64xf32, #tpu.memory_space<hbm>>
    %dma_wait3A_91 = tpu.memref_squeeze %dma_wait3A_90 : memref<25x1x64xf32, #tpu.memory_space<hbm>> -> memref<25x64xf32, #tpu.memory_space<hbm>>
    %dma_wait3A_92 = arith.constant 0 : i32
    %dma_wait3A_93 = arith.constant 0 : i32
    %dma_wait3A_94 = tpu.memref_slice %arg6[%dma_wait3A_78, %dma_wait3A_92, %dma_wait3A_93] : memref<2x50x64xf32, #tpu.memory_space<vmem>> -> memref<1x25x64xf32, #tpu.memory_space<vmem>>
    %dma_wait3A_95 = tpu.memref_squeeze %dma_wait3A_94 : memref<1x25x64xf32, #tpu.memory_space<vmem>> -> memref<25x64xf32, #tpu.memory_space<vmem>>
    tpu.wait_dma2 semaphore(%arg8 : memref<!tpu.dma_semaphore, #tpu.memory_space<semaphore_mem>>) src(%dma_wait3A_95 : memref<25x64xf32, #tpu.memory_space<vmem>>) dst(%dma_wait3A_91 : memref<25x64xf32, #tpu.memory_space<hbm>>)
    %dma_wait3A_96 = arith.constant 0 : i32
    %dma_wait3A_97 = arith.constant 0 : i32
    %dma_wait3A_98 = arith.constant 25 : i32
    %dma_wait3A_99 = arith.constant 0 : i32
    %dma_wait3A_100 = tpu.memref_slice %arg6[%dma_wait3A_96, %dma_wait3A_98, %dma_wait3A_99] : memref<2x50x64xf32, #tpu.memory_space<vmem>> -> memref<1x25x64xf32, #tpu.memory_space<vmem>>
    %dma_wait3A_101 = tpu.memref_squeeze %dma_wait3A_100 : memref<1x25x64xf32, #tpu.memory_space<vmem>> -> memref<25x64xf32, #tpu.memory_space<vmem>>
    %dma_wait3A_102 = arith.constant 0 : i32
    %dma_wait3A_103 = arith.constant 64 : i32
    %dma_wait3A_104 = tpu.memref_slice %arg4[%dma_wait3A_102, %dma_wait3A_97, %dma_wait3A_103] : memref<25x4096x128xf32, #tpu.memory_space<hbm>> -> memref<25x1x64xf32, #tpu.memory_space<hbm>>
    %dma_wait3A_105 = tpu.memref_squeeze %dma_wait3A_104 : memref<25x1x64xf32, #tpu.memory_space<hbm>> -> memref<25x64xf32, #tpu.memory_space<hbm>>
    %dma_wait3A_106 = arith.constant 0 : i32
    %dma_wait3A_107 = arith.constant 64 : i32
    %dma_wait3A_108 = tpu.memref_slice %arg4[%dma_wait3A_106, %dma_wait3A_97, %dma_wait3A_107] : memref<25x4096x128xf32, #tpu.memory_space<hbm>> -> memref<25x1x64xf32, #tpu.memory_space<hbm>>
    %dma_wait3A_109 = tpu.memref_squeeze %dma_wait3A_108 : memref<25x1x64xf32, #tpu.memory_space<hbm>> -> memref<25x64xf32, #tpu.memory_space<hbm>>
    %dma_wait3A_110 = arith.constant 25 : i32
    %dma_wait3A_111 = arith.constant 0 : i32
    %dma_wait3A_112 = tpu.memref_slice %arg6[%dma_wait3A_96, %dma_wait3A_110, %dma_wait3A_111] : memref<2x50x64xf32, #tpu.memory_space<vmem>> -> memref<1x25x64xf32, #tpu.memory_space<vmem>>
    %dma_wait3A_113 = tpu.memref_squeeze %dma_wait3A_112 : memref<1x25x64xf32, #tpu.memory_space<vmem>> -> memref<25x64xf32, #tpu.memory_space<vmem>>
    tpu.wait_dma2 semaphore(%arg8 : memref<!tpu.dma_semaphore, #tpu.memory_space<semaphore_mem>>) src(%dma_wait3A_113 : memref<25x64xf32, #tpu.memory_space<vmem>>) dst(%dma_wait3A_109 : memref<25x64xf32, #tpu.memory_space<hbm>>)
    %dma_wait3A_114 = arith.constant 127 : i32
    %dma_wait3A_115 = arith.constant 1 : i32
    %dma_wait3A_116 = arith.constant 0 : i32
    %dma_wait3A_117 = arith.constant 0 : i32
    %dma_wait3A_118 = tpu.memref_slice %arg6[%dma_wait3A_115, %dma_wait3A_116, %dma_wait3A_117] : memref<2x50x64xf32, #tpu.memory_space<vmem>> -> memref<1x50x64xf32, #tpu.memory_space<vmem>>
    %dma_wait3A_119 = tpu.memref_squeeze %dma_wait3A_118 : memref<1x50x64xf32, #tpu.memory_space<vmem>> -> memref<50x64xf32, #tpu.memory_space<vmem>>
    %dma_wait3A_120 = arith.constant 0 : i32
    %dma_wait3A_121 = tpu.memref_slice %arg5[%dma_wait3A_114, %dma_wait3A_120] : memref<128x50xi32, #tpu.memory_space<vmem>> -> memref<1x50xi32, #tpu.memory_space<vmem>>
    %dma_wait3A_122 = tpu.memref_squeeze %dma_wait3A_121 : memref<1x50xi32, #tpu.memory_space<vmem>> -> memref<50xi32, #tpu.memory_space<vmem>>
    %dma_wait3A_123 = arith.constant 0 : i32
    %dma_wait3A_124 = arith.constant 0 : i32
    %dma_wait3A_125 = tpu.memref_slice %arg2[%dma_wait3A_123, %dma_wait3A_124] : memref<1007616x64xf32, #tpu.memory_space<hbm>> -> memref<1007616x64xf32, #tpu.memory_space<hbm>>
    tpu.wait_indirect_dma semaphore(%arg7 : memref<!tpu.dma_semaphore, #tpu.memory_space<semaphore_mem>>) src(%dma_wait3A_125 : memref<1007616x64xf32, #tpu.memory_space<hbm>>) dst(%dma_wait3A_119 : memref<50x64xf32, #tpu.memory_space<vmem>>)
    %add3A_126 = arith.constant 127 : i32
    %add3A_127 = arith.addi %mul3A_2, %add3A_126 : i32
    %dma_start3A_128 = arith.constant 1 : i32
    %dma_start3A_129 = arith.constant 0 : i32
    %dma_start3A_130 = arith.constant 0 : i32
    %dma_start3A_131 = tpu.memref_slice %arg6[%dma_start3A_128, %dma_start3A_129, %dma_start3A_130] : memref<2x50x64xf32, #tpu.memory_space<vmem>> -> memref<1x25x64xf32, #tpu.memory_space<vmem>>
    %dma_start3A_132 = tpu.memref_squeeze %dma_start3A_131 : memref<1x25x64xf32, #tpu.memory_space<vmem>> -> memref<25x64xf32, #tpu.memory_space<vmem>>
    %dma_start3A_133 = arith.constant 0 : i32
    %dma_start3A_134 = arith.constant 0 : i32
    %dma_start3A_135 = tpu.memref_slice %arg4[%dma_start3A_133, %add3A_127, %dma_start3A_134] : memref<25x4096x128xf32, #tpu.memory_space<hbm>> -> memref<25x1x64xf32, #tpu.memory_space<hbm>>
    %dma_start3A_136 = tpu.memref_squeeze %dma_start3A_135 : memref<25x1x64xf32, #tpu.memory_space<hbm>> -> memref<25x64xf32, #tpu.memory_space<hbm>>
    %dma_start3A_137 = arith.constant 0 : i32
    %dma_start3A_138 = arith.constant 0 : i32
    %dma_start3A_139 = tpu.memref_slice %arg4[%dma_start3A_137, %add3A_127, %dma_start3A_138] : memref<25x4096x128xf32, #tpu.memory_space<hbm>> -> memref<25x1x64xf32, #tpu.memory_space<hbm>>
    %dma_start3A_140 = tpu.memref_squeeze %dma_start3A_139 : memref<25x1x64xf32, #tpu.memory_space<hbm>> -> memref<25x64xf32, #tpu.memory_space<hbm>>
    %dma_start3A_141 = arith.constant 0 : i32
    %dma_start3A_142 = arith.constant 0 : i32
    %dma_start3A_143 = tpu.memref_slice %arg6[%dma_start3A_128, %dma_start3A_141, %dma_start3A_142] : memref<2x50x64xf32, #tpu.memory_space<vmem>> -> memref<1x25x64xf32, #tpu.memory_space<vmem>>
    %dma_start3A_144 = tpu.memref_squeeze %dma_start3A_143 : memref<1x25x64xf32, #tpu.memory_space<vmem>> -> memref<25x64xf32, #tpu.memory_space<vmem>>
    tpu.enqueue_dma source(%dma_start3A_144 : memref<25x64xf32, #tpu.memory_space<vmem>>) target(%dma_start3A_140 : memref<25x64xf32, #tpu.memory_space<hbm>>) target_semaphore(%arg8 : memref<!tpu.dma_semaphore, #tpu.memory_space<semaphore_mem>>)
    %dma_start3A_145 = arith.constant 1 : i32
    %dma_start3A_146 = arith.constant 25 : i32
    %dma_start3A_147 = arith.constant 0 : i32
    %dma_start3A_148 = tpu.memref_slice %arg6[%dma_start3A_145, %dma_start3A_146, %dma_start3A_147] : memref<2x50x64xf32, #tpu.memory_space<vmem>> -> memref<1x25x64xf32, #tpu.memory_space<vmem>>
    %dma_start3A_149 = tpu.memref_squeeze %dma_start3A_148 : memref<1x25x64xf32, #tpu.memory_space<vmem>> -> memref<25x64xf32, #tpu.memory_space<vmem>>
    %dma_start3A_150 = arith.constant 0 : i32
    %dma_start3A_151 = arith.constant 64 : i32
    %dma_start3A_152 = tpu.memref_slice %arg4[%dma_start3A_150, %add3A_127, %dma_start3A_151] : memref<25x4096x128xf32, #tpu.memory_space<hbm>> -> memref<25x1x64xf32, #tpu.memory_space<hbm>>
    %dma_start3A_153 = tpu.memref_squeeze %dma_start3A_152 : memref<25x1x64xf32, #tpu.memory_space<hbm>> -> memref<25x64xf32, #tpu.memory_space<hbm>>
    %dma_start3A_154 = arith.constant 0 : i32
    %dma_start3A_155 = arith.constant 64 : i32
    %dma_start3A_156 = tpu.memref_slice %arg4[%dma_start3A_154, %add3A_127, %dma_start3A_155] : memref<25x4096x128xf32, #tpu.memory_space<hbm>> -> memref<25x1x64xf32, #tpu.memory_space<hbm>>
    %dma_start3A_157 = tpu.memref_squeeze %dma_start3A_156 : memref<25x1x64xf32, #tpu.memory_space<hbm>> -> memref<25x64xf32, #tpu.memory_space<hbm>>
    %dma_start3A_158 = arith.constant 25 : i32
    %dma_start3A_159 = arith.constant 0 : i32
    %dma_start3A_160 = tpu.memref_slice %arg6[%dma_start3A_145, %dma_start3A_158, %dma_start3A_159] : memref<2x50x64xf32, #tpu.memory_space<vmem>> -> memref<1x25x64xf32, #tpu.memory_space<vmem>>
    %dma_start3A_161 = tpu.memref_squeeze %dma_start3A_160 : memref<1x25x64xf32, #tpu.memory_space<vmem>> -> memref<25x64xf32, #tpu.memory_space<vmem>>
    tpu.enqueue_dma source(%dma_start3A_161 : memref<25x64xf32, #tpu.memory_space<vmem>>) target(%dma_start3A_157 : memref<25x64xf32, #tpu.memory_space<hbm>>) target_semaphore(%arg8 : memref<!tpu.dma_semaphore, #tpu.memory_space<semaphore_mem>>)
    %dma_wait3A_162 = arith.constant 0 : i32
    %dma_wait3A_163 = arith.constant 0 : i32
    %dma_wait3A_164 = arith.constant 0 : i32
    %dma_wait3A_165 = arith.constant 0 : i32
    %dma_wait3A_166 = tpu.memref_slice %arg6[%dma_wait3A_162, %dma_wait3A_164, %dma_wait3A_165] : memref<2x50x64xf32, #tpu.memory_space<vmem>> -> memref<1x25x64xf32, #tpu.memory_space<vmem>>
    %dma_wait3A_167 = tpu.memref_squeeze %dma_wait3A_166 : memref<1x25x64xf32, #tpu.memory_space<vmem>> -> memref<25x64xf32, #tpu.memory_space<vmem>>
    %dma_wait3A_168 = arith.constant 0 : i32
    %dma_wait3A_169 = arith.constant 0 : i32
    %dma_wait3A_170 = tpu.memref_slice %arg4[%dma_wait3A_168, %dma_wait3A_163, %dma_wait3A_169] : memref<25x4096x128xf32, #tpu.memory_space<hbm>> -> memref<25x1x64xf32, #tpu.memory_space<hbm>>
    %dma_wait3A_171 = tpu.memref_squeeze %dma_wait3A_170 : memref<25x1x64xf32, #tpu.memory_space<hbm>> -> memref<25x64xf32, #tpu.memory_space<hbm>>
    %dma_wait3A_172 = arith.constant 0 : i32
    %dma_wait3A_173 = arith.constant 0 : i32
    %dma_wait3A_174 = tpu.memref_slice %arg4[%dma_wait3A_172, %dma_wait3A_163, %dma_wait3A_173] : memref<25x4096x128xf32, #tpu.memory_space<hbm>> -> memref<25x1x64xf32, #tpu.memory_space<hbm>>
    %dma_wait3A_175 = tpu.memref_squeeze %dma_wait3A_174 : memref<25x1x64xf32, #tpu.memory_space<hbm>> -> memref<25x64xf32, #tpu.memory_space<hbm>>
    %dma_wait3A_176 = arith.constant 0 : i32
    %dma_wait3A_177 = arith.constant 0 : i32
    %dma_wait3A_178 = tpu.memref_slice %arg6[%dma_wait3A_162, %dma_wait3A_176, %dma_wait3A_177] : memref<2x50x64xf32, #tpu.memory_space<vmem>> -> memref<1x25x64xf32, #tpu.memory_space<vmem>>
    %dma_wait3A_179 = tpu.memref_squeeze %dma_wait3A_178 : memref<1x25x64xf32, #tpu.memory_space<vmem>> -> memref<25x64xf32, #tpu.memory_space<vmem>>
    tpu.wait_dma2 semaphore(%arg8 : memref<!tpu.dma_semaphore, #tpu.memory_space<semaphore_mem>>) src(%dma_wait3A_179 : memref<25x64xf32, #tpu.memory_space<vmem>>) dst(%dma_wait3A_175 : memref<25x64xf32, #tpu.memory_space<hbm>>)
    %dma_wait3A_180 = arith.constant 0 : i32
    %dma_wait3A_181 = arith.constant 0 : i32
    %dma_wait3A_182 = arith.constant 25 : i32
    %dma_wait3A_183 = arith.constant 0 : i32
    %dma_wait3A_184 = tpu.memref_slice %arg6[%dma_wait3A_180, %dma_wait3A_182, %dma_wait3A_183] : memref<2x50x64xf32, #tpu.memory_space<vmem>> -> memref<1x25x64xf32, #tpu.memory_space<vmem>>
    %dma_wait3A_185 = tpu.memref_squeeze %dma_wait3A_184 : memref<1x25x64xf32, #tpu.memory_space<vmem>> -> memref<25x64xf32, #tpu.memory_space<vmem>>
    %dma_wait3A_186 = arith.constant 0 : i32
    %dma_wait3A_187 = arith.constant 64 : i32
    %dma_wait3A_188 = tpu.memref_slice %arg4[%dma_wait3A_186, %dma_wait3A_181, %dma_wait3A_187] : memref<25x4096x128xf32, #tpu.memory_space<hbm>> -> memref<25x1x64xf32, #tpu.memory_space<hbm>>
    %dma_wait3A_189 = tpu.memref_squeeze %dma_wait3A_188 : memref<25x1x64xf32, #tpu.memory_space<hbm>> -> memref<25x64xf32, #tpu.memory_space<hbm>>
    %dma_wait3A_190 = arith.constant 0 : i32
    %dma_wait3A_191 = arith.constant 64 : i32
    %dma_wait3A_192 = tpu.memref_slice %arg4[%dma_wait3A_190, %dma_wait3A_181, %dma_wait3A_191] : memref<25x4096x128xf32, #tpu.memory_space<hbm>> -> memref<25x1x64xf32, #tpu.memory_space<hbm>>
    %dma_wait3A_193 = tpu.memref_squeeze %dma_wait3A_192 : memref<25x1x64xf32, #tpu.memory_space<hbm>> -> memref<25x64xf32, #tpu.memory_space<hbm>>
    %dma_wait3A_194 = arith.constant 25 : i32
    %dma_wait3A_195 = arith.constant 0 : i32
    %dma_wait3A_196 = tpu.memref_slice %arg6[%dma_wait3A_180, %dma_wait3A_194, %dma_wait3A_195] : memref<2x50x64xf32, #tpu.memory_space<vmem>> -> memref<1x25x64xf32, #tpu.memory_space<vmem>>
    %dma_wait3A_197 = tpu.memref_squeeze %dma_wait3A_196 : memref<1x25x64xf32, #tpu.memory_space<vmem>> -> memref<25x64xf32, #tpu.memory_space<vmem>>
    tpu.wait_dma2 semaphore(%arg8 : memref<!tpu.dma_semaphore, #tpu.memory_space<semaphore_mem>>) src(%dma_wait3A_197 : memref<25x64xf32, #tpu.memory_space<vmem>>) dst(%dma_wait3A_193 : memref<25x64xf32, #tpu.memory_space<hbm>>)
    return
  }
}

#map = affine_map<(d0, d1) -> (0, 0)>
#map1 = affine_map<(d0, d1) -> (0, 0, 0)>
module attributes {stable_mosaic.version = 14 : i64} {
  func.func @k(%arg0: i32, %arg1: i32, %arg2: memref<1007616x64xf32, #tpu.memory_space<hbm>>, %arg3: memref<4096x50xi32, #tpu.memory_space<hbm>>, %arg4: memref<25x4096x128xf32, #tpu.memory_space<hbm>>, %arg5: memref<128x50xi32, #tpu.memory_space<vmem>>, %arg6: memref<2x50x64xf32, #tpu.memory_space<vmem>>, %arg7: memref<!tpu.dma_semaphore, #tpu.memory_space<semaphore_mem>>, %arg8: memref<!tpu.dma_semaphore, #tpu.memory_space<semaphore_mem>>) attributes {dimension_semantics = [#tpu.dimension_semantics<core_parallel>, #tpu.dimension_semantics<subcore_parallel>], iteration_bounds = array<i64: 2, 16>, scalar_prefetch = 0 : i64, scratch_operands = 4 : i64, tpu.core_type = #tpu.core_type<sc_vector_subcore>, window_params = [{transform_indices = #map}, {transform_indices = #map}, {transform_indices = #map1}]} {
    %mul3A = arith.constant 2 : i32
    %mul3A_0 = arith.muli %arg1, %mul3A : i32
    %add3A = arith.addi %mul3A_0, %arg0 : i32
    %mul3A_1 = arith.constant 128 : i32
    %mul3A_2 = arith.muli %add3A, %mul3A_1 : i32
    "tpu.region"() ({
      %run_scoped3A = tpu.sem_alloc : memref<!tpu.dma_semaphore, #tpu.memory_space<semaphore_mem>>
      %dma_start3A_198 = arith.constant 0 : i32
      %dma_start3A_199 = tpu.memref_slice %arg3[%mul3A_2, %dma_start3A_198] : memref<4096x50xi32, #tpu.memory_space<hbm>> -> memref<128x50xi32, #tpu.memory_space<hbm>>
      %dma_start3A_200 = arith.constant 0 : i32
      %dma_start3A_201 = tpu.memref_slice %arg3[%mul3A_2, %dma_start3A_200] : memref<4096x50xi32, #tpu.memory_space<hbm>> -> memref<128x50xi32, #tpu.memory_space<hbm>>
      tpu.enqueue_dma source(%dma_start3A_201 : memref<128x50xi32, #tpu.memory_space<hbm>>) target(%arg5 : memref<128x50xi32, #tpu.memory_space<vmem>>) target_semaphore(%run_scoped3A : memref<!tpu.dma_semaphore, #tpu.memory_space<semaphore_mem>>)
      %dma_wait3A_202 = arith.constant 0 : i32
      %dma_wait3A_203 = tpu.memref_slice %arg3[%mul3A_2, %dma_wait3A_202] : memref<4096x50xi32, #tpu.memory_space<hbm>> -> memref<128x50xi32, #tpu.memory_space<hbm>>
      %dma_wait3A_204 = arith.constant 0 : i32
      %dma_wait3A_205 = tpu.memref_slice %arg3[%mul3A_2, %dma_wait3A_204] : memref<4096x50xi32, #tpu.memory_space<hbm>> -> memref<128x50xi32, #tpu.memory_space<hbm>>
      tpu.wait_dma2 semaphore(%run_scoped3A : memref<!tpu.dma_semaphore, #tpu.memory_space<semaphore_mem>>) src(%dma_wait3A_205 : memref<128x50xi32, #tpu.memory_space<hbm>>) dst(%arg5 : memref<128x50xi32, #tpu.memory_space<vmem>>)
      tpu.yield
    }) : () -> ()
    %dma_start3A = arith.constant 0 : i32
    %dma_start3A_3 = arith.constant 0 : i32
    %dma_start3A_4 = arith.constant 0 : i32
    %dma_start3A_5 = arith.constant 0 : i32
    %dma_start3A_6 = tpu.memref_slice %arg6[%dma_start3A_3, %dma_start3A_4, %dma_start3A_5] : memref<2x50x64xf32, #tpu.memory_space<vmem>> -> memref<1x50x64xf32, #tpu.memory_space<vmem>>
    %dma_start3A_7 = tpu.memref_squeeze %dma_start3A_6 : memref<1x50x64xf32, #tpu.memory_space<vmem>> -> memref<50x64xf32, #tpu.memory_space<vmem>>
    %dma_start3A_8 = arith.constant 0 : i32
    %dma_start3A_9 = tpu.memref_slice %arg5[%dma_start3A, %dma_start3A_8] : memref<128x50xi32, #tpu.memory_space<vmem>> -> memref<1x50xi32, #tpu.memory_space<vmem>>
    %dma_start3A_10 = tpu.memref_squeeze %dma_start3A_9 : memref<1x50xi32, #tpu.memory_space<vmem>> -> memref<50xi32, #tpu.memory_space<vmem>>
    %dma_start3A_11 = arith.constant 0 : i32
    %dma_start3A_12 = arith.constant 0 : i32
    %dma_start3A_13 = tpu.memref_slice %arg2[%dma_start3A_11, %dma_start3A_12] : memref<1007616x64xf32, #tpu.memory_space<hbm>> -> memref<1007616x64xf32, #tpu.memory_space<hbm>>
    tpu.enqueue_indirect_dma source(%dma_start3A_13 : memref<1007616x64xf32, #tpu.memory_space<hbm>>) target(%dma_start3A_7 : memref<50x64xf32, #tpu.memory_space<vmem>>) offsets(%dma_start3A_10 : memref<50xi32, #tpu.memory_space<vmem>>) semaphore(%arg7 : memref<!tpu.dma_semaphore, #tpu.memory_space<semaphore_mem>>)
    %dma_wait3A = arith.constant 0 : i32
    %dma_wait3A_14 = arith.constant 0 : i32
    %dma_wait3A_15 = arith.constant 0 : i32
    %dma_wait3A_16 = arith.constant 0 : i32
    %dma_wait3A_17 = tpu.memref_slice %arg6[%dma_wait3A_14, %dma_wait3A_15, %dma_wait3A_16] : memref<2x50x64xf32, #tpu.memory_space<vmem>> -> memref<1x50x64xf32, #tpu.memory_space<vmem>>
    %dma_wait3A_18 = tpu.memref_squeeze %dma_wait3A_17 : memref<1x50x64xf32, #tpu.memory_space<vmem>> -> memref<50x64xf32, #tpu.memory_space<vmem>>
    %dma_wait3A_19 = arith.constant 0 : i32
    %dma_wait3A_20 = tpu.memref_slice %arg5[%dma_wait3A, %dma_wait3A_19] : memref<128x50xi32, #tpu.memory_space<vmem>> -> memref<1x50xi32, #tpu.memory_space<vmem>>
    %dma_wait3A_21 = tpu.memref_squeeze %dma_wait3A_20 : memref<1x50xi32, #tpu.memory_space<vmem>> -> memref<50xi32, #tpu.memory_space<vmem>>
    %dma_wait3A_22 = arith.constant 0 : i32
    %dma_wait3A_23 = arith.constant 0 : i32
    %dma_wait3A_24 = tpu.memref_slice %arg2[%dma_wait3A_22, %dma_wait3A_23] : memref<1007616x64xf32, #tpu.memory_space<hbm>> -> memref<1007616x64xf32, #tpu.memory_space<hbm>>
    tpu.wait_indirect_dma semaphore(%arg7 : memref<!tpu.dma_semaphore, #tpu.memory_space<semaphore_mem>>) src(%dma_wait3A_24 : memref<1007616x64xf32, #tpu.memory_space<hbm>>) dst(%dma_wait3A_18 : memref<50x64xf32, #tpu.memory_space<vmem>>)
    %dma_start3A_25 = arith.constant 1 : i32
    %dma_start3A_26 = arith.constant 1 : i32
    %dma_start3A_27 = arith.constant 0 : i32
    %dma_start3A_28 = arith.constant 0 : i32
    %dma_start3A_29 = tpu.memref_slice %arg6[%dma_start3A_26, %dma_start3A_27, %dma_start3A_28] : memref<2x50x64xf32, #tpu.memory_space<vmem>> -> memref<1x50x64xf32, #tpu.memory_space<vmem>>
    %dma_start3A_30 = tpu.memref_squeeze %dma_start3A_29 : memref<1x50x64xf32, #tpu.memory_space<vmem>> -> memref<50x64xf32, #tpu.memory_space<vmem>>
    %dma_start3A_31 = arith.constant 0 : i32
    %dma_start3A_32 = tpu.memref_slice %arg5[%dma_start3A_25, %dma_start3A_31] : memref<128x50xi32, #tpu.memory_space<vmem>> -> memref<1x50xi32, #tpu.memory_space<vmem>>
    %dma_start3A_33 = tpu.memref_squeeze %dma_start3A_32 : memref<1x50xi32, #tpu.memory_space<vmem>> -> memref<50xi32, #tpu.memory_space<vmem>>
    %dma_start3A_34 = arith.constant 0 : i32
    %dma_start3A_35 = arith.constant 0 : i32
    %dma_start3A_36 = tpu.memref_slice %arg2[%dma_start3A_34, %dma_start3A_35] : memref<1007616x64xf32, #tpu.memory_space<hbm>> -> memref<1007616x64xf32, #tpu.memory_space<hbm>>
    tpu.enqueue_indirect_dma source(%dma_start3A_36 : memref<1007616x64xf32, #tpu.memory_space<hbm>>) target(%dma_start3A_30 : memref<50x64xf32, #tpu.memory_space<vmem>>) offsets(%dma_start3A_33 : memref<50xi32, #tpu.memory_space<vmem>>) semaphore(%arg7 : memref<!tpu.dma_semaphore, #tpu.memory_space<semaphore_mem>>)
    %add3A_37 = arith.constant 0 : i32
    %add3A_38 = arith.addi %mul3A_2, %add3A_37 : i32
    %dma_start3A_39 = arith.constant 0 : i32
    %dma_start3A_40 = arith.constant 0 : i32
    %dma_start3A_41 = arith.constant 0 : i32
    %dma_start3A_42 = tpu.memref_slice %arg6[%dma_start3A_39, %dma_start3A_40, %dma_start3A_41] : memref<2x50x64xf32, #tpu.memory_space<vmem>> -> memref<1x25x64xf32, #tpu.memory_space<vmem>>
    %dma_start3A_43 = tpu.memref_squeeze %dma_start3A_42 : memref<1x25x64xf32, #tpu.memory_space<vmem>> -> memref<25x64xf32, #tpu.memory_space<vmem>>
    %dma_start3A_44 = arith.constant 0 : i32
    %dma_start3A_45 = arith.constant 0 : i32
    %dma_start3A_46 = tpu.memref_slice %arg4[%dma_start3A_44, %add3A_38, %dma_start3A_45] : memref<25x4096x128xf32, #tpu.memory_space<hbm>> -> memref<25x1x64xf32, #tpu.memory_space<hbm>>
    %dma_start3A_47 = tpu.memref_squeeze %dma_start3A_46 : memref<25x1x64xf32, #tpu.memory_space<hbm>> -> memref<25x64xf32, #tpu.memory_space<hbm>>
    %dma_start3A_48 = arith.constant 0 : i32
    %dma_start3A_49 = arith.constant 0 : i32
    %dma_start3A_50 = tpu.memref_slice %arg4[%dma_start3A_48, %add3A_38, %dma_start3A_49] : memref<25x4096x128xf32, #tpu.memory_space<hbm>> -> memref<25x1x64xf32, #tpu.memory_space<hbm>>
    %dma_start3A_51 = tpu.memref_squeeze %dma_start3A_50 : memref<25x1x64xf32, #tpu.memory_space<hbm>> -> memref<25x64xf32, #tpu.memory_space<hbm>>
    %dma_start3A_52 = arith.constant 0 : i32
    %dma_start3A_53 = arith.constant 0 : i32
    %dma_start3A_54 = tpu.memref_slice %arg6[%dma_start3A_39, %dma_start3A_52, %dma_start3A_53] : memref<2x50x64xf32, #tpu.memory_space<vmem>> -> memref<1x25x64xf32, #tpu.memory_space<vmem>>
    %dma_start3A_55 = tpu.memref_squeeze %dma_start3A_54 : memref<1x25x64xf32, #tpu.memory_space<vmem>> -> memref<25x64xf32, #tpu.memory_space<vmem>>
    tpu.enqueue_dma source(%dma_start3A_55 : memref<25x64xf32, #tpu.memory_space<vmem>>) target(%dma_start3A_51 : memref<25x64xf32, #tpu.memory_space<hbm>>) target_semaphore(%arg8 : memref<!tpu.dma_semaphore, #tpu.memory_space<semaphore_mem>>)
    %dma_start3A_56 = arith.constant 0 : i32
    %dma_start3A_57 = arith.constant 25 : i32
    %dma_start3A_58 = arith.constant 0 : i32
    %dma_start3A_59 = tpu.memref_slice %arg6[%dma_start3A_56, %dma_start3A_57, %dma_start3A_58] : memref<2x50x64xf32, #tpu.memory_space<vmem>> -> memref<1x25x64xf32, #tpu.memory_space<vmem>>
    %dma_start3A_60 = tpu.memref_squeeze %dma_start3A_59 : memref<1x25x64xf32, #tpu.memory_space<vmem>> -> memref<25x64xf32, #tpu.memory_space<vmem>>
    %dma_start3A_61 = arith.constant 0 : i32
    %dma_start3A_62 = arith.constant 64 : i32
    %dma_start3A_63 = tpu.memref_slice %arg4[%dma_start3A_61, %add3A_38, %dma_start3A_62] : memref<25x4096x128xf32, #tpu.memory_space<hbm>> -> memref<25x1x64xf32, #tpu.memory_space<hbm>>
    %dma_start3A_64 = tpu.memref_squeeze %dma_start3A_63 : memref<25x1x64xf32, #tpu.memory_space<hbm>> -> memref<25x64xf32, #tpu.memory_space<hbm>>
    %dma_start3A_65 = arith.constant 0 : i32
    %dma_start3A_66 = arith.constant 64 : i32
    %dma_start3A_67 = tpu.memref_slice %arg4[%dma_start3A_65, %add3A_38, %dma_start3A_66] : memref<25x4096x128xf32, #tpu.memory_space<hbm>> -> memref<25x1x64xf32, #tpu.memory_space<hbm>>
    %dma_start3A_68 = tpu.memref_squeeze %dma_start3A_67 : memref<25x1x64xf32, #tpu.memory_space<hbm>> -> memref<25x64xf32, #tpu.memory_space<hbm>>
    %dma_start3A_69 = arith.constant 25 : i32
    %dma_start3A_70 = arith.constant 0 : i32
    %dma_start3A_71 = tpu.memref_slice %arg6[%dma_start3A_56, %dma_start3A_69, %dma_start3A_70] : memref<2x50x64xf32, #tpu.memory_space<vmem>> -> memref<1x25x64xf32, #tpu.memory_space<vmem>>
    %dma_start3A_72 = tpu.memref_squeeze %dma_start3A_71 : memref<1x25x64xf32, #tpu.memory_space<vmem>> -> memref<25x64xf32, #tpu.memory_space<vmem>>
    tpu.enqueue_dma source(%dma_start3A_72 : memref<25x64xf32, #tpu.memory_space<vmem>>) target(%dma_start3A_68 : memref<25x64xf32, #tpu.memory_space<hbm>>) target_semaphore(%arg8 : memref<!tpu.dma_semaphore, #tpu.memory_space<semaphore_mem>>)
    %scan3A = arith.constant 0 : i32
    %scan3A_73 = arith.constant 1 : i32
    %scan3A_74 = arith.constant 126 : i32
    %scan3A_75 = arith.addi %scan3A_73, %scan3A_74 : i32
    %scan3A_76 = arith.constant 1 : i32
    scf.for %scan3A_198 = %scan3A_73 to %scan3A_75 step %scan3A_76  : i32 {
      %dma_wait3A_199 = arith.constant 0 : i32
      %dma_wait3A_200 = arith.constant 0 : i32
      %dma_wait3A_201 = arith.constant 0 : i32
      %dma_wait3A_202 = arith.constant 0 : i32
      %dma_wait3A_203 = tpu.memref_slice %arg6[%dma_wait3A_199, %dma_wait3A_201, %dma_wait3A_202] : memref<2x50x64xf32, #tpu.memory_space<vmem>> -> memref<1x25x64xf32, #tpu.memory_space<vmem>>
      %dma_wait3A_204 = tpu.memref_squeeze %dma_wait3A_203 : memref<1x25x64xf32, #tpu.memory_space<vmem>> -> memref<25x64xf32, #tpu.memory_space<vmem>>
      %dma_wait3A_205 = arith.constant 0 : i32
      %dma_wait3A_206 = arith.constant 0 : i32
      %dma_wait3A_207 = tpu.memref_slice %arg4[%dma_wait3A_205, %dma_wait3A_200, %dma_wait3A_206] : memref<25x4096x128xf32, #tpu.memory_space<hbm>> -> memref<25x1x64xf32, #tpu.memory_space<hbm>>
      %dma_wait3A_208 = tpu.memref_squeeze %dma_wait3A_207 : memref<25x1x64xf32, #tpu.memory_space<hbm>> -> memref<25x64xf32, #tpu.memory_space<hbm>>
      %dma_wait3A_209 = arith.constant 0 : i32
      %dma_wait3A_210 = arith.constant 0 : i32
      %dma_wait3A_211 = tpu.memref_slice %arg4[%dma_wait3A_209, %dma_wait3A_200, %dma_wait3A_210] : memref<25x4096x128xf32, #tpu.memory_space<hbm>> -> memref<25x1x64xf32, #tpu.memory_space<hbm>>
      %dma_wait3A_212 = tpu.memref_squeeze %dma_wait3A_211 : memref<25x1x64xf32, #tpu.memory_space<hbm>> -> memref<25x64xf32, #tpu.memory_space<hbm>>
      %dma_wait3A_213 = arith.constant 0 : i32
      %dma_wait3A_214 = arith.constant 0 : i32
      %dma_wait3A_215 = tpu.memref_slice %arg6[%dma_wait3A_199, %dma_wait3A_213, %dma_wait3A_214] : memref<2x50x64xf32, #tpu.memory_space<vmem>> -> memref<1x25x64xf32, #tpu.memory_space<vmem>>
      %dma_wait3A_216 = tpu.memref_squeeze %dma_wait3A_215 : memref<1x25x64xf32, #tpu.memory_space<vmem>> -> memref<25x64xf32, #tpu.memory_space<vmem>>
      tpu.wait_dma2 semaphore(%arg8 : memref<!tpu.dma_semaphore, #tpu.memory_space<semaphore_mem>>) src(%dma_wait3A_216 : memref<25x64xf32, #tpu.memory_space<vmem>>) dst(%dma_wait3A_212 : memref<25x64xf32, #tpu.memory_space<hbm>>)
      %dma_wait3A_217 = arith.constant 0 : i32
      %dma_wait3A_218 = arith.constant 0 : i32
      %dma_wait3A_219 = arith.constant 25 : i32
      %dma_wait3A_220 = arith.constant 0 : i32
      %dma_wait3A_221 = tpu.memref_slice %arg6[%dma_wait3A_217, %dma_wait3A_219, %dma_wait3A_220] : memref<2x50x64xf32, #tpu.memory_space<vmem>> -> memref<1x25x64xf32, #tpu.memory_space<vmem>>
      %dma_wait3A_222 = tpu.memref_squeeze %dma_wait3A_221 : memref<1x25x64xf32, #tpu.memory_space<vmem>> -> memref<25x64xf32, #tpu.memory_space<vmem>>
      %dma_wait3A_223 = arith.constant 0 : i32
      %dma_wait3A_224 = arith.constant 64 : i32
      %dma_wait3A_225 = tpu.memref_slice %arg4[%dma_wait3A_223, %dma_wait3A_218, %dma_wait3A_224] : memref<25x4096x128xf32, #tpu.memory_space<hbm>> -> memref<25x1x64xf32, #tpu.memory_space<hbm>>
      %dma_wait3A_226 = tpu.memref_squeeze %dma_wait3A_225 : memref<25x1x64xf32, #tpu.memory_space<hbm>> -> memref<25x64xf32, #tpu.memory_space<hbm>>
      %dma_wait3A_227 = arith.constant 0 : i32
      %dma_wait3A_228 = arith.constant 64 : i32
      %dma_wait3A_229 = tpu.memref_slice %arg4[%dma_wait3A_227, %dma_wait3A_218, %dma_wait3A_228] : memref<25x4096x128xf32, #tpu.memory_space<hbm>> -> memref<25x1x64xf32, #tpu.memory_space<hbm>>
      %dma_wait3A_230 = tpu.memref_squeeze %dma_wait3A_229 : memref<25x1x64xf32, #tpu.memory_space<hbm>> -> memref<25x64xf32, #tpu.memory_space<hbm>>
      %dma_wait3A_231 = arith.constant 25 : i32
      %dma_wait3A_232 = arith.constant 0 : i32
      %dma_wait3A_233 = tpu.memref_slice %arg6[%dma_wait3A_217, %dma_wait3A_231, %dma_wait3A_232] : memref<2x50x64xf32, #tpu.memory_space<vmem>> -> memref<1x25x64xf32, #tpu.memory_space<vmem>>
      %dma_wait3A_234 = tpu.memref_squeeze %dma_wait3A_233 : memref<1x25x64xf32, #tpu.memory_space<vmem>> -> memref<25x64xf32, #tpu.memory_space<vmem>>
      tpu.wait_dma2 semaphore(%arg8 : memref<!tpu.dma_semaphore, #tpu.memory_space<semaphore_mem>>) src(%dma_wait3A_234 : memref<25x64xf32, #tpu.memory_space<vmem>>) dst(%dma_wait3A_230 : memref<25x64xf32, #tpu.memory_space<hbm>>)
      %add3A_235 = arith.constant 1 : i32
      %add3A_236 = arith.addi %scan3A_198, %add3A_235 : i32
      %add3A_237 = arith.constant 1 : i32
      %add3A_238 = arith.addi %scan3A_198, %add3A_237 : i32
      %jit3A = arith.constant 2 : i32
      %eq3A = arith.constant 0 : i32
      %eq3A_239 = arith.cmpi eq, %jit3A, %eq3A : i32
      %jit3A_240 = arith.constant 1 : i32
      %select_n3A = arith.select %eq3A_239, %jit3A_240, %jit3A : i32
      %rem3A = arith.remsi %add3A_238, %select_n3A : i32
      %ne3A = arith.constant 0 : i32
      %ne3A_241 = arith.cmpi ne, %rem3A, %ne3A : i32
      %lt3A = arith.constant 0 : i32
      %lt3A_242 = arith.cmpi slt, %rem3A, %lt3A : i32
      %lt3A_243 = arith.constant 0 : i32
      %lt3A_244 = arith.cmpi slt, %select_n3A, %lt3A_243 : i32
      %ne3A_245 = arith.xori %lt3A_242, %lt3A_244 : i1
      %and3A = arith.andi %ne3A_245, %ne3A_241 : i1
      %add3A_246 = arith.addi %rem3A, %select_n3A : i32
      %select_n3A_247 = arith.select %and3A, %add3A_246, %rem3A : i32
      %dma_start3A_248 = arith.constant 0 : i32
      %dma_start3A_249 = arith.constant 0 : i32
      %dma_start3A_250 = tpu.memref_slice %arg6[%select_n3A_247, %dma_start3A_248, %dma_start3A_249] : memref<2x50x64xf32, #tpu.memory_space<vmem>> -> memref<1x50x64xf32, #tpu.memory_space<vmem>>
      %dma_start3A_251 = tpu.memref_squeeze %dma_start3A_250 : memref<1x50x64xf32, #tpu.memory_space<vmem>> -> memref<50x64xf32, #tpu.memory_space<vmem>>
      %dma_start3A_252 = arith.constant 0 : i32
      %dma_start3A_253 = tpu.memref_slice %arg5[%add3A_236, %dma_start3A_252] : memref<128x50xi32, #tpu.memory_space<vmem>> -> memref<1x50xi32, #tpu.memory_space<vmem>>
      %dma_start3A_254 = tpu.memref_squeeze %dma_start3A_253 : memref<1x50xi32, #tpu.memory_space<vmem>> -> memref<50xi32, #tpu.memory_space<vmem>>
      %dma_start3A_255 = arith.constant 0 : i32
      %dma_start3A_256 = arith.constant 0 : i32
      %dma_start3A_257 = tpu.memref_slice %arg2[%dma_start3A_255, %dma_start3A_256] : memref<1007616x64xf32, #tpu.memory_space<hbm>> -> memref<1007616x64xf32, #tpu.memory_space<hbm>>
      tpu.enqueue_indirect_dma source(%dma_start3A_257 : memref<1007616x64xf32, #tpu.memory_space<hbm>>) target(%dma_start3A_251 : memref<50x64xf32, #tpu.memory_space<vmem>>) offsets(%dma_start3A_254 : memref<50xi32, #tpu.memory_space<vmem>>) semaphore(%arg7 : memref<!tpu.dma_semaphore, #tpu.memory_space<semaphore_mem>>)
      %jit3A_258 = arith.constant 2 : i32
      %eq3A_259 = arith.constant 0 : i32
      %eq3A_260 = arith.cmpi eq, %jit3A_258, %eq3A_259 : i32
      %jit3A_261 = arith.constant 1 : i32
      %select_n3A_262 = arith.select %eq3A_260, %jit3A_261, %jit3A_258 : i32
      %rem3A_263 = arith.remsi %scan3A_198, %select_n3A_262 : i32
      %ne3A_264 = arith.constant 0 : i32
      %ne3A_265 = arith.cmpi ne, %rem3A_263, %ne3A_264 : i32
      %lt3A_266 = arith.constant 0 : i32
      %lt3A_267 = arith.cmpi slt, %rem3A_263, %lt3A_266 : i32
      %lt3A_268 = arith.constant 0 : i32
      %lt3A_269 = arith.cmpi slt, %select_n3A_262, %lt3A_268 : i32
      %ne3A_270 = arith.xori %lt3A_267, %lt3A_269 : i1
      %and3A_271 = arith.andi %ne3A_270, %ne3A_265 : i1
      %add3A_272 = arith.addi %rem3A_263, %select_n3A_262 : i32
      %select_n3A_273 = arith.select %and3A_271, %add3A_272, %rem3A_263 : i32
      %dma_wait3A_274 = arith.constant 0 : i32
      %dma_wait3A_275 = arith.constant 0 : i32
      %dma_wait3A_276 = tpu.memref_slice %arg6[%select_n3A_273, %dma_wait3A_274, %dma_wait3A_275] : memref<2x50x64xf32, #tpu.memory_space<vmem>> -> memref<1x50x64xf32, #tpu.memory_space<vmem>>
      %dma_wait3A_277 = tpu.memref_squeeze %dma_wait3A_276 : memref<1x50x64xf32, #tpu.memory_space<vmem>> -> memref<50x64xf32, #tpu.memory_space<vmem>>
      %dma_wait3A_278 = arith.constant 0 : i32
      %dma_wait3A_279 = tpu.memref_slice %arg5[%scan3A_198, %dma_wait3A_278] : memref<128x50xi32, #tpu.memory_space<vmem>> -> memref<1x50xi32, #tpu.memory_space<vmem>>
      %dma_wait3A_280 = tpu.memref_squeeze %dma_wait3A_279 : memref<1x50xi32, #tpu.memory_space<vmem>> -> memref<50xi32, #tpu.memory_space<vmem>>
      %dma_wait3A_281 = arith.constant 0 : i32
      %dma_wait3A_282 = arith.constant 0 : i32
      %dma_wait3A_283 = tpu.memref_slice %arg2[%dma_wait3A_281, %dma_wait3A_282] : memref<1007616x64xf32, #tpu.memory_space<hbm>> -> memref<1007616x64xf32, #tpu.memory_space<hbm>>
      tpu.wait_indirect_dma semaphore(%arg7 : memref<!tpu.dma_semaphore, #tpu.memory_space<semaphore_mem>>) src(%dma_wait3A_283 : memref<1007616x64xf32, #tpu.memory_space<hbm>>) dst(%dma_wait3A_277 : memref<50x64xf32, #tpu.memory_space<vmem>>)
      %jit3A_284 = arith.constant 2 : i32
      %eq3A_285 = arith.constant 0 : i32
      %eq3A_286 = arith.cmpi eq, %jit3A_284, %eq3A_285 : i32
      %jit3A_287 = arith.constant 1 : i32
      %select_n3A_288 = arith.select %eq3A_286, %jit3A_287, %jit3A_284 : i32
      %rem3A_289 = arith.remsi %scan3A_198, %select_n3A_288 : i32
      %ne3A_290 = arith.constant 0 : i32
      %ne3A_291 = arith.cmpi ne, %rem3A_289, %ne3A_290 : i32
      %lt3A_292 = arith.constant 0 : i32
      %lt3A_293 = arith.cmpi slt, %rem3A_289, %lt3A_292 : i32
      %lt3A_294 = arith.constant 0 : i32
      %lt3A_295 = arith.cmpi slt, %select_n3A_288, %lt3A_294 : i32
      %ne3A_296 = arith.xori %lt3A_293, %lt3A_295 : i1
      %and3A_297 = arith.andi %ne3A_296, %ne3A_291 : i1
      %add3A_298 = arith.addi %rem3A_289, %select_n3A_288 : i32
      %select_n3A_299 = arith.select %and3A_297, %add3A_298, %rem3A_289 : i32
      %add3A_300 = arith.addi %mul3A_2, %scan3A_198 : i32
      %dma_start3A_301 = arith.constant 0 : i32
      %dma_start3A_302 = arith.constant 0 : i32
      %dma_start3A_303 = tpu.memref_slice %arg6[%select_n3A_299, %dma_start3A_301, %dma_start3A_302] : memref<2x50x64xf32, #tpu.memory_space<vmem>> -> memref<1x25x64xf32, #tpu.memory_space<vmem>>
      %dma_start3A_304 = tpu.memref_squeeze %dma_start3A_303 : memref<1x25x64xf32, #tpu.memory_space<vmem>> -> memref<25x64xf32, #tpu.memory_space<vmem>>
      %dma_start3A_305 = arith.constant 0 : i32
      %dma_start3A_306 = arith.constant 0 : i32
      %dma_start3A_307 = tpu.memref_slice %arg4[%dma_start3A_305, %add3A_300, %dma_start3A_306] : memref<25x4096x128xf32, #tpu.memory_space<hbm>> -> memref<25x1x64xf32, #tpu.memory_space<hbm>>
      %dma_start3A_308 = tpu.memref_squeeze %dma_start3A_307 : memref<25x1x64xf32, #tpu.memory_space<hbm>> -> memref<25x64xf32, #tpu.memory_space<hbm>>
      %dma_start3A_309 = arith.constant 0 : i32
      %dma_start3A_310 = arith.constant 0 : i32
      %dma_start3A_311 = tpu.memref_slice %arg4[%dma_start3A_309, %add3A_300, %dma_start3A_310] : memref<25x4096x128xf32, #tpu.memory_space<hbm>> -> memref<25x1x64xf32, #tpu.memory_space<hbm>>
      %dma_start3A_312 = tpu.memref_squeeze %dma_start3A_311 : memref<25x1x64xf32, #tpu.memory_space<hbm>> -> memref<25x64xf32, #tpu.memory_space<hbm>>
      %dma_start3A_313 = arith.constant 0 : i32
      %dma_start3A_314 = arith.constant 0 : i32
      %dma_start3A_315 = tpu.memref_slice %arg6[%select_n3A_299, %dma_start3A_313, %dma_start3A_314] : memref<2x50x64xf32, #tpu.memory_space<vmem>> -> memref<1x25x64xf32, #tpu.memory_space<vmem>>
      %dma_start3A_316 = tpu.memref_squeeze %dma_start3A_315 : memref<1x25x64xf32, #tpu.memory_space<vmem>> -> memref<25x64xf32, #tpu.memory_space<vmem>>
      tpu.enqueue_dma source(%dma_start3A_316 : memref<25x64xf32, #tpu.memory_space<vmem>>) target(%dma_start3A_312 : memref<25x64xf32, #tpu.memory_space<hbm>>) target_semaphore(%arg8 : memref<!tpu.dma_semaphore, #tpu.memory_space<semaphore_mem>>)
      %dma_start3A_317 = arith.constant 25 : i32
      %dma_start3A_318 = arith.constant 0 : i32
      %dma_start3A_319 = tpu.memref_slice %arg6[%select_n3A_299, %dma_start3A_317, %dma_start3A_318] : memref<2x50x64xf32, #tpu.memory_space<vmem>> -> memref<1x25x64xf32, #tpu.memory_space<vmem>>
      %dma_start3A_320 = tpu.memref_squeeze %dma_start3A_319 : memref<1x25x64xf32, #tpu.memory_space<vmem>> -> memref<25x64xf32, #tpu.memory_space<vmem>>
      %dma_start3A_321 = arith.constant 0 : i32
      %dma_start3A_322 = arith.constant 64 : i32
      %dma_start3A_323 = tpu.memref_slice %arg4[%dma_start3A_321, %add3A_300, %dma_start3A_322] : memref<25x4096x128xf32, #tpu.memory_space<hbm>> -> memref<25x1x64xf32, #tpu.memory_space<hbm>>
      %dma_start3A_324 = tpu.memref_squeeze %dma_start3A_323 : memref<25x1x64xf32, #tpu.memory_space<hbm>> -> memref<25x64xf32, #tpu.memory_space<hbm>>
      %dma_start3A_325 = arith.constant 0 : i32
      %dma_start3A_326 = arith.constant 64 : i32
      %dma_start3A_327 = tpu.memref_slice %arg4[%dma_start3A_325, %add3A_300, %dma_start3A_326] : memref<25x4096x128xf32, #tpu.memory_space<hbm>> -> memref<25x1x64xf32, #tpu.memory_space<hbm>>
      %dma_start3A_328 = tpu.memref_squeeze %dma_start3A_327 : memref<25x1x64xf32, #tpu.memory_space<hbm>> -> memref<25x64xf32, #tpu.memory_space<hbm>>
      %dma_start3A_329 = arith.constant 25 : i32
      %dma_start3A_330 = arith.constant 0 : i32
      %dma_start3A_331 = tpu.memref_slice %arg6[%select_n3A_299, %dma_start3A_329, %dma_start3A_330] : memref<2x50x64xf32, #tpu.memory_space<vmem>> -> memref<1x25x64xf32, #tpu.memory_space<vmem>>
      %dma_start3A_332 = tpu.memref_squeeze %dma_start3A_331 : memref<1x25x64xf32, #tpu.memory_space<vmem>> -> memref<25x64xf32, #tpu.memory_space<vmem>>
      tpu.enqueue_dma source(%dma_start3A_332 : memref<25x64xf32, #tpu.memory_space<vmem>>) target(%dma_start3A_328 : memref<25x64xf32, #tpu.memory_space<hbm>>) target_semaphore(%arg8 : memref<!tpu.dma_semaphore, #tpu.memory_space<semaphore_mem>>)
    }
    %scan3A_77 = arith.constant 126 : i32
    %dma_wait3A_78 = arith.constant 0 : i32
    %dma_wait3A_79 = arith.constant 0 : i32
    %dma_wait3A_80 = arith.constant 0 : i32
    %dma_wait3A_81 = arith.constant 0 : i32
    %dma_wait3A_82 = tpu.memref_slice %arg6[%dma_wait3A_78, %dma_wait3A_80, %dma_wait3A_81] : memref<2x50x64xf32, #tpu.memory_space<vmem>> -> memref<1x25x64xf32, #tpu.memory_space<vmem>>
    %dma_wait3A_83 = tpu.memref_squeeze %dma_wait3A_82 : memref<1x25x64xf32, #tpu.memory_space<vmem>> -> memref<25x64xf32, #tpu.memory_space<vmem>>
    %dma_wait3A_84 = arith.constant 0 : i32
    %dma_wait3A_85 = arith.constant 0 : i32
    %dma_wait3A_86 = tpu.memref_slice %arg4[%dma_wait3A_84, %dma_wait3A_79, %dma_wait3A_85] : memref<25x4096x128xf32, #tpu.memory_space<hbm>> -> memref<25x1x64xf32, #tpu.memory_space<hbm>>
    %dma_wait3A_87 = tpu.memref_squeeze %dma_wait3A_86 : memref<25x1x64xf32, #tpu.memory_space<hbm>> -> memref<25x64xf32, #tpu.memory_space<hbm>>
    %dma_wait3A_88 = arith.constant 0 : i32
    %dma_wait3A_89 = arith.constant 0 : i32
    %dma_wait3A_90 = tpu.memref_slice %arg4[%dma_wait3A_88, %dma_wait3A_79, %dma_wait3A_89] : memref<25x4096x128xf32, #tpu.memory_space<hbm>> -> memref<25x1x64xf32, #tpu.memory_space<hbm>>
    %dma_wait3A_91 = tpu.memref_squeeze %dma_wait3A_90 : memref<25x1x64xf32, #tpu.memory_space<hbm>> -> memref<25x64xf32, #tpu.memory_space<hbm>>
    %dma_wait3A_92 = arith.constant 0 : i32
    %dma_wait3A_93 = arith.constant 0 : i32
    %dma_wait3A_94 = tpu.memref_slice %arg6[%dma_wait3A_78, %dma_wait3A_92, %dma_wait3A_93] : memref<2x50x64xf32, #tpu.memory_space<vmem>> -> memref<1x25x64xf32, #tpu.memory_space<vmem>>
    %dma_wait3A_95 = tpu.memref_squeeze %dma_wait3A_94 : memref<1x25x64xf32, #tpu.memory_space<vmem>> -> memref<25x64xf32, #tpu.memory_space<vmem>>
    tpu.wait_dma2 semaphore(%arg8 : memref<!tpu.dma_semaphore, #tpu.memory_space<semaphore_mem>>) src(%dma_wait3A_95 : memref<25x64xf32, #tpu.memory_space<vmem>>) dst(%dma_wait3A_91 : memref<25x64xf32, #tpu.memory_space<hbm>>)
    %dma_wait3A_96 = arith.constant 0 : i32
    %dma_wait3A_97 = arith.constant 0 : i32
    %dma_wait3A_98 = arith.constant 25 : i32
    %dma_wait3A_99 = arith.constant 0 : i32
    %dma_wait3A_100 = tpu.memref_slice %arg6[%dma_wait3A_96, %dma_wait3A_98, %dma_wait3A_99] : memref<2x50x64xf32, #tpu.memory_space<vmem>> -> memref<1x25x64xf32, #tpu.memory_space<vmem>>
    %dma_wait3A_101 = tpu.memref_squeeze %dma_wait3A_100 : memref<1x25x64xf32, #tpu.memory_space<vmem>> -> memref<25x64xf32, #tpu.memory_space<vmem>>
    %dma_wait3A_102 = arith.constant 0 : i32
    %dma_wait3A_103 = arith.constant 64 : i32
    %dma_wait3A_104 = tpu.memref_slice %arg4[%dma_wait3A_102, %dma_wait3A_97, %dma_wait3A_103] : memref<25x4096x128xf32, #tpu.memory_space<hbm>> -> memref<25x1x64xf32, #tpu.memory_space<hbm>>
    %dma_wait3A_105 = tpu.memref_squeeze %dma_wait3A_104 : memref<25x1x64xf32, #tpu.memory_space<hbm>> -> memref<25x64xf32, #tpu.memory_space<hbm>>
    %dma_wait3A_106 = arith.constant 0 : i32
    %dma_wait3A_107 = arith.constant 64 : i32
    %dma_wait3A_108 = tpu.memref_slice %arg4[%dma_wait3A_106, %dma_wait3A_97, %dma_wait3A_107] : memref<25x4096x128xf32, #tpu.memory_space<hbm>> -> memref<25x1x64xf32, #tpu.memory_space<hbm>>
    %dma_wait3A_109 = tpu.memref_squeeze %dma_wait3A_108 : memref<25x1x64xf32, #tpu.memory_space<hbm>> -> memref<25x64xf32, #tpu.memory_space<hbm>>
    %dma_wait3A_110 = arith.constant 25 : i32
    %dma_wait3A_111 = arith.constant 0 : i32
    %dma_wait3A_112 = tpu.memref_slice %arg6[%dma_wait3A_96, %dma_wait3A_110, %dma_wait3A_111] : memref<2x50x64xf32, #tpu.memory_space<vmem>> -> memref<1x25x64xf32, #tpu.memory_space<vmem>>
    %dma_wait3A_113 = tpu.memref_squeeze %dma_wait3A_112 : memref<1x25x64xf32, #tpu.memory_space<vmem>> -> memref<25x64xf32, #tpu.memory_space<vmem>>
    tpu.wait_dma2 semaphore(%arg8 : memref<!tpu.dma_semaphore, #tpu.memory_space<semaphore_mem>>) src(%dma_wait3A_113 : memref<25x64xf32, #tpu.memory_space<vmem>>) dst(%dma_wait3A_109 : memref<25x64xf32, #tpu.memory_space<hbm>>)
    %dma_wait3A_114 = arith.constant 127 : i32
    %dma_wait3A_115 = arith.constant 1 : i32
    %dma_wait3A_116 = arith.constant 0 : i32
    %dma_wait3A_117 = arith.constant 0 : i32
    %dma_wait3A_118 = tpu.memref_slice %arg6[%dma_wait3A_115, %dma_wait3A_116, %dma_wait3A_117] : memref<2x50x64xf32, #tpu.memory_space<vmem>> -> memref<1x50x64xf32, #tpu.memory_space<vmem>>
    %dma_wait3A_119 = tpu.memref_squeeze %dma_wait3A_118 : memref<1x50x64xf32, #tpu.memory_space<vmem>> -> memref<50x64xf32, #tpu.memory_space<vmem>>
    %dma_wait3A_120 = arith.constant 0 : i32
    %dma_wait3A_121 = tpu.memref_slice %arg5[%dma_wait3A_114, %dma_wait3A_120] : memref<128x50xi32, #tpu.memory_space<vmem>> -> memref<1x50xi32, #tpu.memory_space<vmem>>
    %dma_wait3A_122 = tpu.memref_squeeze %dma_wait3A_121 : memref<1x50xi32, #tpu.memory_space<vmem>> -> memref<50xi32, #tpu.memory_space<vmem>>
    %dma_wait3A_123 = arith.constant 0 : i32
    %dma_wait3A_124 = arith.constant 0 : i32
    %dma_wait3A_125 = tpu.memref_slice %arg2[%dma_wait3A_123, %dma_wait3A_124] : memref<1007616x64xf32, #tpu.memory_space<hbm>> -> memref<1007616x64xf32, #tpu.memory_space<hbm>>
    tpu.wait_indirect_dma semaphore(%arg7 : memref<!tpu.dma_semaphore, #tpu.memory_space<semaphore_mem>>) src(%dma_wait3A_125 : memref<1007616x64xf32, #tpu.memory_space<hbm>>) dst(%dma_wait3A_119 : memref<50x64xf32, #tpu.memory_space<vmem>>)
    %add3A_126 = arith.constant 127 : i32
    %add3A_127 = arith.addi %mul3A_2, %add3A_126 : i32
    %dma_start3A_128 = arith.constant 1 : i32
    %dma_start3A_129 = arith.constant 0 : i32
    %dma_start3A_130 = arith.constant 0 : i32
    %dma_start3A_131 = tpu.memref_slice %arg6[%dma_start3A_128, %dma_start3A_129, %dma_start3A_130] : memref<2x50x64xf32, #tpu.memory_space<vmem>> -> memref<1x25x64xf32, #tpu.memory_space<vmem>>
    %dma_start3A_132 = tpu.memref_squeeze %dma_start3A_131 : memref<1x25x64xf32, #tpu.memory_space<vmem>> -> memref<25x64xf32, #tpu.memory_space<vmem>>
    %dma_start3A_133 = arith.constant 0 : i32
    %dma_start3A_134 = arith.constant 0 : i32
    %dma_start3A_135 = tpu.memref_slice %arg4[%dma_start3A_133, %add3A_127, %dma_start3A_134] : memref<25x4096x128xf32, #tpu.memory_space<hbm>> -> memref<25x1x64xf32, #tpu.memory_space<hbm>>
    %dma_start3A_136 = tpu.memref_squeeze %dma_start3A_135 : memref<25x1x64xf32, #tpu.memory_space<hbm>> -> memref<25x64xf32, #tpu.memory_space<hbm>>
    %dma_start3A_137 = arith.constant 0 : i32
    %dma_start3A_138 = arith.constant 0 : i32
    %dma_start3A_139 = tpu.memref_slice %arg4[%dma_start3A_137, %add3A_127, %dma_start3A_138] : memref<25x4096x128xf32, #tpu.memory_space<hbm>> -> memref<25x1x64xf32, #tpu.memory_space<hbm>>
    %dma_start3A_140 = tpu.memref_squeeze %dma_start3A_139 : memref<25x1x64xf32, #tpu.memory_space<hbm>> -> memref<25x64xf32, #tpu.memory_space<hbm>>
    %dma_start3A_141 = arith.constant 0 : i32
    %dma_start3A_142 = arith.constant 0 : i32
    %dma_start3A_143 = tpu.memref_slice %arg6[%dma_start3A_128, %dma_start3A_141, %dma_start3A_142] : memref<2x50x64xf32, #tpu.memory_space<vmem>> -> memref<1x25x64xf32, #tpu.memory_space<vmem>>
    %dma_start3A_144 = tpu.memref_squeeze %dma_start3A_143 : memref<1x25x64xf32, #tpu.memory_space<vmem>> -> memref<25x64xf32, #tpu.memory_space<vmem>>
    tpu.enqueue_dma source(%dma_start3A_144 : memref<25x64xf32, #tpu.memory_space<vmem>>) target(%dma_start3A_140 : memref<25x64xf32, #tpu.memory_space<hbm>>) target_semaphore(%arg8 : memref<!tpu.dma_semaphore, #tpu.memory_space<semaphore_mem>>)
    %dma_start3A_145 = arith.constant 1 : i32
    %dma_start3A_146 = arith.constant 25 : i32
    %dma_start3A_147 = arith.constant 0 : i32
    %dma_start3A_148 = tpu.memref_slice %arg6[%dma_start3A_145, %dma_start3A_146, %dma_start3A_147] : memref<2x50x64xf32, #tpu.memory_space<vmem>> -> memref<1x25x64xf32, #tpu.memory_space<vmem>>
    %dma_start3A_149 = tpu.memref_squeeze %dma_start3A_148 : memref<1x25x64xf32, #tpu.memory_space<vmem>> -> memref<25x64xf32, #tpu.memory_space<vmem>>
    %dma_start3A_150 = arith.constant 0 : i32
    %dma_start3A_151 = arith.constant 64 : i32
    %dma_start3A_152 = tpu.memref_slice %arg4[%dma_start3A_150, %add3A_127, %dma_start3A_151] : memref<25x4096x128xf32, #tpu.memory_space<hbm>> -> memref<25x1x64xf32, #tpu.memory_space<hbm>>
    %dma_start3A_153 = tpu.memref_squeeze %dma_start3A_152 : memref<25x1x64xf32, #tpu.memory_space<hbm>> -> memref<25x64xf32, #tpu.memory_space<hbm>>
    %dma_start3A_154 = arith.constant 0 : i32
    %dma_start3A_155 = arith.constant 64 : i32
    %dma_start3A_156 = tpu.memref_slice %arg4[%dma_start3A_154, %add3A_127, %dma_start3A_155] : memref<25x4096x128xf32, #tpu.memory_space<hbm>> -> memref<25x1x64xf32, #tpu.memory_space<hbm>>
    %dma_start3A_157 = tpu.memref_squeeze %dma_start3A_156 : memref<25x1x64xf32, #tpu.memory_space<hbm>> -> memref<25x64xf32, #tpu.memory_space<hbm>>
    %dma_start3A_158 = arith.constant 25 : i32
    %dma_start3A_159 = arith.constant 0 : i32
    %dma_start3A_160 = tpu.memref_slice %arg6[%dma_start3A_145, %dma_start3A_158, %dma_start3A_159] : memref<2x50x64xf32, #tpu.memory_space<vmem>> -> memref<1x25x64xf32, #tpu.memory_space<vmem>>
    %dma_start3A_161 = tpu.memref_squeeze %dma_start3A_160 : memref<1x25x64xf32, #tpu.memory_space<vmem>> -> memref<25x64xf32, #tpu.memory_space<vmem>>
    tpu.enqueue_dma source(%dma_start3A_161 : memref<25x64xf32, #tpu.memory_space<vmem>>) target(%dma_start3A_157 : memref<25x64xf32, #tpu.memory_space<hbm>>) target_semaphore(%arg8 : memref<!tpu.dma_semaphore, #tpu.memory_space<semaphore_mem>>)
    %dma_wait3A_162 = arith.constant 0 : i32
    %dma_wait3A_163 = arith.constant 0 : i32
    %dma_wait3A_164 = arith.constant 0 : i32
    %dma_wait3A_165 = arith.constant 0 : i32
    %dma_wait3A_166 = tpu.memref_slice %arg6[%dma_wait3A_162, %dma_wait3A_164, %dma_wait3A_165] : memref<2x50x64xf32, #tpu.memory_space<vmem>> -> memref<1x25x64xf32, #tpu.memory_space<vmem>>
    %dma_wait3A_167 = tpu.memref_squeeze %dma_wait3A_166 : memref<1x25x64xf32, #tpu.memory_space<vmem>> -> memref<25x64xf32, #tpu.memory_space<vmem>>
    %dma_wait3A_168 = arith.constant 0 : i32
    %dma_wait3A_169 = arith.constant 0 : i32
    %dma_wait3A_170 = tpu.memref_slice %arg4[%dma_wait3A_168, %dma_wait3A_163, %dma_wait3A_169] : memref<25x4096x128xf32, #tpu.memory_space<hbm>> -> memref<25x1x64xf32, #tpu.memory_space<hbm>>
    %dma_wait3A_171 = tpu.memref_squeeze %dma_wait3A_170 : memref<25x1x64xf32, #tpu.memory_space<hbm>> -> memref<25x64xf32, #tpu.memory_space<hbm>>
    %dma_wait3A_172 = arith.constant 0 : i32
    %dma_wait3A_173 = arith.constant 0 : i32
    %dma_wait3A_174 = tpu.memref_slice %arg4[%dma_wait3A_172, %dma_wait3A_163, %dma_wait3A_173] : memref<25x4096x128xf32, #tpu.memory_space<hbm>> -> memref<25x1x64xf32, #tpu.memory_space<hbm>>
    %dma_wait3A_175 = tpu.memref_squeeze %dma_wait3A_174 : memref<25x1x64xf32, #tpu.memory_space<hbm>> -> memref<25x64xf32, #tpu.memory_space<hbm>>
    %dma_wait3A_176 = arith.constant 0 : i32
    %dma_wait3A_177 = arith.constant 0 : i32
    %dma_wait3A_178 = tpu.memref_slice %arg6[%dma_wait3A_162, %dma_wait3A_176, %dma_wait3A_177] : memref<2x50x64xf32, #tpu.memory_space<vmem>> -> memref<1x25x64xf32, #tpu.memory_space<vmem>>
    %dma_wait3A_179 = tpu.memref_squeeze %dma_wait3A_178 : memref<1x25x64xf32, #tpu.memory_space<vmem>> -> memref<25x64xf32, #tpu.memory_space<vmem>>
    tpu.wait_dma2 semaphore(%arg8 : memref<!tpu.dma_semaphore, #tpu.memory_space<semaphore_mem>>) src(%dma_wait3A_179 : memref<25x64xf32, #tpu.memory_space<vmem>>) dst(%dma_wait3A_175 : memref<25x64xf32, #tpu.memory_space<hbm>>)
    %dma_wait3A_180 = arith.constant 0 : i32
    %dma_wait3A_181 = arith.constant 0 : i32
    %dma_wait3A_182 = arith.constant 25 : i32
    %dma_wait3A_183 = arith.constant 0 : i32
    %dma_wait3A_184 = tpu.memref_slice %arg6[%dma_wait3A_180, %dma_wait3A_182, %dma_wait3A_183] : memref<2x50x64xf32, #tpu.memory_space<vmem>> -> memref<1x25x64xf32, #tpu.memory_space<vmem>>
    %dma_wait3A_185 = tpu.memref_squeeze %dma_wait3A_184 : memref<1x25x64xf32, #tpu.memory_space<vmem>> -> memref<25x64xf32, #tpu.memory_space<vmem>>
    %dma_wait3A_186 = arith.constant 0 : i32
    %dma_wait3A_187 = arith.constant 64 : i32
    %dma_wait3A_188 = tpu.memref_slice %arg4[%dma_wait3A_186, %dma_wait3A_181, %dma_wait3A_187] : memref<25x4096x128xf32, #tpu.memory_space<hbm>> -> memref<25x1x64xf32, #tpu.memory_space<hbm>>
    %dma_wait3A_189 = tpu.memref_squeeze %dma_wait3A_188 : memref<25x1x64xf32, #tpu.memory_space<hbm>> -> memref<25x64xf32, #tpu.memory_space<hbm>>
    %dma_wait3A_190 = arith.constant 0 : i32
    %dma_wait3A_191 = arith.constant 64 : i32
    %dma_wait3A_192 = tpu.memref_slice %arg4[%dma_wait3A_190, %dma_wait3A_181, %dma_wait3A_191] : memref<25x4096x128xf32, #tpu.memory_space<hbm>> -> memref<25x1x64xf32, #tpu.memory_space<hbm>>
    %dma_wait3A_193 = tpu.memref_squeeze %dma_wait3A_192 : memref<25x1x64xf32, #tpu.memory_space<hbm>> -> memref<25x64xf32, #tpu.memory_space<hbm>>
    %dma_wait3A_194 = arith.constant 25 : i32
    %dma_wait3A_195 = arith.constant 0 : i32
    %dma_wait3A_196 = tpu.memref_slice %arg6[%dma_wait3A_180, %dma_wait3A_194, %dma_wait3A_195] : memref<2x50x64xf32, #tpu.memory_space<vmem>> -> memref<1x25x64xf32, #tpu.memory_space<vmem>>
    %dma_wait3A_197 = tpu.memref_squeeze %dma_wait3A_196 : memref<1x25x64xf32, #tpu.memory_space<vmem>> -> memref<25x64xf32, #tpu.memory_space<vmem>>
    tpu.wait_dma2 semaphore(%arg8 : memref<!tpu.dma_semaphore, #tpu.memory_space<semaphore_mem>>) src(%dma_wait3A_197 : memref<25x64xf32, #tpu.memory_space<vmem>>) dst(%dma_wait3A_193 : memref<25x64xf32, #tpu.memory_space<hbm>>)
    return
  }
}

module attributes {stable_mosaic.version = 14 : i64} {
  func.func @_pack_body(%arg0: i32, %arg1: memref<64x4096xf32, #tpu.memory_space<vmem>>, %arg2: memref<64x4096xf32, #tpu.memory_space<vmem>>, %arg3: memref<4096x128xf32, #tpu.memory_space<vmem>>) attributes {dimension_semantics = [#tpu.dimension_semantics<arbitrary>], iteration_bounds = array<i64: 123>, scalar_prefetch = 0 : i64, scratch_operands = 0 : i64, tpu.core_type = #tpu.core_type<tc>, window_params = [{transform_indices = @transform_0, window_bounds = array<i64: 64, 4096>}, {transform_indices = @transform_1, window_bounds = array<i64: 64, 4096>}, {transform_indices = @transform_2, window_bounds = array<i64: 4096, 128>}]} {
    %get3A = arith.constant 0 : index
    %get3A_0 = arith.constant 0 : index
    %get3A_1 = vector.load %arg1[%get3A, %get3A_0] : memref<64x4096xf32, #tpu.memory_space<vmem>>, vector<64x4096xf32>
    %transpose3A = tpu.transpose %get3A_1, [1, 0] : vector<64x4096xf32> -> vector<4096x64xf32>
    %swap3A = arith.constant 0 : index
    %swap3A_2 = arith.constant 0 : index
    %swap3A_3 = vector.load %arg3[%swap3A, %swap3A_2] : memref<4096x128xf32, #tpu.memory_space<vmem>>, vector<4096x64xf32>
    tpu.vector_store %arg3[%swap3A, %swap3A_2], %transpose3A {strides = array<i32>} : memref<4096x128xf32, #tpu.memory_space<vmem>>, vector<4096x64xf32>,
    %get3A_4 = arith.constant 0 : index
    %get3A_5 = arith.constant 0 : index
    %get3A_6 = vector.load %arg2[%get3A_4, %get3A_5] : memref<64x4096xf32, #tpu.memory_space<vmem>>, vector<64x4096xf32>
    %transpose3A_7 = tpu.transpose %get3A_6, [1, 0] : vector<64x4096xf32> -> vector<4096x64xf32>
    %swap3A_8 = arith.constant 0 : index
    %swap3A_9 = arith.constant 64 : index
    %swap3A_10 = vector.load %arg3[%swap3A_8, %swap3A_9] : memref<4096x128xf32, #tpu.memory_space<vmem>>, vector<4096x64xf32>
    tpu.vector_store %arg3[%swap3A_8, %swap3A_9], %transpose3A_7 {strides = array<i32>} : memref<4096x128xf32, #tpu.memory_space<vmem>>, vector<4096x64xf32>,
    return
  }
  func.func @transform_0(%arg0: i32) -> (i32, i32) {
    %c0_i32 = arith.constant 0 : i32
    %c0_i32_0 = arith.constant 0 : i32
    return %c0_i32, %arg0 : i32, i32
  }
  func.func @transform_1(%arg0: i32) -> (i32, i32) {
    %add3A = arith.constant 123 : i32
    %add3A_0 = arith.addi %arg0, %add3A : i32
    %min3A = arith.constant 244 : i32
    %min3A_1 = arith.minsi %add3A_0, %min3A : i32
    %c0_i32 = arith.constant 0 : i32
    %c0_i32_2 = arith.constant 0 : i32
    return %c0_i32, %min3A_1 : i32, i32
  }
  func.func @transform_2(%arg0: i32) -> (i32, i32) {
    %c0_i32 = arith.constant 0 : i32
    %c0_i32_0 = arith.constant 0 : i32
    return %arg0, %c0_i32 : i32, i32
  }
}

module attributes {stable_mosaic.version = 14 : i64} {
  func.func @_relayout_body(%arg0: i32, %arg1: memref<4096x128xf32, #tpu.memory_space<vmem>>, %arg2: memref<2x64x4096xf32, #tpu.memory_space<vmem>>) attributes {dimension_semantics = [#tpu.dimension_semantics<arbitrary>], iteration_bounds = array<i64: 25>, scalar_prefetch = 0 : i64, scratch_operands = 0 : i64, tpu.core_type = #tpu.core_type<tc>, window_params = [{transform_indices = @transform_0, window_bounds = array<i64: 4096, 128>}, {transform_indices = @transform_1, window_bounds = array<i64: 2, 64, 4096>}]} {
    %get3A = arith.constant 0 : index
    %get3A_0 = arith.constant 0 : index
    %get3A_1 = vector.load %arg1[%get3A, %get3A_0] : memref<4096x128xf32, #tpu.memory_space<vmem>>, vector<4096x128xf32>
    %slice3A = vector.extract_strided_slice %get3A_1 {offsets = [0, 0], sizes = [4096, 64], strides = [1, 1]} : vector<4096x128xf32> to vector<4096x64xf32>
    %transpose3A = tpu.transpose %slice3A, [1, 0] : vector<4096x64xf32> -> vector<64x4096xf32>
    %swap3A = arith.constant 0 : index
    %swap3A_2 = arith.constant 0 : index
    %swap3A_3 = arith.constant 0 : index
    %swap3A_4 = vector.load %arg2[%swap3A, %swap3A_2, %swap3A_3] : memref<2x64x4096xf32, #tpu.memory_space<vmem>>, vector<1x64x4096xf32>
    %swap3A_5 = vector.shape_cast %swap3A_4 : vector<1x64x4096xf32> to vector<64x4096xf32>
    %swap3A_6 = vector.shape_cast %transpose3A : vector<64x4096xf32> to vector<1x64x4096xf32>
    tpu.vector_store %arg2[%swap3A, %swap3A_2, %swap3A_3], %swap3A_6 {strides = array<i32>} : memref<2x64x4096xf32, #tpu.memory_space<vmem>>, vector<1x64x4096xf32>,
    %slice3A_7 = vector.extract_strided_slice %get3A_1 {offsets = [0, 64], sizes = [4096, 64], strides = [1, 1]} : vector<4096x128xf32> to vector<4096x64xf32>
    %transpose3A_8 = tpu.transpose %slice3A_7, [1, 0] : vector<4096x64xf32> -> vector<64x4096xf32>
    %swap3A_9 = arith.constant 1 : index
    %swap3A_10 = arith.constant 0 : index
    %swap3A_11 = arith.constant 0 : index
    %swap3A_12 = vector.load %arg2[%swap3A_9, %swap3A_10, %swap3A_11] : memref<2x64x4096xf32, #tpu.memory_space<vmem>>, vector<1x64x4096xf32>
    %swap3A_13 = vector.shape_cast %swap3A_12 : vector<1x64x4096xf32> to vector<64x4096xf32>
    %swap3A_14 = vector.shape_cast %transpose3A_8 : vector<64x4096xf32> to vector<1x64x4096xf32>
    tpu.vector_store %arg2[%swap3A_9, %swap3A_10, %swap3A_11], %swap3A_14 {strides = array<i32>} : memref<2x64x4096xf32, #tpu.memory_space<vmem>>, vector<1x64x4096xf32>,
    return
  }
  func.func @transform_0(%arg0: i32) -> (i32, i32) {
    %c0_i32 = arith.constant 0 : i32
    %c0_i32_0 = arith.constant 0 : i32
    return %arg0, %c0_i32 : i32, i32
  }
  func.func @transform_1(%arg0: i32) -> (i32, i32, i32) {
    %add3A = arith.constant 0 : i32
    %add3A_0 = arith.addi %add3A, %arg0 : i32
    %c0_i32 = arith.constant 0 : i32
    %c0_i32_1 = arith.constant 0 : i32
    %c0_i32_2 = arith.constant 0 : i32
    return %add3A_0, %c0_i32, %c0_i32_1 : i32, i32, i32
  }
}

module attributes {stable_mosaic.version = 14 : i64} {
  func.func @_relayout_body(%arg0: i32, %arg1: memref<200x64x4096xf32, #tpu.memory_space<any>>, %arg2: memref<4096x128xf32, #tpu.memory_space<vmem>>, %arg3: memref<2x64x4096xf32, #tpu.memory_space<vmem>>) attributes {dimension_semantics = [#tpu.dimension_semantics<arbitrary>], iteration_bounds = array<i64: 25>, scalar_prefetch = 0 : i64, scratch_operands = 0 : i64, tpu.core_type = #tpu.core_type<tc>, window_params = [{}, {transform_indices = @transform_1, window_bounds = array<i64: 4096, 128>}, {transform_indices = @transform_2, window_bounds = array<i64: 2, 64, 4096>}]} {
    %get3A = arith.constant 0 : index
    %get3A_0 = arith.constant 0 : index
    %get3A_1 = vector.load %arg2[%get3A, %get3A_0] : memref<4096x128xf32, #tpu.memory_space<vmem>>, vector<4096x128xf32>
    %slice3A = vector.extract_strided_slice %get3A_1 {offsets = [0, 0], sizes = [4096, 64], strides = [1, 1]} : vector<4096x128xf32> to vector<4096x64xf32>
    %transpose3A = tpu.transpose %slice3A, [1, 0] : vector<4096x64xf32> -> vector<64x4096xf32>
    %swap3A = arith.constant 0 : index
    %swap3A_2 = arith.constant 0 : index
    %swap3A_3 = arith.constant 0 : index
    %swap3A_4 = vector.load %arg3[%swap3A, %swap3A_2, %swap3A_3] : memref<2x64x4096xf32, #tpu.memory_space<vmem>>, vector<1x64x4096xf32>
    %swap3A_5 = vector.shape_cast %swap3A_4 : vector<1x64x4096xf32> to vector<64x4096xf32>
    %swap3A_6 = vector.shape_cast %transpose3A : vector<64x4096xf32> to vector<1x64x4096xf32>
    tpu.vector_store %arg3[%swap3A, %swap3A_2, %swap3A_3], %swap3A_6 {strides = array<i32>} : memref<2x64x4096xf32, #tpu.memory_space<vmem>>, vector<1x64x4096xf32>,
    %slice3A_7 = vector.extract_strided_slice %get3A_1 {offsets = [0, 64], sizes = [4096, 64], strides = [1, 1]} : vector<4096x128xf32> to vector<4096x64xf32>
    %transpose3A_8 = tpu.transpose %slice3A_7, [1, 0] : vector<4096x64xf32> -> vector<64x4096xf32>
    %swap3A_9 = arith.constant 1 : index
    %swap3A_10 = arith.constant 0 : index
    %swap3A_11 = arith.constant 0 : index
    %swap3A_12 = vector.load %arg3[%swap3A_9, %swap3A_10, %swap3A_11] : memref<2x64x4096xf32, #tpu.memory_space<vmem>>, vector<1x64x4096xf32>
    %swap3A_13 = vector.shape_cast %swap3A_12 : vector<1x64x4096xf32> to vector<64x4096xf32>
    %swap3A_14 = vector.shape_cast %transpose3A_8 : vector<64x4096xf32> to vector<1x64x4096xf32>
    tpu.vector_store %arg3[%swap3A_9, %swap3A_10, %swap3A_11], %swap3A_14 {strides = array<i32>} : memref<2x64x4096xf32, #tpu.memory_space<vmem>>, vector<1x64x4096xf32>,
    return
  }
  func.func @transform_1(%arg0: i32) -> (i32, i32) {
    %c0_i32 = arith.constant 0 : i32
    %c0_i32_0 = arith.constant 0 : i32
    return %arg0, %c0_i32 : i32, i32
  }
  func.func @transform_2(%arg0: i32) -> (i32, i32, i32) {
    %add3A = arith.constant 25 : i32
    %add3A_0 = arith.addi %add3A, %arg0 : i32
    %c0_i32 = arith.constant 0 : i32
    %c0_i32_1 = arith.constant 0 : i32
    %c0_i32_2 = arith.constant 0 : i32
    return %add3A_0, %c0_i32, %c0_i32_1 : i32, i32, i32
  }
}

module attributes {stable_mosaic.version = 14 : i64} {
  func.func @_relayout_body(%arg0: i32, %arg1: memref<200x64x4096xf32, #tpu.memory_space<any>>, %arg2: memref<4096x128xf32, #tpu.memory_space<vmem>>, %arg3: memref<2x64x4096xf32, #tpu.memory_space<vmem>>) attributes {dimension_semantics = [#tpu.dimension_semantics<arbitrary>], iteration_bounds = array<i64: 25>, scalar_prefetch = 0 : i64, scratch_operands = 0 : i64, tpu.core_type = #tpu.core_type<tc>, window_params = [{}, {transform_indices = @transform_1, window_bounds = array<i64: 4096, 128>}, {transform_indices = @transform_2, window_bounds = array<i64: 2, 64, 4096>}]} {
    %get3A = arith.constant 0 : index
    %get3A_0 = arith.constant 0 : index
    %get3A_1 = vector.load %arg2[%get3A, %get3A_0] : memref<4096x128xf32, #tpu.memory_space<vmem>>, vector<4096x128xf32>
    %slice3A = vector.extract_strided_slice %get3A_1 {offsets = [0, 0], sizes = [4096, 64], strides = [1, 1]} : vector<4096x128xf32> to vector<4096x64xf32>
    %transpose3A = tpu.transpose %slice3A, [1, 0] : vector<4096x64xf32> -> vector<64x4096xf32>
    %swap3A = arith.constant 0 : index
    %swap3A_2 = arith.constant 0 : index
    %swap3A_3 = arith.constant 0 : index
    %swap3A_4 = vector.load %arg3[%swap3A, %swap3A_2, %swap3A_3] : memref<2x64x4096xf32, #tpu.memory_space<vmem>>, vector<1x64x4096xf32>
    %swap3A_5 = vector.shape_cast %swap3A_4 : vector<1x64x4096xf32> to vector<64x4096xf32>
    %swap3A_6 = vector.shape_cast %transpose3A : vector<64x4096xf32> to vector<1x64x4096xf32>
    tpu.vector_store %arg3[%swap3A, %swap3A_2, %swap3A_3], %swap3A_6 {strides = array<i32>} : memref<2x64x4096xf32, #tpu.memory_space<vmem>>, vector<1x64x4096xf32>,
    %slice3A_7 = vector.extract_strided_slice %get3A_1 {offsets = [0, 64], sizes = [4096, 64], strides = [1, 1]} : vector<4096x128xf32> to vector<4096x64xf32>
    %transpose3A_8 = tpu.transpose %slice3A_7, [1, 0] : vector<4096x64xf32> -> vector<64x4096xf32>
    %swap3A_9 = arith.constant 1 : index
    %swap3A_10 = arith.constant 0 : index
    %swap3A_11 = arith.constant 0 : index
    %swap3A_12 = vector.load %arg3[%swap3A_9, %swap3A_10, %swap3A_11] : memref<2x64x4096xf32, #tpu.memory_space<vmem>>, vector<1x64x4096xf32>
    %swap3A_13 = vector.shape_cast %swap3A_12 : vector<1x64x4096xf32> to vector<64x4096xf32>
    %swap3A_14 = vector.shape_cast %transpose3A_8 : vector<64x4096xf32> to vector<1x64x4096xf32>
    tpu.vector_store %arg3[%swap3A_9, %swap3A_10, %swap3A_11], %swap3A_14 {strides = array<i32>} : memref<2x64x4096xf32, #tpu.memory_space<vmem>>, vector<1x64x4096xf32>,
    return
  }
  func.func @transform_1(%arg0: i32) -> (i32, i32) {
    %c0_i32 = arith.constant 0 : i32
    %c0_i32_0 = arith.constant 0 : i32
    return %arg0, %c0_i32 : i32, i32
  }
  func.func @transform_2(%arg0: i32) -> (i32, i32, i32) {
    %add3A = arith.constant 50 : i32
    %add3A_0 = arith.addi %add3A, %arg0 : i32
    %c0_i32 = arith.constant 0 : i32
    %c0_i32_1 = arith.constant 0 : i32
    %c0_i32_2 = arith.constant 0 : i32
    return %add3A_0, %c0_i32, %c0_i32_1 : i32, i32, i32
  }
}

module attributes {stable_mosaic.version = 14 : i64} {
  func.func @_relayout_body(%arg0: i32, %arg1: memref<200x64x4096xf32, #tpu.memory_space<any>>, %arg2: memref<4096x128xf32, #tpu.memory_space<vmem>>, %arg3: memref<2x64x4096xf32, #tpu.memory_space<vmem>>) attributes {dimension_semantics = [#tpu.dimension_semantics<arbitrary>], iteration_bounds = array<i64: 25>, scalar_prefetch = 0 : i64, scratch_operands = 0 : i64, tpu.core_type = #tpu.core_type<tc>, window_params = [{}, {transform_indices = @transform_1, window_bounds = array<i64: 4096, 128>}, {transform_indices = @transform_2, window_bounds = array<i64: 2, 64, 4096>}]} {
    %get3A = arith.constant 0 : index
    %get3A_0 = arith.constant 0 : index
    %get3A_1 = vector.load %arg2[%get3A, %get3A_0] : memref<4096x128xf32, #tpu.memory_space<vmem>>, vector<4096x128xf32>
    %slice3A = vector.extract_strided_slice %get3A_1 {offsets = [0, 0], sizes = [4096, 64], strides = [1, 1]} : vector<4096x128xf32> to vector<4096x64xf32>
    %transpose3A = tpu.transpose %slice3A, [1, 0] : vector<4096x64xf32> -> vector<64x4096xf32>
    %swap3A = arith.constant 0 : index
    %swap3A_2 = arith.constant 0 : index
    %swap3A_3 = arith.constant 0 : index
    %swap3A_4 = vector.load %arg3[%swap3A, %swap3A_2, %swap3A_3] : memref<2x64x4096xf32, #tpu.memory_space<vmem>>, vector<1x64x4096xf32>
    %swap3A_5 = vector.shape_cast %swap3A_4 : vector<1x64x4096xf32> to vector<64x4096xf32>
    %swap3A_6 = vector.shape_cast %transpose3A : vector<64x4096xf32> to vector<1x64x4096xf32>
    tpu.vector_store %arg3[%swap3A, %swap3A_2, %swap3A_3], %swap3A_6 {strides = array<i32>} : memref<2x64x4096xf32, #tpu.memory_space<vmem>>, vector<1x64x4096xf32>,
    %slice3A_7 = vector.extract_strided_slice %get3A_1 {offsets = [0, 64], sizes = [4096, 64], strides = [1, 1]} : vector<4096x128xf32> to vector<4096x64xf32>
    %transpose3A_8 = tpu.transpose %slice3A_7, [1, 0] : vector<4096x64xf32> -> vector<64x4096xf32>
    %swap3A_9 = arith.constant 1 : index
    %swap3A_10 = arith.constant 0 : index
    %swap3A_11 = arith.constant 0 : index
    %swap3A_12 = vector.load %arg3[%swap3A_9, %swap3A_10, %swap3A_11] : memref<2x64x4096xf32, #tpu.memory_space<vmem>>, vector<1x64x4096xf32>
    %swap3A_13 = vector.shape_cast %swap3A_12 : vector<1x64x4096xf32> to vector<64x4096xf32>
    %swap3A_14 = vector.shape_cast %transpose3A_8 : vector<64x4096xf32> to vector<1x64x4096xf32>
    tpu.vector_store %arg3[%swap3A_9, %swap3A_10, %swap3A_11], %swap3A_14 {strides = array<i32>} : memref<2x64x4096xf32, #tpu.memory_space<vmem>>, vector<1x64x4096xf32>,
    return
  }
  func.func @transform_1(%arg0: i32) -> (i32, i32) {
    %c0_i32 = arith.constant 0 : i32
    %c0_i32_0 = arith.constant 0 : i32
    return %arg0, %c0_i32 : i32, i32
  }
  func.func @transform_2(%arg0: i32) -> (i32, i32, i32) {
    %add3A = arith.constant 75 : i32
    %add3A_0 = arith.addi %add3A, %arg0 : i32
    %c0_i32 = arith.constant 0 : i32
    %c0_i32_1 = arith.constant 0 : i32
    %c0_i32_2 = arith.constant 0 : i32
    return %add3A_0, %c0_i32, %c0_i32_1 : i32, i32, i32
  }
}

</mosaic_0001>

<sc_bundles>
// kernel: kernel.11.cloned.1.call-start
scs
__scs_entry_jumppad:
0x0: {  	(pc) =	sbr.rel $0x88, $3  }
0x1: {  	(tag) =	ssettag $0x0;
	lr =	simm.s32 $0x1  }
0x2: {  	[smem:$0x3F9F] =	sst lr;
	_ =	strace $0xD0000000  }
0x3: {  	_ = 	snop  }
0x4: {  	_ = 	snop  }
0x5: {  	_ = 	snop  }
0x6: {  	_ = 	snop  }
0x7: {  	_ = 	snop  }
__scs_overlays_trampoline_lowered:
0x8: {  	[smem:$0x3FAE] =	sst s0  }
0x9: {  	[smem:$0x3FAF] =	sst s1  }
0xa: {  	[smem:$0x3FB0] =	sst s2  }
0xb: {  	[smem:$0x3FB1] =	sst s3  }
0xc: {  	[smem:$0x3FB2] =	sst s4  }
0xd: {  	[smem:$0x3FB3] =	sst s5  }
0xe: {  	[smem:$0x3FB4] =	sst s6  }
0xf: {  	[smem:$0x3FB5] =	sst s7  }
0x10: {  	[smem:$0x3FB6] =	sst s8  }
0x11: {  	[smem:$0x3FB7] =	sst s9;
	s0 =	simm.s32 @!p0 $0x0  }
0x12: {  	s1 =	sld [smem:$0x3F9D];
	s0 =	simm.s32 @p0 $0x1  }
0x13: {  	[smem:$0x3FB8] =	sst s0;
	s0 =	simm.s32 @!p1 $0x0  }
0x14: {  	s2 =	sld [smem:$0x3F9C];
	s0 =	simm.s32 @p1 $0x1  }
0x15: {  	[smem:$0x3FB9] =	sst s0;
	s0 =	simm.s32 @!p2 $0x0  }
0x16: {  	s3 =	sld [smem:$0x3FDB];
	s0 =	simm.s32 @p2 $0x1  }
0x17: {  	s4 =	simm.s32 $0x1BF5;
	[smem:$0x3FBB] =	sst s0  }
0x18: {  	s0 =	sld [smem:$0x3F9E];
	_ =	swait.ge [sflag:s4], $0x0  }
0x19: {  	s7 =	sld [smem:$0x3F9F]  }
0x1a: {  	s8 =	sadd.s32 $0xFFFFE003, lr  }
0x1b: {  	s9 =	sadd.s32 $0xFFFFFEF7, lr;
	s5 =	simm.s32 $0xFFFFFFFF;
	p2 =	slt.u32 s8, $0xFFFFF086  }
0x1c: {  	p1 =	slt.u32 s9, $0xF7A;
	s5 =	simm.s32 @!p2 $0x0  }
0x1d: {  	s5 =	simm.s32 @p1 $0x1;
	p0 =	seq.s32 s7, s2  }
0x1e: {  	s7 =	smul.u32 @!p0 $0xF7A, s2;
	p2 =	seq.s32 @!p0 s5, $0x0  }
0x1f: {  	s9 =	smul.u32 $0xF7A, s1;
	s8 =	simm.s32 @!p0 $0x1BF5;
	p2 =	por !p2, p0  }
0x20: {  	[sflag:s8] =	ssyncset.s32 @!p0 $0xFFFFF086;
	s6 =	sadd.s32 @!p0 s3, s7;
	s7 =	simm.s32 @!p0 $0x108  }
0x21: {  	s3 =	sadd.s32 s3, s9;
	s6 =	sadd.s32 @!p0 $0x88, s6;
	s7 =	simm.s32 @p2 $0x1082  }
0x22: {  	[simem:s7], [sflag:s8] =	dma.local @!p0 [hbm:s6], $0xF7A  }
0x23: {  	s9 =	sor.u32 $0xD0000000, s2;
	s6 =	simm.s32 $0x108;
	_ =	swait.ge @!p0 [sflag:s8], $0x0  }
0x24: {  	s3 =	sadd.s32 $0x88, s3;
	s6 =	simm.s32 @!p1 $0x1082;
	[sflag:s4] =	ssyncset.s32 $0xFFFFF086  }
0x25: {  	[simem:s6], [sflag:s4] =	dma.local [hbm:s3], $0xF7A  }
0x26: {  	[smem:$0x3F9F] =	sst s1;
	(tag) =	ssettag s2;
	_ =	strace s9  }
0x27: {  	s1 =	sld [smem:$0x3FAF]  }
0x28: {  	s2 =	sld [smem:$0x3FB0]  }
0x29: {  	s4 =	sld [smem:$0x3FB2]  }
0x2a: {  	p0 =	seq.s32 s5, $0x0;
	s5 =	sld [smem:$0x3FB3]  }
0x2b: {  	s6 =	sld [smem:$0x3FB4]  }
0x2c: {  	s7 =	sld [smem:$0x3FB5]  }
0x2d: {  	s3 =	simm.s32 $0x108;
	s8 =	sld [smem:$0x3FB6]  }
0x2e: {  	s3 =	simm.s32 @!p0 $0x1082;
	s9 =	sld [smem:$0x3FB7]  }
0x2f: {  	lr =	sadd.s32 s0, s3;
	s0 =	sld [smem:$0x3FAE]  }
0x30: {  	s3 =	sld [smem:$0x3FB1]  }
0x31: {  	[smem:$0x3FBA] =	sst s10  }
0x32: {  	s10 =	sld [smem:$0x3FB8];
	_ =	sdelay $0x3  }
0x33: {  	p0 =	seq.s32 s10, $0x1;
	s10 =	sld [smem:$0x3FBA];
	_ =	sdelay $0x3  }
0x34: {  	[smem:$0x3FBA] =	sst s10  }
0x35: {  	s10 =	sld [smem:$0x3FB9];
	_ =	sdelay $0x3  }
0x36: {  	p1 =	seq.s32 s10, $0x1;
	s10 =	sld [smem:$0x3FBA];
	_ =	sdelay $0x3  }
0x37: {  	[smem:$0x3FBA] =	sst s10  }
0x38: {  	s10 =	sld [smem:$0x3FBB]  }
0x39: {  	_ = 	snop;
	(pc) =	sbr.ind lr, $3  }
0x3a: {  	_ = 	snop  }
0x3b: {  	_ = 	snop  }
0x3c: {  	p2 =	seq.s32 s10, $0x1;
	s10 =	sld [smem:$0x3FBA]  }
0x3d: {  	_ =	shalt  }
0x3e: {  	_ =	shalt  }
0x3f: {  	_ =	shalt  }
0x40: {  	_ =	shalt  }
0x41: {  	_ =	shalt  }
0x42: {  	_ =	shalt  }
0x43: {  	_ =	shalt  }
0x44: {  	_ =	shalt  }
0x45: {  	_ =	shalt  }
0x46: {  	_ =	shalt  }
0x47: {  	_ =	shalt  }
0x48: {  	_ =	shalt  }
0x49: {  	_ =	shalt  }
0x4a: {  	_ =	shalt  }
0x4b: {  	_ =	shalt  }
0x4c: {  	_ =	shalt  }
0x4d: {  	_ =	shalt  }
0x4e: {  	_ =	shalt  }
0x4f: {  	_ =	shalt  }
0x50: {  	_ =	shalt  }
0x51: {  	_ =	shalt  }
0x52: {  	_ =	shalt  }
0x53: {  	_ =	shalt  }
0x54: {  	_ =	shalt  }
0x55: {  	_ =	shalt  }
0x56: {  	_ =	shalt  }
0x57: {  	_ =	shalt  }
0x58: {  	_ =	shalt  }
0x59: {  	_ =	shalt  }
0x5a: {  	_ =	shalt  }
0x5b: {  	_ =	shalt  }
0x5c: {  	_ =	shalt  }
0x5d: {  	_ =	shalt  }
0x5e: {  	_ =	shalt  }
0x5f: {  	_ =	shalt  }
0x60: {  	_ =	shalt  }
0x61: {  	_ =	shalt  }
0x62: {  	_ =	shalt  }
0x63: {  	_ =	shalt  }
0x64: {  	_ =	shalt  }
0x65: {  	_ =	shalt  }
0x66: {  	_ =	shalt  }
0x67: {  	_ =	shalt  }
0x68: {  	_ =	shalt  }
0x69: {  	_ =	shalt  }
0x6a: {  	_ =	shalt  }
0x6b: {  	_ =	shalt  }
0x6c: {  	_ =	shalt  }
0x6d: {  	_ =	shalt  }
0x6e: {  	_ =	shalt  }
0x6f: {  	_ =	shalt  }
0x70: {  	_ =	shalt  }
0x71: {  	_ =	shalt  }
0x72: {  	_ =	shalt  }
0x73: {  	_ =	shalt  }
0x74: {  	_ =	shalt  }
0x75: {  	_ =	shalt  }
0x76: {  	_ =	shalt  }
0x77: {  	_ =	shalt  }
0x78: {  	_ =	shalt  }
0x79: {  	_ =	shalt  }
0x7a: {  	_ =	shalt  }
0x7b: {  	_ =	shalt  }
0x7c: {  	_ =	shalt  }
0x7d: {  	_ =	shalt  }
0x7e: {  	_ =	shalt  }
0x7f: {  	_ =	shalt  }
0x80: {  	_ =	shalt  }
0x81: {  	_ =	shalt  }
0x82: {  	_ =	shalt  }
0x83: {  	_ =	shalt  }
0x84: {  	_ =	shalt  }
0x85: {  	_ =	shalt  }
0x86: {  	_ =	shalt  }
0x87: {  	_ =	shalt  }
.Lfunc_end0:
.L_simem_size_0:
called_computation_lowered:
.L_overlay_start_0:
0x88: {  	s2 =	sld [smem:$0x3FD9]  }
0x89: {  	s3 =	sld [smem:$0x3FFE];
	_ =	sdelay $0x1  }
0x8a: {  	s1 =	srdreg.scid  }
0x8b: {  	s0 =	sand.u32 $0x1, s1  }
0x8c: {  	s16 =	sshll.u32 s0, $0xA;
	s2 =	sadd.s32 s3, s2  }
0x8d: {  	s2 =	sadd.s32 s2, s16  }
0x8e: {  	[smem:$0x3FC6] =	sst s2  }
0x8f: {  	_ = 	snop  }
0x90: {  	(tm) =	ssettm $0x1  }
0x91: {  	s17 =	sld [smem:$0x3FFB];
	_ =	sdelay $0x3  }
0x92: {  	_ =	strace s17  }
0x93: {  	s2 =	sld [smem:$0x3FFC];
	_ =	sdelay $0x3  }
0x94: {  	_ =	strace s2  }
0x95: {  	s2 =	sld [smem:$0x3FFD];
	_ =	sdelay $0x3  }
0x96: {  	_ =	strace s2  }
0x97: {  	_ =	strace $0x8FFFFFFF  }
0x98: {  	s18 =	sld [smem:$0x3FDB];
	_ =	sdelay $0x1  }
0x99: {  	s19 =	simm.s32 $_scs_section_size  }
0x9a: {  	s4 =	simm.s32 $_size__tile_overlayer_lowered;
	s5 =	simm.s32 $_tile_overlayer_lowered  }
0x9b: {  	s22 =	simm.s32 $0x1BFF;
	s21 =	sshll.u32 s5, $0x1;
	s2 =	sadd.s32 s19, s18  }
0x9c: {  	s6 =	simm.s32 $0x0;
	s20 =	sshll.u32 s4, $0x1;
	s4 =	sadd.s32 s21, s2  }
0x9d: {  	[timem:s6], [sflag:s22] =	dma.local [hbm:s4], s20  }
0x9e: {  	_ =	swait.ge [sflag:s22], s20  }
0x9f: {  	s3 =	ssub.s32 $0x0, s20;
	[sflag:s22] =	ssyncset.done $0x0  }
0xa0: {  	[sflag:s22] =	ssyncadd.s32 s3;
	_ =	sdelay $0x1  }
0xa1: {  	s23 =	simm.s32 $0x1B8B  }
0xa2: {  	_ =	swait.ge [sflag:s23], $0x1  }
0xa3: {  	[sflag:s23] =	ssyncset.done $0x0  }
0xa4: {  	s25 =	simm.s32 $0x1B8E;
	s24 =	sld [smem:$0x3FFE];
	[sflag:s23] =	ssyncadd.s32 $0xFFFFFFFF  }
0xa5: {  	s26 =	simm.s32 $execute0_lowered;
	[smem:$0x3FD2] =	sst s25  }
0xa6: {  	s4 =	sshll.u32 s26, $0x1;
	_ =	strace $0x80000046;
	[dreg:$0x1] =	wrdreg $0xFFFFFFFF  }
0xa7: {  	s28 =	simm.s32 $_size_execute0_lowered;
	s2 =	sadd.s32 s2, s4;
	[dreg:$0x0] =	wrdreg $0x0  }
0xa8: {  	s4 =	sshll.u32 s28, $0x1;
	[dreg:$0x2] =	wrdreg s2  }
0xa9: {  	[dreg:$0x3] =	wrdreg s4  }
0xaa: {  	[dreg:$0x4] =	wrdreg $0xC0  }
0xab: {  	_ =	task [dreg:s6], $0x5FFFF  }
0xac: {  	[dreg:$0x1] =	wrdreg $0xFFFFFFFF  }
0xad: {  	[dreg:$0x0] =	wrdreg $0x60  }
0xae: {  	[dreg:$0x2] =	wrdreg s24  }
0xaf: {  	[dreg:$0x3] =	wrdreg $0x9  }
0xb0: {  	_ =	task.clear_ibuf [dreg:s6], $0x4FFFF;
	_ =	strace $0x90000046  }
0xb1: {  	s29 =	simm.s32 $0x9;
	_ =	strace $0x80000048  }
0xb2: {  	_ =	swait.ge [sflag:s29], $0x1  }
0xb3: {  	[sflag:s29] =	ssyncadd.s32 $0xFFFFFFFF  }
0xb4: {  	_ =	strace $0x90000048  }
0xb5: {  	_ =	sfence  }
0xb6: {  	s30 =	sld [smem:$0x0];
	_ =	sdelay $0x2  }
0xb7: {  	s31 =	sshll.u32 s1, $0xD;
	s1 =	sshrl.u32 s1, $0x2  }
0xb8: {  	s3 =	sand.u32 $0x4000, s31;
	s1 =	sadd.s32 s1, s30  }
0xb9: {  	s0 =	sor.u32 s3, s0;
	s1 =	sshll.u32 s1, $0x11  }
0xba: {  	s0 =	sor.u32 s1, s0  }
0xbb: {  	s0 =	sadd.s32 $0x8F2B, s0  }
0xbc: {  	[sflag:s0] =	ssyncadd.remote.s32 $0x1  }
0xbd: {  	_ =	sfence.sel $0xFFFF  }
0xbe: {  	[dreg:$0x0] =	wrdreg $0xFFFFFFFF;
	(pc) =	sbr.abs _section_cstart, $3  }
0xbf: {  	[dreg:$0x1] =	wrdreg $0xFFFFFFFF  }
0xc0: {  	_ =	task.clear_ibuf [dreg:s6], $0x2FFFF;
	_ =	strace $0x9FFFFFFF  }
0xc1: {  	(tm) =	ssettm $0x7FFFFFFF  }
tec
execute0_lowered:
.L_overlay_start_1:
0x0: {  	(tag) =	ssettag $0x1  }
0x1: {  	s1 =	srdreg.scid  }
0x2: {  	s0 =	stileid.u32;
	s4 =	rddreg [dreg:$0x0]  }
0x3: {  	s2 =	simm.s32 $0x0;
	s11 =	simm.s32 $0x3;
	s12 =	simm.s32 $0x32  }
0x4: {  	s13 =	simm.s32 $0x1C00;
	s14 =	simm.s32 $0x1;
	s15 =	simm.s32 $0x38  }
0x5: {  	s16 =	simm.s32 $0x2880;
	s17 =	simm.s32 $0x40;
	s18 =	simm.s32 $0x80000  }
0x6: {  	s19 =	simm.s32 $0x2240;
	s20 =	simm.s32 $0x2;
	s21 =	simm.s32 $0x2EC0  }
0x7: {  	s22 =	simm.s32 $0x0;
	s6 =	sand.u32 $0x1, s1;
	s1 =	rddreg [dreg:$0x1]  }
0x8: {  	s3 =	sshll.u32 s0, $0x8;
	[smem:$0x7FF] =	sst s2;
	s10 =	sadd.s32 $0x7C8800, s4  }
0x9: {  	s29 =	sshll.u32 s0, $0xC;
	s5 =	sshll.u32 s6, $0x7;
	s8 =	ssub.s32 $0x2, s6  }
0xa: {  	_ =	strace $0x80000047;
	s30 =	sadd.s32 s29, s10;
	s31 =	sshll.u32 s6, $0xB  }
0xb: {  	s5 =	sor.u32 s5, s3;
	s3 =	sadd.s32 $0x18800, s4;
	s9 =	sshrl.u32 s8, $0x1  }
0xc: {  	s7 =	smul.u32 $0x7, s5;
	s9 =	ssub.s32 s8, s9;
	s5 =	sshll.u32 s5, $0x4  }
0xd: {  	s5 =	sadd.s32 s10, s5;
	s10 =	sadd.s32 s31, s30;
	s9 =	smax.u32 s9, $0x1  }
0xe: {  	s7 =	sadd.s32 s7, s4;
	s6 =	sadd.s32 $0x8, s5;
	s8 =	sadd.s32 $0x7F8, s5  }
0xf: {  	s10 =	sadd.s32 $0x18, s10;
	s4 =	sadd.s32 $0x11800, s7;
	s7 =	sadd.s32 $0x7F0, s5  }
.LBB2_1:
0x10: {  	[tilespmem:s2], [sflag:$0x3] =	stream.linear.gather [hbm4b:s4+s2], $0x1C00, $0x38;
	[tilespmem:$0x3500] =	vst v63  }
0x11: {  	_ =	swait.ge [sflag:s11], $0x1C00  }
0x12: {  	[sflag:s11] =	ssyncset.done $0x0  }
0x13: {  	[sflag:s11] =	ssyncadd.s32 $0xFFFFE400  }
0x14: {  	[tilespmem:s13], [sflag:$0x1] =	stream.indirect.gather [hbm4b:s3+s12], $0x40, s2, s12, $0xb8;
	[tilespmem:$0x3500] =	vst v63  }
0x15: {  	_ =	swait.ge [sflag:s14], $0xC80  }
0x16: {  	[sflag:s14] =	ssyncset.done $0x0  }
0x17: {  	[sflag:s14] =	ssyncadd.s32 $0xFFFFF380  }
0x18: {  	[tilespmem:s16], [sflag:$0x1] =	stream.indirect.gather [hbm4b:s3+s12], $0x40, s15, s12, $0xb8;
	[tilespmem:$0x3500] =	vst v63  }
0x19: {  	_ = 	snop  }
0x1a: {  	[hbm4b:s5+s17] =	stream.strided.scatter [tilespmem:s13], [sflag:$0x2], $0x640, s18, s17, $0x38;
	[tilespmem:$0x3500] =	vst v63  }
0x1b: {  	_ = 	snop  }
0x1c: {  	[hbm4b:s6+s17] =	stream.strided.scatter [tilespmem:s19], [sflag:$0x2], $0x640, s18, s17, $0x38;
	[tilespmem:$0x3500] =	vst v63  }
0x1d: {  	_ =	swait.ge [sflag:s20], $0x640  }
0x1e: {  	[sflag:s20] =	ssyncset.done $0x0  }
0x1f: {  	[sflag:s20] =	ssyncadd.s32 $0xFFFFF9C0  }
0x20: {  	s23 =	sand.u32 $0x1, s20;
	_ =	swait.ge [sflag:s20], $0x640  }
0x21: {  	p0 =	seq.s32 s23, $0x1;
	s23 =	simm.s32 $0x2880;
	[sflag:s20] =	ssyncset.done $0x0  }
0x22: {  	s24 =	simm.s32 $0x70;
	s23 =	simm.s32 @!p0 $0x1C00;
	[sflag:s20] =	ssyncadd.s32 $0xFFFFF9C0  }
0x23: {  	[tilespmem:s23], [sflag:$0x1] =	stream.indirect.gather [hbm4b:s3+s12], $0x40, s24, s12, $0xb8;
	[tilespmem:$0x3500] =	vst v63  }
0x24: {  	s31 =	sadd.s32 $0xFFFFFFF8, s10;
	s24 =	simm.s32 $0x0;
	_ =	swait.ge [sflag:s14], $0xC80  }
0x25: {  	s26 =	smov.u32 s10;
	s24 =	simm.s32 @!p0 $0xC80;
	[sflag:s14] =	ssyncset.done $0x0  }
0x26: {  	s23 =	simm.s32 $0x3;
	s25 =	sadd.s32 $0x1C00, s24;
	[sflag:s14] =	ssyncadd.s32 $0xFFFFF380  }
0x27: {  	[hbm4b:s31+s17] =	stream.strided.scatter [tilespmem:s25], [sflag:$0x2], $0x640, s18, s17, $0x38;
	[tilespmem:$0x3500] =	vst v63  }
0x28: {  	s28 =	sor.u32 $0x2240, s24;
	s24 =	simm.s32 $0xA8;
	s25 =	sadd.s32 $0x10, s10  }
.LBB2_2:
0x29: {  	[hbm4b:s26+s17] =	stream.strided.scatter [tilespmem:s28], [sflag:$0x2], $0x640, s18, s17, $0x38;
	[tilespmem:$0x3500] =	vst v63  }
0x2a: {  	s28 =	smov.u32 s23;
	s26 =	smov.u32 s25  }
0x2b: {  	p0 =	sne.s32 s23, $0x7F;
	s23 =	sadd.s32 $0x1, s23;
	_ =	swait.ge [sflag:s20], $0x640  }
0x2c: {  	[sflag:s20] =	ssyncset.done $0x0  }
0x2d: {  	[sflag:s20] =	ssyncadd.s32 $0xFFFFF9C0  }
0x2e: {  	s28 =	sand.u32 $0x1, s28;
	_ =	swait.ge [sflag:s20], $0x640  }
0x2f: {  	p1 =	seq.s32 s28, $0x1;
	s28 =	simm.s32 $0x2880;
	[sflag:s20] =	ssyncset.done $0x0  }
0x30: {  	s28 =	simm.s32 @!p1 $0x1C00;
	[sflag:s20] =	ssyncadd.s32 $0xFFFFF9C0  }
0x31: {  	[tilespmem:s28], [sflag:$0x1] =	stream.indirect.gather [hbm4b:s3+s12], $0x40, s24, s12, $0xb8;
	[tilespmem:$0x3500] =	vst v63  }
.Ltmp0:
0x32: {  	s28 =	simm.s32 $0x0;
	_ =	swait.ge [sflag:s14], $0xC80;
	(pc) =	sbr.rel @p0 .LBB2_2-.Ltmp0, $4  }
0x33: {  	s28 =	simm.s32 @!p1 $0xC80;
	[sflag:s14] =	ssyncset.done $0x0  }
0x34: {  	s29 =	sadd.s32 $0xFFFFFFF8, s25;
	s30 =	sadd.s32 $0x1C00, s28;
	[sflag:s14] =	ssyncadd.s32 $0xFFFFF380  }
0x35: {  	[hbm4b:s29+s17] =	stream.strided.scatter [tilespmem:s30], [sflag:$0x2], $0x640, s18, s17, $0x38;
	[tilespmem:$0x3500] =	vst v63  }
0x36: {  	s25 =	sadd.s32 $0x10, s25;
	s24 =	sadd.s32 $0x38, s24;
	s28 =	sor.u32 $0x2240, s28  }
0x37: {  	[hbm4b:s26+s17] =	stream.strided.scatter [tilespmem:s28], [sflag:$0x2], $0x640, s18, s17, $0x38;
	[tilespmem:$0x3500] =	vst v63  }
0x38: {  	_ =	swait.ge [sflag:s20], $0x640  }
0x39: {  	[sflag:s20] =	ssyncset.done $0x0  }
0x3a: {  	[sflag:s20] =	ssyncadd.s32 $0xFFFFF9C0  }
0x3b: {  	_ =	swait.ge [sflag:s20], $0x640  }
0x3c: {  	[sflag:s20] =	ssyncset.done $0x0  }
0x3d: {  	[sflag:s20] =	ssyncadd.s32 $0xFFFFF9C0  }
0x3e: {  	_ =	swait.ge [sflag:s14], $0xC80  }
0x3f: {  	[sflag:s14] =	ssyncset.done $0x0  }
0x40: {  	[sflag:s14] =	ssyncadd.s32 $0xFFFFF380  }
0x41: {  	[hbm4b:s7+s17] =	stream.strided.scatter [tilespmem:s16], [sflag:$0x2], $0x640, s18, s17, $0x38;
	[tilespmem:$0x3500] =	vst v63  }
0x42: {  	s22 =	sadd.s32 $0x1, s22  }
0x43: {  	[hbm4b:s8+s17] =	stream.strided.scatter [tilespmem:s21], [sflag:$0x2], $0x640, s18, s17, $0x38;
	[tilespmem:$0x3500] =	vst v63  }
0x44: {  	p0 =	sne.s32 s22, s9;
	_ =	swait.ge [sflag:s20], $0x640  }
.Ltmp1:
0x45: {  	[sflag:s20] =	ssyncset.done $0x0;
	(pc) =	sbr.rel @p0 .LBB2_1-.Ltmp1, $4  }
0x46: {  	[sflag:s20] =	ssyncadd.s32 $0xFFFFF9C0  }
0x47: {  	_ =	swait.ge [sflag:s20], $0x640  }
0x48: {  	[sflag:s20] =	ssyncset.done $0x0  }
0x49: {  	[sflag:s20] =	ssyncadd.s32 $0xFFFFF9C0  }
0x4a: {  	_ =	sfence.sel $0x180000  }
0x4b: {  	[bflag:$0x0] =	sbarrier.arrive $0xFFFF  }
0x4c: {  	p0 =	sne.s32 s0, $0x0;
	_ =	strace $0x90000047  }
0x4d: {  	s0 =	sadd.s32 @!p0 $0x100000, s1;
	[bflag:$0x2] =	sbarrier.arrive $0xFFFF  }
0x4e: {  	[sflag:s0] =	ssyncadd.tile.s32 @!p0 $0x1;
	_ =	shalt  }
.Lfunc_end2:
_tile_overlayer_lowered:
.L_overlay_start_2:
0x4f: {  	(tag) =	ssettag $0x2  }
0x50: {  	s0 =	rddreg [dreg:$0x0];
	s2 =	stileid.u32  }
0x51: {  	s1 =	rddreg [dreg:$0x1];
	p0 =	sne.s32 s2, $0x0  }
0x52: {  	s3 =	rddreg [dreg:$0x2];
	[bflag:$0x3] =	sbarrier.arrive $0xFFFF;
	s2 =	simm.s32 @!p0 $0x1C03  }
0x53: {  	[timem:s3], [sflag:s2] =	dma.local @!p0 [hbm:s0], s1  }
0x54: {  	s0 =	simm.s32 @!p0 $0x3  }
0x55: {  	_ =	swait.ge @!p0 [sflag:s0], s1  }
0x56: {  	s1 =	ssub.s32 @!p0 $0x0, s1;
	[sflag:s0] =	ssyncset.done @!p0 $0x0  }
0x57: {  	[sflag:s0] =	ssyncadd.s32 @!p0 s1  }
0x58: {  	[bflag:$0x3] =	sbarrier.arrive $0xFFFF  }
0x59: {  	_ =	shalt  }

// kernel: kernel.14.cloned.1.call-start
scs
__scs_entry_jumppad:
0x0: {  	(pc) =	sbr.rel $0x88, $3  }
0x1: {  	(tag) =	ssettag $0x0;
	lr =	simm.s32 $0x1  }
0x2: {  	[smem:$0x3F9F] =	sst lr;
	_ =	strace $0xD0000000  }
0x3: {  	_ = 	snop  }
0x4: {  	_ = 	snop  }
0x5: {  	_ = 	snop  }
0x6: {  	_ = 	snop  }
0x7: {  	_ = 	snop  }
__scs_overlays_trampoline_lowered:
0x8: {  	[smem:$0x3FAE] =	sst s0  }
0x9: {  	[smem:$0x3FAF] =	sst s1  }
0xa: {  	[smem:$0x3FB0] =	sst s2  }
0xb: {  	[smem:$0x3FB1] =	sst s3  }
0xc: {  	[smem:$0x3FB2] =	sst s4  }
0xd: {  	[smem:$0x3FB3] =	sst s5  }
0xe: {  	[smem:$0x3FB4] =	sst s6  }
0xf: {  	[smem:$0x3FB5] =	sst s7  }
0x10: {  	[smem:$0x3FB6] =	sst s8  }
0x11: {  	[smem:$0x3FB7] =	sst s9;
	s0 =	simm.s32 @!p0 $0x0  }
0x12: {  	s1 =	sld [smem:$0x3F9D];
	s0 =	simm.s32 @p0 $0x1  }
0x13: {  	[smem:$0x3FB8] =	sst s0;
	s0 =	simm.s32 @!p1 $0x0  }
0x14: {  	s2 =	sld [smem:$0x3F9C];
	s0 =	simm.s32 @p1 $0x1  }
0x15: {  	[smem:$0x3FB9] =	sst s0;
	s0 =	simm.s32 @!p2 $0x0  }
0x16: {  	s3 =	sld [smem:$0x3FDB];
	s0 =	simm.s32 @p2 $0x1  }
0x17: {  	s4 =	simm.s32 $0x1BF5;
	[smem:$0x3FBB] =	sst s0  }
0x18: {  	s0 =	sld [smem:$0x3F9E];
	_ =	swait.ge [sflag:s4], $0x0  }
0x19: {  	s7 =	sld [smem:$0x3F9F]  }
0x1a: {  	s8 =	sadd.s32 $0xFFFFE003, lr  }
0x1b: {  	s9 =	sadd.s32 $0xFFFFFEF7, lr;
	s5 =	simm.s32 $0xFFFFFFFF;
	p2 =	slt.u32 s8, $0xFFFFF086  }
0x1c: {  	p1 =	slt.u32 s9, $0xF7A;
	s5 =	simm.s32 @!p2 $0x0  }
0x1d: {  	s5 =	simm.s32 @p1 $0x1;
	p0 =	seq.s32 s7, s2  }
0x1e: {  	s7 =	smul.u32 @!p0 $0xF7A, s2;
	p2 =	seq.s32 @!p0 s5, $0x0  }
0x1f: {  	s9 =	smul.u32 $0xF7A, s1;
	s8 =	simm.s32 @!p0 $0x1BF5;
	p2 =	por !p2, p0  }
0x20: {  	[sflag:s8] =	ssyncset.s32 @!p0 $0xFFFFF086;
	s6 =	sadd.s32 @!p0 s3, s7;
	s7 =	simm.s32 @!p0 $0x108  }
0x21: {  	s3 =	sadd.s32 s3, s9;
	s6 =	sadd.s32 @!p0 $0x88, s6;
	s7 =	simm.s32 @p2 $0x1082  }
0x22: {  	[simem:s7], [sflag:s8] =	dma.local @!p0 [hbm:s6], $0xF7A  }
0x23: {  	s9 =	sor.u32 $0xD0000000, s2;
	s6 =	simm.s32 $0x108;
	_ =	swait.ge @!p0 [sflag:s8], $0x0  }
0x24: {  	s3 =	sadd.s32 $0x88, s3;
	s6 =	simm.s32 @!p1 $0x1082;
	[sflag:s4] =	ssyncset.s32 $0xFFFFF086  }
0x25: {  	[simem:s6], [sflag:s4] =	dma.local [hbm:s3], $0xF7A  }
0x26: {  	[smem:$0x3F9F] =	sst s1;
	(tag) =	ssettag s2;
	_ =	strace s9  }
0x27: {  	s1 =	sld [smem:$0x3FAF]  }
0x28: {  	s2 =	sld [smem:$0x3FB0]  }
0x29: {  	s4 =	sld [smem:$0x3FB2]  }
0x2a: {  	p0 =	seq.s32 s5, $0x0;
	s5 =	sld [smem:$0x3FB3]  }
0x2b: {  	s6 =	sld [smem:$0x3FB4]  }
0x2c: {  	s7 =	sld [smem:$0x3FB5]  }
0x2d: {  	s3 =	simm.s32 $0x108;
	s8 =	sld [smem:$0x3FB6]  }
0x2e: {  	s3 =	simm.s32 @!p0 $0x1082;
	s9 =	sld [smem:$0x3FB7]  }
0x2f: {  	lr =	sadd.s32 s0, s3;
	s0 =	sld [smem:$0x3FAE]  }
0x30: {  	s3 =	sld [smem:$0x3FB1]  }
0x31: {  	[smem:$0x3FBA] =	sst s10  }
0x32: {  	s10 =	sld [smem:$0x3FB8];
	_ =	sdelay $0x3  }
0x33: {  	p0 =	seq.s32 s10, $0x1;
	s10 =	sld [smem:$0x3FBA];
	_ =	sdelay $0x3  }
0x34: {  	[smem:$0x3FBA] =	sst s10  }
0x35: {  	s10 =	sld [smem:$0x3FB9];
	_ =	sdelay $0x3  }
0x36: {  	p1 =	seq.s32 s10, $0x1;
	s10 =	sld [smem:$0x3FBA];
	_ =	sdelay $0x3  }
0x37: {  	[smem:$0x3FBA] =	sst s10  }
0x38: {  	s10 =	sld [smem:$0x3FBB]  }
0x39: {  	_ = 	snop;
	(pc) =	sbr.ind lr, $3  }
0x3a: {  	_ = 	snop  }
0x3b: {  	_ = 	snop  }
0x3c: {  	p2 =	seq.s32 s10, $0x1;
	s10 =	sld [smem:$0x3FBA]  }
0x3d: {  	_ =	shalt  }
0x3e: {  	_ =	shalt  }
0x3f: {  	_ =	shalt  }
0x40: {  	_ =	shalt  }
0x41: {  	_ =	shalt  }
0x42: {  	_ =	shalt  }
0x43: {  	_ =	shalt  }
0x44: {  	_ =	shalt  }
0x45: {  	_ =	shalt  }
0x46: {  	_ =	shalt  }
0x47: {  	_ =	shalt  }
0x48: {  	_ =	shalt  }
0x49: {  	_ =	shalt  }
0x4a: {  	_ =	shalt  }
0x4b: {  	_ =	shalt  }
0x4c: {  	_ =	shalt  }
0x4d: {  	_ =	shalt  }
0x4e: {  	_ =	shalt  }
0x4f: {  	_ =	shalt  }
0x50: {  	_ =	shalt  }
0x51: {  	_ =	shalt  }
0x52: {  	_ =	shalt  }
0x53: {  	_ =	shalt  }
0x54: {  	_ =	shalt  }
0x55: {  	_ =	shalt  }
0x56: {  	_ =	shalt  }
0x57: {  	_ =	shalt  }
0x58: {  	_ =	shalt  }
0x59: {  	_ =	shalt  }
0x5a: {  	_ =	shalt  }
0x5b: {  	_ =	shalt  }
0x5c: {  	_ =	shalt  }
0x5d: {  	_ =	shalt  }
0x5e: {  	_ =	shalt  }
0x5f: {  	_ =	shalt  }
0x60: {  	_ =	shalt  }
0x61: {  	_ =	shalt  }
0x62: {  	_ =	shalt  }
0x63: {  	_ =	shalt  }
0x64: {  	_ =	shalt  }
0x65: {  	_ =	shalt  }
0x66: {  	_ =	shalt  }
0x67: {  	_ =	shalt  }
0x68: {  	_ =	shalt  }
0x69: {  	_ =	shalt  }
0x6a: {  	_ =	shalt  }
0x6b: {  	_ =	shalt  }
0x6c: {  	_ =	shalt  }
0x6d: {  	_ =	shalt  }
0x6e: {  	_ =	shalt  }
0x6f: {  	_ =	shalt  }
0x70: {  	_ =	shalt  }
0x71: {  	_ =	shalt  }
0x72: {  	_ =	shalt  }
0x73: {  	_ =	shalt  }
0x74: {  	_ =	shalt  }
0x75: {  	_ =	shalt  }
0x76: {  	_ =	shalt  }
0x77: {  	_ =	shalt  }
0x78: {  	_ =	shalt  }
0x79: {  	_ =	shalt  }
0x7a: {  	_ =	shalt  }
0x7b: {  	_ =	shalt  }
0x7c: {  	_ =	shalt  }
0x7d: {  	_ =	shalt  }
0x7e: {  	_ =	shalt  }
0x7f: {  	_ =	shalt  }
0x80: {  	_ =	shalt  }
0x81: {  	_ =	shalt  }
0x82: {  	_ =	shalt  }
0x83: {  	_ =	shalt  }
0x84: {  	_ =	shalt  }
0x85: {  	_ =	shalt  }
0x86: {  	_ =	shalt  }
0x87: {  	_ =	shalt  }
.Lfunc_end0:
.L_simem_size_0:
called_computation.1_lowered:
.L_overlay_start_0:
0x88: {  	s2 =	sld [smem:$0x3FD9]  }
0x89: {  	s3 =	sld [smem:$0x3FFE];
	_ =	sdelay $0x1  }
0x8a: {  	s1 =	srdreg.scid  }
0x8b: {  	s0 =	sand.u32 $0x1, s1  }
0x8c: {  	s17 =	sshll.u32 s0, $0xA;
	s2 =	sadd.s32 s3, s2  }
0x8d: {  	s2 =	sadd.s32 s2, s17  }
0x8e: {  	[smem:$0x3FC6] =	sst s2  }
0x8f: {  	_ = 	snop  }
0x90: {  	(tm) =	ssettm $0x1  }
0x91: {  	s18 =	sld [smem:$0x3FFB];
	_ =	sdelay $0x3  }
0x92: {  	_ =	strace s18  }
0x93: {  	s2 =	sld [smem:$0x3FFC];
	_ =	sdelay $0x3  }
0x94: {  	_ =	strace s2  }
0x95: {  	s2 =	sld [smem:$0x3FFD];
	_ =	sdelay $0x3  }
0x96: {  	_ =	strace s2  }
0x97: {  	_ =	strace $0x8FFFFFFF  }
0x98: {  	s19 =	sld [smem:$0x3FDB];
	_ =	sdelay $0x1  }
0x99: {  	s20 =	simm.s32 $_scs_section_size  }
0x9a: {  	s4 =	simm.s32 $_size__tile_overlayer_lowered;
	s5 =	simm.s32 $_tile_overlayer_lowered  }
0x9b: {  	s6 =	simm.s32 $0x1BFF;
	s21 =	sshll.u32 s5, $0x1;
	s3 =	sadd.s32 s20, s19  }
0x9c: {  	s22 =	simm.s32 $0x0;
	s4 =	sshll.u32 s4, $0x1;
	s5 =	sadd.s32 s21, s3  }
0x9d: {  	[timem:s22], [sflag:s6] =	dma.local [hbm:s5], s4  }
0x9e: {  	_ =	swait.ge [sflag:s6], s4  }
0x9f: {  	s4 =	ssub.s32 $0x0, s4;
	[sflag:s6] =	ssyncset.done $0x0  }
0xa0: {  	[sflag:s6] =	ssyncadd.s32 s4;
	_ =	sdelay $0x1  }
0xa1: {  	s23 =	simm.s32 $0x1B8B  }
0xa2: {  	_ =	swait.ge [sflag:s23], $0x1  }
0xa3: {  	[sflag:s23] =	ssyncset.done $0x0  }
0xa4: {  	[sflag:s23] =	ssyncadd.s32 $0xFFFFFFFF  }
0xa5: {  	s4 =	sld [smem:$0x0]  }
0xa6: {  	s5 =	sand.u32 $0xFFFFFFFE, s1  }
0xa7: {  	p0 =	sne.s32 s1, s5  }
0xa8: {  	s5 =	sshll.u32 @p0 s5, $0xE  }
0xa9: {  	s5 =	sadd.s32 @p0 $0x11B8D, s5;
	s6 =	sshll.u32 @p0 s4, $0x11  }
0xaa: {  	s5 =	sor.u32 @p0 s6, s5  }
0xab: {  	[sflag:s5] =	ssyncadd.remote.s32 @p0 $0x1;
	_ =	sdelay $0x1  }
0xac: {  	s5 =	simm.s32 @p0 $0x1B8D  }
0xad: {  	_ =	swait.eq @p0 [sflag:s5], $0x1  }
0xae: {  	[sflag:s5] =	ssyncadd.s32 @p0 $0xFFFFFFFF  }
0xaf: {  	s6 =	sshll.u32 @!p0 s1, $0xE  }
0xb0: {  	s6 =	sor.u32 @!p0 $0x4000, s6;
	s5 =	simm.s32 @!p0 $0x1B8D  }
0xb1: {  	s4 =	sshll.u32 @!p0 s4, $0x11;
	s6 =	sadd.s32 @!p0 $0x11B8D, s6;
	_ =	swait.eq @!p0 [sflag:s5], $0x1  }
0xb2: {  	s4 =	sor.u32 @!p0 s4, s6;
	[sflag:s5] =	ssyncadd.s32 @!p0 $0xFFFFFFFF  }
0xb3: {  	s25 =	simm.s32 $0x1B8E;
	s24 =	sld [smem:$0x3FFE];
	[sflag:s4] =	ssyncadd.remote.s32 @!p0 $0x1  }
0xb4: {  	s26 =	simm.s32 $execute0_lowered;
	[smem:$0x3FD2] =	sst s25  }
0xb5: {  	s5 =	sshll.u32 s26, $0x1;
	_ =	strace $0x80000049;
	[dreg:$0x1] =	wrdreg $0xFFFFFFFF  }
0xb6: {  	s28 =	simm.s32 $_size_execute0_lowered;
	s3 =	sadd.s32 s3, s5;
	[dreg:$0x0] =	wrdreg $0x0  }
0xb7: {  	s5 =	sshll.u32 s28, $0x1;
	[dreg:$0x2] =	wrdreg s3  }
0xb8: {  	[dreg:$0x3] =	wrdreg s5  }
0xb9: {  	[dreg:$0x4] =	wrdreg $0xC0  }
0xba: {  	_ =	task [dreg:s22], $0x5FFFF  }
0xbb: {  	[dreg:$0x1] =	wrdreg $0xFFFFFFFF  }
0xbc: {  	[dreg:$0x0] =	wrdreg $0x60  }
0xbd: {  	[dreg:$0x2] =	wrdreg s24  }
0xbe: {  	[dreg:$0x3] =	wrdreg $0xA  }
0xbf: {  	_ =	task.clear_ibuf [dreg:s22], $0x4FFFF;
	_ =	strace $0x90000049  }
0xc0: {  	s29 =	simm.s32 $0xA;
	_ =	strace $0x8000004B  }
0xc1: {  	_ =	swait.ge [sflag:s29], $0x1  }
0xc2: {  	[sflag:s29] =	ssyncadd.s32 $0xFFFFFFFF  }
0xc3: {  	_ =	strace $0x9000004B  }
0xc4: {  	_ =	sfence  }
0xc5: {  	s30 =	sld [smem:$0x0];
	_ =	sdelay $0x2  }
0xc6: {  	s31 =	sshll.u32 s1, $0xD;
	s1 =	sshrl.u32 s1, $0x2  }
0xc7: {  	s4 =	sand.u32 $0x4000, s31;
	s1 =	sadd.s32 s1, s30  }
0xc8: {  	s0 =	sor.u32 s4, s0;
	s1 =	sshll.u32 s1, $0x11  }
0xc9: {  	s0 =	sor.u32 s1, s0  }
0xca: {  	s0 =	sadd.s32 $0x8F2B, s0  }
0xcb: {  	[sflag:s0] =	ssyncadd.remote.s32 $0x1  }
0xcc: {  	_ =	sfence.sel $0xFFFF  }
0xcd: {  	[dreg:$0x0] =	wrdreg $0xFFFFFFFF;
	(pc) =	sbr.abs _section_cstart, $3  }
0xce: {  	[dreg:$0x1] =	wrdreg $0xFFFFFFFF  }
0xcf: {  	_ =	task.clear_ibuf [dreg:s22], $0x2FFFF;
	_ =	strace $0x9FFFFFFF  }
0xd0: {  	(tm) =	ssettm $0x7FFFFFFF  }
0xd1: {  	_ =	shalt  }
tec
execute0_lowered:
.L_overlay_start_1:
0x0: {  	(tag) =	ssettag $0x1  }
0x1: {  	s1 =	srdreg.scid  }
0x2: {  	s0 =	stileid.u32;
	s4 =	rddreg [dreg:$0x0]  }
0x3: {  	s2 =	simm.s32 $0x0;
	s11 =	simm.s32 $0x3;
	s12 =	simm.s32 $0x32  }
0x4: {  	s13 =	simm.s32 $0x1C00;
	s14 =	simm.s32 $0x1;
	s15 =	simm.s32 $0x38  }
0x5: {  	s16 =	simm.s32 $0x2880;
	s17 =	simm.s32 $0x40;
	s18 =	simm.s32 $0x80000  }
0x6: {  	s19 =	simm.s32 $0x2240;
	s20 =	simm.s32 $0x2;
	s21 =	simm.s32 $0x2EC0  }
0x7: {  	s22 =	simm.s32 $0x0;
	s6 =	sand.u32 $0x1, s1;
	s1 =	rddreg [dreg:$0x1]  }
0x8: {  	s3 =	sshll.u32 s0, $0x8;
	[smem:$0x7FF] =	sst s2;
	s10 =	sadd.s32 $0x958800, s4  }
0x9: {  	s29 =	sshll.u32 s0, $0xC;
	s5 =	sshll.u32 s6, $0x7;
	s8 =	ssub.s32 $0x2, s6  }
0xa: {  	_ =	strace $0x8000004A;
	s30 =	sadd.s32 s29, s10;
	s31 =	sshll.u32 s6, $0xB  }
0xb: {  	s5 =	sor.u32 s5, s3;
	s3 =	sadd.s32 $0x18800, s4;
	s9 =	sshrl.u32 s8, $0x1  }
0xc: {  	s7 =	smul.u32 $0x7, s5;
	s9 =	ssub.s32 s8, s9;
	s5 =	sshll.u32 s5, $0x4  }
0xd: {  	s5 =	sadd.s32 s10, s5;
	s10 =	sadd.s32 s31, s30;
	s9 =	smax.u32 s9, $0x1  }
0xe: {  	s7 =	sadd.s32 s7, s4;
	s6 =	sadd.s32 $0x8, s5;
	s8 =	sadd.s32 $0x7F8, s5  }
0xf: {  	s10 =	sadd.s32 $0x18, s10;
	s4 =	sadd.s32 $0x1800, s7;
	s7 =	sadd.s32 $0x7F0, s5  }
.LBB2_1:
0x10: {  	[tilespmem:s2], [sflag:$0x3] =	stream.linear.gather [hbm4b:s4+s2], $0x1C00, $0x38;
	[tilespmem:$0x3500] =	vst v63  }
0x11: {  	_ =	swait.ge [sflag:s11], $0x1C00  }
0x12: {  	[sflag:s11] =	ssyncset.done $0x0  }
0x13: {  	[sflag:s11] =	ssyncadd.s32 $0xFFFFE400  }
0x14: {  	[tilespmem:s13], [sflag:$0x1] =	stream.indirect.gather [hbm4b:s3+s12], $0x40, s2, s12, $0xb8;
	[tilespmem:$0x3500] =	vst v63  }
0x15: {  	_ =	swait.ge [sflag:s14], $0xC80  }
0x16: {  	[sflag:s14] =	ssyncset.done $0x0  }
0x17: {  	[sflag:s14] =	ssyncadd.s32 $0xFFFFF380  }
0x18: {  	[tilespmem:s16], [sflag:$0x1] =	stream.indirect.gather [hbm4b:s3+s12], $0x40, s15, s12, $0xb8;
	[tilespmem:$0x3500] =	vst v63  }
0x19: {  	_ = 	snop  }
0x1a: {  	[hbm4b:s5+s17] =	stream.strided.scatter [tilespmem:s13], [sflag:$0x2], $0x640, s18, s17, $0x38;
	[tilespmem:$0x3500] =	vst v63  }
0x1b: {  	_ = 	snop  }
0x1c: {  	[hbm4b:s6+s17] =	stream.strided.scatter [tilespmem:s19], [sflag:$0x2], $0x640, s18, s17, $0x38;
	[tilespmem:$0x3500] =	vst v63  }
0x1d: {  	_ =	swait.ge [sflag:s20], $0x640  }
0x1e: {  	[sflag:s20] =	ssyncset.done $0x0  }
0x1f: {  	[sflag:s20] =	ssyncadd.s32 $0xFFFFF9C0  }
0x20: {  	s23 =	sand.u32 $0x1, s20;
	_ =	swait.ge [sflag:s20], $0x640  }
0x21: {  	p0 =	seq.s32 s23, $0x1;
	s23 =	simm.s32 $0x2880;
	[sflag:s20] =	ssyncset.done $0x0  }
0x22: {  	s24 =	simm.s32 $0x70;
	s23 =	simm.s32 @!p0 $0x1C00;
	[sflag:s20] =	ssyncadd.s32 $0xFFFFF9C0  }
0x23: {  	[tilespmem:s23], [sflag:$0x1] =	stream.indirect.gather [hbm4b:s3+s12], $0x40, s24, s12, $0xb8;
	[tilespmem:$0x3500] =	vst v63  }
0x24: {  	s31 =	sadd.s32 $0xFFFFFFF8, s10;
	s24 =	simm.s32 $0x0;
	_ =	swait.ge [sflag:s14], $0xC80  }
0x25: {  	s26 =	smov.u32 s10;
	s24 =	simm.s32 @!p0 $0xC80;
	[sflag:s14] =	ssyncset.done $0x0  }
0x26: {  	s23 =	simm.s32 $0x3;
	s25 =	sadd.s32 $0x1C00, s24;
	[sflag:s14] =	ssyncadd.s32 $0xFFFFF380  }
0x27: {  	[hbm4b:s31+s17] =	stream.strided.scatter [tilespmem:s25], [sflag:$0x2], $0x640, s18, s17, $0x38;
	[tilespmem:$0x3500] =	vst v63  }
0x28: {  	s28 =	sor.u32 $0x2240, s24;
	s24 =	simm.s32 $0xA8;
	s25 =	sadd.s32 $0x10, s10  }
.LBB2_2:
0x29: {  	[hbm4b:s26+s17] =	stream.strided.scatter [tilespmem:s28], [sflag:$0x2], $0x640, s18, s17, $0x38;
	[tilespmem:$0x3500] =	vst v63  }
0x2a: {  	s28 =	smov.u32 s23;
	s26 =	smov.u32 s25  }
0x2b: {  	p0 =	sne.s32 s23, $0x7F;
	s23 =	sadd.s32 $0x1, s23;
	_ =	swait.ge [sflag:s20], $0x640  }
0x2c: {  	[sflag:s20] =	ssyncset.done $0x0  }
0x2d: {  	[sflag:s20] =	ssyncadd.s32 $0xFFFFF9C0  }
0x2e: {  	s28 =	sand.u32 $0x1, s28;
	_ =	swait.ge [sflag:s20], $0x640  }
0x2f: {  	p1 =	seq.s32 s28, $0x1;
	s28 =	simm.s32 $0x2880;
	[sflag:s20] =	ssyncset.done $0x0  }
0x30: {  	s28 =	simm.s32 @!p1 $0x1C00;
	[sflag:s20] =	ssyncadd.s32 $0xFFFFF9C0  }
0x31: {  	[tilespmem:s28], [sflag:$0x1] =	stream.indirect.gather [hbm4b:s3+s12], $0x40, s24, s12, $0xb8;
	[tilespmem:$0x3500] =	vst v63  }
.Ltmp0:
0x32: {  	s28 =	simm.s32 $0x0;
	_ =	swait.ge [sflag:s14], $0xC80;
	(pc) =	sbr.rel @p0 .LBB2_2-.Ltmp0, $4  }
0x33: {  	s28 =	simm.s32 @!p1 $0xC80;
	[sflag:s14] =	ssyncset.done $0x0  }
0x34: {  	s29 =	sadd.s32 $0xFFFFFFF8, s25;
	s30 =	sadd.s32 $0x1C00, s28;
	[sflag:s14] =	ssyncadd.s32 $0xFFFFF380  }
0x35: {  	[hbm4b:s29+s17] =	stream.strided.scatter [tilespmem:s30], [sflag:$0x2], $0x640, s18, s17, $0x38;
	[tilespmem:$0x3500] =	vst v63  }
0x36: {  	s25 =	sadd.s32 $0x10, s25;
	s24 =	sadd.s32 $0x38, s24;
	s28 =	sor.u32 $0x2240, s28  }
0x37: {  	[hbm4b:s26+s17] =	stream.strided.scatter [tilespmem:s28], [sflag:$0x2], $0x640, s18, s17, $0x38;
	[tilespmem:$0x3500] =	vst v63  }
0x38: {  	_ =	swait.ge [sflag:s20], $0x640  }
0x39: {  	[sflag:s20] =	ssyncset.done $0x0  }
0x3a: {  	[sflag:s20] =	ssyncadd.s32 $0xFFFFF9C0  }
0x3b: {  	_ =	swait.ge [sflag:s20], $0x640  }
0x3c: {  	[sflag:s20] =	ssyncset.done $0x0  }
0x3d: {  	[sflag:s20] =	ssyncadd.s32 $0xFFFFF9C0  }
0x3e: {  	_ =	swait.ge [sflag:s14], $0xC80  }
0x3f: {  	[sflag:s14] =	ssyncset.done $0x0  }
0x40: {  	[sflag:s14] =	ssyncadd.s32 $0xFFFFF380  }
0x41: {  	[hbm4b:s7+s17] =	stream.strided.scatter [tilespmem:s16], [sflag:$0x2], $0x640, s18, s17, $0x38;
	[tilespmem:$0x3500] =	vst v63  }
0x42: {  	s22 =	sadd.s32 $0x1, s22  }
0x43: {  	[hbm4b:s8+s17] =	stream.strided.scatter [tilespmem:s21], [sflag:$0x2], $0x640, s18, s17, $0x38;
	[tilespmem:$0x3500] =	vst v63  }
0x44: {  	p0 =	sne.s32 s22, s9;
	_ =	swait.ge [sflag:s20], $0x640  }
.Ltmp1:
0x45: {  	[sflag:s20] =	ssyncset.done $0x0;
	(pc) =	sbr.rel @p0 .LBB2_1-.Ltmp1, $4  }
0x46: {  	[sflag:s20] =	ssyncadd.s32 $0xFFFFF9C0  }
0x47: {  	_ =	swait.ge [sflag:s20], $0x640  }
0x48: {  	[sflag:s20] =	ssyncset.done $0x0  }
0x49: {  	[sflag:s20] =	ssyncadd.s32 $0xFFFFF9C0  }
0x4a: {  	_ =	sfence.sel $0x180000  }
0x4b: {  	[bflag:$0x0] =	sbarrier.arrive $0xFFFF  }
0x4c: {  	p0 =	sne.s32 s0, $0x0;
	_ =	strace $0x9000004A  }
0x4d: {  	s0 =	sadd.s32 @!p0 $0x100000, s1;
	[bflag:$0x2] =	sbarrier.arrive $0xFFFF  }
0x4e: {  	[sflag:s0] =	ssyncadd.tile.s32 @!p0 $0x1;
	_ =	shalt  }
.Lfunc_end2:
_tile_overlayer_lowered:
.L_overlay_start_2:
0x4f: {  	(tag) =	ssettag $0x2  }
0x50: {  	s0 =	rddreg [dreg:$0x0];
	s2 =	stileid.u32  }
0x51: {  	s1 =	rddreg [dreg:$0x1];
	p0 =	sne.s32 s2, $0x0  }
0x52: {  	s3 =	rddreg [dreg:$0x2];
	[bflag:$0x3] =	sbarrier.arrive $0xFFFF;
	s2 =	simm.s32 @!p0 $0x1C03  }
0x53: {  	[timem:s3], [sflag:s2] =	dma.local @!p0 [hbm:s0], s1  }
0x54: {  	s0 =	simm.s32 @!p0 $0x3  }
0x55: {  	_ =	swait.ge @!p0 [sflag:s0], s1  }
0x56: {  	s1 =	ssub.s32 @!p0 $0x0, s1;
	[sflag:s0] =	ssyncset.done @!p0 $0x0  }
0x57: {  	[sflag:s0] =	ssyncadd.s32 @!p0 s1  }
0x58: {  	[bflag:$0x3] =	sbarrier.arrive $0xFFFF  }
0x59: {  	_ =	shalt  }

// kernel: kernel.17.cloned.1.call-start
scs
__scs_entry_jumppad:
0x0: {  	(pc) =	sbr.rel $0x88, $3  }
0x1: {  	(tag) =	ssettag $0x0;
	lr =	simm.s32 $0x1  }
0x2: {  	[smem:$0x3F9F] =	sst lr;
	_ =	strace $0xD0000000  }
0x3: {  	_ = 	snop  }
0x4: {  	_ = 	snop  }
0x5: {  	_ = 	snop  }
0x6: {  	_ = 	snop  }
0x7: {  	_ = 	snop  }
__scs_overlays_trampoline_lowered:
0x8: {  	[smem:$0x3FAE] =	sst s0  }
0x9: {  	[smem:$0x3FAF] =	sst s1  }
0xa: {  	[smem:$0x3FB0] =	sst s2  }
0xb: {  	[smem:$0x3FB1] =	sst s3  }
0xc: {  	[smem:$0x3FB2] =	sst s4  }
0xd: {  	[smem:$0x3FB3] =	sst s5  }
0xe: {  	[smem:$0x3FB4] =	sst s6  }
0xf: {  	[smem:$0x3FB5] =	sst s7  }
0x10: {  	[smem:$0x3FB6] =	sst s8  }
0x11: {  	[smem:$0x3FB7] =	sst s9;
	s0 =	simm.s32 @!p0 $0x0  }
0x12: {  	s1 =	sld [smem:$0x3F9D];
	s0 =	simm.s32 @p0 $0x1  }
0x13: {  	[smem:$0x3FB8] =	sst s0;
	s0 =	simm.s32 @!p1 $0x0  }
0x14: {  	s2 =	sld [smem:$0x3F9C];
	s0 =	simm.s32 @p1 $0x1  }
0x15: {  	[smem:$0x3FB9] =	sst s0;
	s0 =	simm.s32 @!p2 $0x0  }
0x16: {  	s3 =	sld [smem:$0x3FDB];
	s0 =	simm.s32 @p2 $0x1  }
0x17: {  	s4 =	simm.s32 $0x1BF5;
	[smem:$0x3FBB] =	sst s0  }
0x18: {  	s0 =	sld [smem:$0x3F9E];
	_ =	swait.ge [sflag:s4], $0x0  }
0x19: {  	s7 =	sld [smem:$0x3F9F]  }
0x1a: {  	s8 =	sadd.s32 $0xFFFFE003, lr  }
0x1b: {  	s9 =	sadd.s32 $0xFFFFFEF7, lr;
	s5 =	simm.s32 $0xFFFFFFFF;
	p2 =	slt.u32 s8, $0xFFFFF086  }
0x1c: {  	p1 =	slt.u32 s9, $0xF7A;
	s5 =	simm.s32 @!p2 $0x0  }
0x1d: {  	s5 =	simm.s32 @p1 $0x1;
	p0 =	seq.s32 s7, s2  }
0x1e: {  	s7 =	smul.u32 @!p0 $0xF7A, s2;
	p2 =	seq.s32 @!p0 s5, $0x0  }
0x1f: {  	s9 =	smul.u32 $0xF7A, s1;
	s8 =	simm.s32 @!p0 $0x1BF5;
	p2 =	por !p2, p0  }
0x20: {  	[sflag:s8] =	ssyncset.s32 @!p0 $0xFFFFF086;
	s6 =	sadd.s32 @!p0 s3, s7;
	s7 =	simm.s32 @!p0 $0x108  }
0x21: {  	s3 =	sadd.s32 s3, s9;
	s6 =	sadd.s32 @!p0 $0x88, s6;
	s7 =	simm.s32 @p2 $0x1082  }
0x22: {  	[simem:s7], [sflag:s8] =	dma.local @!p0 [hbm:s6], $0xF7A  }
0x23: {  	s9 =	sor.u32 $0xD0000000, s2;
	s6 =	simm.s32 $0x108;
	_ =	swait.ge @!p0 [sflag:s8], $0x0  }
0x24: {  	s3 =	sadd.s32 $0x88, s3;
	s6 =	simm.s32 @!p1 $0x1082;
	[sflag:s4] =	ssyncset.s32 $0xFFFFF086  }
0x25: {  	[simem:s6], [sflag:s4] =	dma.local [hbm:s3], $0xF7A  }
0x26: {  	[smem:$0x3F9F] =	sst s1;
	(tag) =	ssettag s2;
	_ =	strace s9  }
0x27: {  	s1 =	sld [smem:$0x3FAF]  }
0x28: {  	s2 =	sld [smem:$0x3FB0]  }
0x29: {  	s4 =	sld [smem:$0x3FB2]  }
0x2a: {  	p0 =	seq.s32 s5, $0x0;
	s5 =	sld [smem:$0x3FB3]  }
0x2b: {  	s6 =	sld [smem:$0x3FB4]  }
0x2c: {  	s7 =	sld [smem:$0x3FB5]  }
0x2d: {  	s3 =	simm.s32 $0x108;
	s8 =	sld [smem:$0x3FB6]  }
0x2e: {  	s3 =	simm.s32 @!p0 $0x1082;
	s9 =	sld [smem:$0x3FB7]  }
0x2f: {  	lr =	sadd.s32 s0, s3;
	s0 =	sld [smem:$0x3FAE]  }
0x30: {  	s3 =	sld [smem:$0x3FB1]  }
0x31: {  	[smem:$0x3FBA] =	sst s10  }
0x32: {  	s10 =	sld [smem:$0x3FB8];
	_ =	sdelay $0x3  }
0x33: {  	p0 =	seq.s32 s10, $0x1;
	s10 =	sld [smem:$0x3FBA];
	_ =	sdelay $0x3  }
0x34: {  	[smem:$0x3FBA] =	sst s10  }
0x35: {  	s10 =	sld [smem:$0x3FB9];
	_ =	sdelay $0x3  }
0x36: {  	p1 =	seq.s32 s10, $0x1;
	s10 =	sld [smem:$0x3FBA];
	_ =	sdelay $0x3  }
0x37: {  	[smem:$0x3FBA] =	sst s10  }
0x38: {  	s10 =	sld [smem:$0x3FBB]  }
0x39: {  	_ = 	snop;
	(pc) =	sbr.ind lr, $3  }
0x3a: {  	_ = 	snop  }
0x3b: {  	_ = 	snop  }
0x3c: {  	p2 =	seq.s32 s10, $0x1;
	s10 =	sld [smem:$0x3FBA]  }
0x3d: {  	_ =	shalt  }
0x3e: {  	_ =	shalt  }
0x3f: {  	_ =	shalt  }
0x40: {  	_ =	shalt  }
0x41: {  	_ =	shalt  }
0x42: {  	_ =	shalt  }
0x43: {  	_ =	shalt  }
0x44: {  	_ =	shalt  }
0x45: {  	_ =	shalt  }
0x46: {  	_ =	shalt  }
0x47: {  	_ =	shalt  }
0x48: {  	_ =	shalt  }
0x49: {  	_ =	shalt  }
0x4a: {  	_ =	shalt  }
0x4b: {  	_ =	shalt  }
0x4c: {  	_ =	shalt  }
0x4d: {  	_ =	shalt  }
0x4e: {  	_ =	shalt  }
0x4f: {  	_ =	shalt  }
0x50: {  	_ =	shalt  }
0x51: {  	_ =	shalt  }
0x52: {  	_ =	shalt  }
0x53: {  	_ =	shalt  }
0x54: {  	_ =	shalt  }
0x55: {  	_ =	shalt  }
0x56: {  	_ =	shalt  }
0x57: {  	_ =	shalt  }
0x58: {  	_ =	shalt  }
0x59: {  	_ =	shalt  }
0x5a: {  	_ =	shalt  }
0x5b: {  	_ =	shalt  }
0x5c: {  	_ =	shalt  }
0x5d: {  	_ =	shalt  }
0x5e: {  	_ =	shalt  }
0x5f: {  	_ =	shalt  }
0x60: {  	_ =	shalt  }
0x61: {  	_ =	shalt  }
0x62: {  	_ =	shalt  }
0x63: {  	_ =	shalt  }
0x64: {  	_ =	shalt  }
0x65: {  	_ =	shalt  }
0x66: {  	_ =	shalt  }
0x67: {  	_ =	shalt  }
0x68: {  	_ =	shalt  }
0x69: {  	_ =	shalt  }
0x6a: {  	_ =	shalt  }
0x6b: {  	_ =	shalt  }
0x6c: {  	_ =	shalt  }
0x6d: {  	_ =	shalt  }
0x6e: {  	_ =	shalt  }
0x6f: {  	_ =	shalt  }
0x70: {  	_ =	shalt  }
0x71: {  	_ =	shalt  }
0x72: {  	_ =	shalt  }
0x73: {  	_ =	shalt  }
0x74: {  	_ =	shalt  }
0x75: {  	_ =	shalt  }
0x76: {  	_ =	shalt  }
0x77: {  	_ =	shalt  }
0x78: {  	_ =	shalt  }
0x79: {  	_ =	shalt  }
0x7a: {  	_ =	shalt  }
0x7b: {  	_ =	shalt  }
0x7c: {  	_ =	shalt  }
0x7d: {  	_ =	shalt  }
0x7e: {  	_ =	shalt  }
0x7f: {  	_ =	shalt  }
0x80: {  	_ =	shalt  }
0x81: {  	_ =	shalt  }
0x82: {  	_ =	shalt  }
0x83: {  	_ =	shalt  }
0x84: {  	_ =	shalt  }
0x85: {  	_ =	shalt  }
0x86: {  	_ =	shalt  }
0x87: {  	_ =	shalt  }
.Lfunc_end0:
.L_simem_size_0:
called_computation.2_lowered:
.L_overlay_start_0:
0x88: {  	s2 =	sld [smem:$0x3FD9]  }
0x89: {  	s3 =	sld [smem:$0x3FFE];
	_ =	sdelay $0x1  }
0x8a: {  	s1 =	srdreg.scid  }
0x8b: {  	s0 =	sand.u32 $0x1, s1  }
0x8c: {  	s17 =	sshll.u32 s0, $0xA;
	s2 =	sadd.s32 s3, s2  }
0x8d: {  	s2 =	sadd.s32 s2, s17  }
0x8e: {  	[smem:$0x3FC6] =	sst s2  }
0x8f: {  	_ = 	snop  }
0x90: {  	(tm) =	ssettm $0x1  }
0x91: {  	s18 =	sld [smem:$0x3FFB];
	_ =	sdelay $0x3  }
0x92: {  	_ =	strace s18  }
0x93: {  	s2 =	sld [smem:$0x3FFC];
	_ =	sdelay $0x3  }
0x94: {  	_ =	strace s2  }
0x95: {  	s2 =	sld [smem:$0x3FFD];
	_ =	sdelay $0x3  }
0x96: {  	_ =	strace s2  }
0x97: {  	_ =	strace $0x8FFFFFFF  }
0x98: {  	s19 =	sld [smem:$0x3FDB];
	_ =	sdelay $0x1  }
0x99: {  	s20 =	simm.s32 $_scs_section_size  }
0x9a: {  	s4 =	simm.s32 $_size__tile_overlayer_lowered;
	s5 =	simm.s32 $_tile_overlayer_lowered  }
0x9b: {  	s6 =	simm.s32 $0x1BFF;
	s21 =	sshll.u32 s5, $0x1;
	s3 =	sadd.s32 s20, s19  }
0x9c: {  	s22 =	simm.s32 $0x0;
	s4 =	sshll.u32 s4, $0x1;
	s5 =	sadd.s32 s21, s3  }
0x9d: {  	[timem:s22], [sflag:s6] =	dma.local [hbm:s5], s4  }
0x9e: {  	_ =	swait.ge [sflag:s6], s4  }
0x9f: {  	s4 =	ssub.s32 $0x0, s4;
	[sflag:s6] =	ssyncset.done $0x0  }
0xa0: {  	[sflag:s6] =	ssyncadd.s32 s4;
	_ =	sdelay $0x1  }
0xa1: {  	s23 =	simm.s32 $0x1B8B  }
0xa2: {  	_ =	swait.ge [sflag:s23], $0x1  }
0xa3: {  	[sflag:s23] =	ssyncset.done $0x0  }
0xa4: {  	[sflag:s23] =	ssyncadd.s32 $0xFFFFFFFF  }
0xa5: {  	s4 =	sld [smem:$0x0]  }
0xa6: {  	s5 =	sand.u32 $0xFFFFFFFE, s1  }
0xa7: {  	p0 =	sne.s32 s1, s5  }
0xa8: {  	s5 =	sshll.u32 @p0 s5, $0xE  }
0xa9: {  	s5 =	sadd.s32 @p0 $0x11B8D, s5;
	s6 =	sshll.u32 @p0 s4, $0x11  }
0xaa: {  	s5 =	sor.u32 @p0 s6, s5  }
0xab: {  	[sflag:s5] =	ssyncadd.remote.s32 @p0 $0x1;
	_ =	sdelay $0x1  }
0xac: {  	s5 =	simm.s32 @p0 $0x1B8D  }
0xad: {  	_ =	swait.eq @p0 [sflag:s5], $0x1  }
0xae: {  	[sflag:s5] =	ssyncadd.s32 @p0 $0xFFFFFFFF  }
0xaf: {  	s6 =	sshll.u32 @!p0 s1, $0xE  }
0xb0: {  	s6 =	sor.u32 @!p0 $0x4000, s6;
	s5 =	simm.s32 @!p0 $0x1B8D  }
0xb1: {  	s4 =	sshll.u32 @!p0 s4, $0x11;
	s6 =	sadd.s32 @!p0 $0x11B8D, s6;
	_ =	swait.eq @!p0 [sflag:s5], $0x1  }
0xb2: {  	s4 =	sor.u32 @!p0 s4, s6;
	[sflag:s5] =	ssyncadd.s32 @!p0 $0xFFFFFFFF  }
0xb3: {  	s25 =	simm.s32 $0x1B8E;
	s24 =	sld [smem:$0x3FFE];
	[sflag:s4] =	ssyncadd.remote.s32 @!p0 $0x1  }
0xb4: {  	s26 =	simm.s32 $execute0_lowered;
	[smem:$0x3FD2] =	sst s25  }
0xb5: {  	s5 =	sshll.u32 s26, $0x1;
	_ =	strace $0x8000004C;
	[dreg:$0x1] =	wrdreg $0xFFFFFFFF  }
0xb6: {  	s28 =	simm.s32 $_size_execute0_lowered;
	s3 =	sadd.s32 s3, s5;
	[dreg:$0x0] =	wrdreg $0x0  }
0xb7: {  	s5 =	sshll.u32 s28, $0x1;
	[dreg:$0x2] =	wrdreg s3  }
0xb8: {  	[dreg:$0x3] =	wrdreg s5  }
0xb9: {  	[dreg:$0x4] =	wrdreg $0xC0  }
0xba: {  	_ =	task [dreg:s22], $0x5FFFF  }
0xbb: {  	[dreg:$0x1] =	wrdreg $0xFFFFFFFF  }
0xbc: {  	[dreg:$0x0] =	wrdreg $0x60  }
0xbd: {  	[dreg:$0x2] =	wrdreg s24  }
0xbe: {  	[dreg:$0x3] =	wrdreg $0xB  }
0xbf: {  	_ =	task.clear_ibuf [dreg:s22], $0x4FFFF;
	_ =	strace $0x9000004C  }
0xc0: {  	s29 =	simm.s32 $0xB;
	_ =	strace $0x8000004E  }
0xc1: {  	_ =	swait.ge [sflag:s29], $0x1  }
0xc2: {  	[sflag:s29] =	ssyncadd.s32 $0xFFFFFFFF  }
0xc3: {  	_ =	strace $0x9000004E  }
0xc4: {  	_ =	sfence  }
0xc5: {  	s30 =	sld [smem:$0x0];
	_ =	sdelay $0x2  }
0xc6: {  	s31 =	sshll.u32 s1, $0xD;
	s1 =	sshrl.u32 s1, $0x2  }
0xc7: {  	s4 =	sand.u32 $0x4000, s31;
	s1 =	sadd.s32 s1, s30  }
0xc8: {  	s0 =	sor.u32 s4, s0;
	s1 =	sshll.u32 s1, $0x11  }
0xc9: {  	s0 =	sor.u32 s1, s0  }
0xca: {  	s0 =	sadd.s32 $0x8F2B, s0  }
0xcb: {  	[sflag:s0] =	ssyncadd.remote.s32 $0x1  }
0xcc: {  	_ =	sfence.sel $0xFFFF  }
0xcd: {  	[dreg:$0x0] =	wrdreg $0xFFFFFFFF;
	(pc) =	sbr.abs _section_cstart, $3  }
0xce: {  	[dreg:$0x1] =	wrdreg $0xFFFFFFFF  }
0xcf: {  	_ =	task.clear_ibuf [dreg:s22], $0x2FFFF;
	_ =	strace $0x9FFFFFFF  }
0xd0: {  	(tm) =	ssettm $0x7FFFFFFF  }
0xd1: {  	_ =	shalt  }
tec
execute0_lowered:
.L_overlay_start_1:
0x0: {  	(tag) =	ssettag $0x1  }
0x1: {  	s1 =	srdreg.scid  }
0x2: {  	s0 =	stileid.u32;
	s4 =	rddreg [dreg:$0x0]  }
0x3: {  	s2 =	simm.s32 $0x0;
	s11 =	simm.s32 $0x3;
	s12 =	simm.s32 $0x32  }
0x4: {  	s13 =	simm.s32 $0x1C00;
	s14 =	simm.s32 $0x1;
	s15 =	simm.s32 $0x38  }
0x5: {  	s16 =	simm.s32 $0x2880;
	s17 =	simm.s32 $0x40;
	s18 =	simm.s32 $0x80000  }
0x6: {  	s19 =	simm.s32 $0x2240;
	s20 =	simm.s32 $0x2;
	s21 =	simm.s32 $0x2EC0  }
0x7: {  	s22 =	simm.s32 $0x0;
	s6 =	sand.u32 $0x1, s1;
	s1 =	rddreg [dreg:$0x1]  }
0x8: {  	s3 =	sshll.u32 s0, $0x8;
	[smem:$0x7FF] =	sst s2;
	s10 =	sadd.s32 $0xAE8800, s4  }
0x9: {  	s29 =	sshll.u32 s0, $0xC;
	s5 =	sshll.u32 s6, $0x7;
	s8 =	ssub.s32 $0x2, s6  }
0xa: {  	_ =	strace $0x8000004D;
	s30 =	sadd.s32 s29, s10;
	s31 =	sshll.u32 s6, $0xB  }
0xb: {  	s5 =	sor.u32 s5, s3;
	s3 =	sadd.s32 $0x18800, s4;
	s9 =	sshrl.u32 s8, $0x1  }
0xc: {  	s7 =	smul.u32 $0x7, s5;
	s9 =	ssub.s32 s8, s9;
	s5 =	sshll.u32 s5, $0x4  }
0xd: {  	s5 =	sadd.s32 s10, s5;
	s10 =	sadd.s32 s31, s30;
	s9 =	smax.u32 s9, $0x1  }
0xe: {  	s7 =	sadd.s32 s7, s4;
	s6 =	sadd.s32 $0x8, s5;
	s8 =	sadd.s32 $0x7F8, s5  }
0xf: {  	s10 =	sadd.s32 $0x18, s10;
	s4 =	sadd.s32 $0x8800, s7;
	s7 =	sadd.s32 $0x7F0, s5  }
.LBB2_1:
0x10: {  	[tilespmem:s2], [sflag:$0x3] =	stream.linear.gather [hbm4b:s4+s2], $0x1C00, $0x38;
	[tilespmem:$0x3500] =	vst v63  }
0x11: {  	_ =	swait.ge [sflag:s11], $0x1C00  }
0x12: {  	[sflag:s11] =	ssyncset.done $0x0  }
0x13: {  	[sflag:s11] =	ssyncadd.s32 $0xFFFFE400  }
0x14: {  	[tilespmem:s13], [sflag:$0x1] =	stream.indirect.gather [hbm4b:s3+s12], $0x40, s2, s12, $0xb8;
	[tilespmem:$0x3500] =	vst v63  }
0x15: {  	_ =	swait.ge [sflag:s14], $0xC80  }
0x16: {  	[sflag:s14] =	ssyncset.done $0x0  }
0x17: {  	[sflag:s14] =	ssyncadd.s32 $0xFFFFF380  }
0x18: {  	[tilespmem:s16], [sflag:$0x1] =	stream.indirect.gather [hbm4b:s3+s12], $0x40, s15, s12, $0xb8;
	[tilespmem:$0x3500] =	vst v63  }
0x19: {  	_ = 	snop  }
0x1a: {  	[hbm4b:s5+s17] =	stream.strided.scatter [tilespmem:s13], [sflag:$0x2], $0x640, s18, s17, $0x38;
	[tilespmem:$0x3500] =	vst v63  }
0x1b: {  	_ = 	snop  }
0x1c: {  	[hbm4b:s6+s17] =	stream.strided.scatter [tilespmem:s19], [sflag:$0x2], $0x640, s18, s17, $0x38;
	[tilespmem:$0x3500] =	vst v63  }
0x1d: {  	_ =	swait.ge [sflag:s20], $0x640  }
0x1e: {  	[sflag:s20] =	ssyncset.done $0x0  }
0x1f: {  	[sflag:s20] =	ssyncadd.s32 $0xFFFFF9C0  }
0x20: {  	s23 =	sand.u32 $0x1, s20;
	_ =	swait.ge [sflag:s20], $0x640  }
0x21: {  	p0 =	seq.s32 s23, $0x1;
	s23 =	simm.s32 $0x2880;
	[sflag:s20] =	ssyncset.done $0x0  }
0x22: {  	s24 =	simm.s32 $0x70;
	s23 =	simm.s32 @!p0 $0x1C00;
	[sflag:s20] =	ssyncadd.s32 $0xFFFFF9C0  }
0x23: {  	[tilespmem:s23], [sflag:$0x1] =	stream.indirect.gather [hbm4b:s3+s12], $0x40, s24, s12, $0xb8;
	[tilespmem:$0x3500] =	vst v63  }
0x24: {  	s31 =	sadd.s32 $0xFFFFFFF8, s10;
	s24 =	simm.s32 $0x0;
	_ =	swait.ge [sflag:s14], $0xC80  }
0x25: {  	s26 =	smov.u32 s10;
	s24 =	simm.s32 @!p0 $0xC80;
	[sflag:s14] =	ssyncset.done $0x0  }
0x26: {  	s23 =	simm.s32 $0x3;
	s25 =	sadd.s32 $0x1C00, s24;
	[sflag:s14] =	ssyncadd.s32 $0xFFFFF380  }
0x27: {  	[hbm4b:s31+s17] =	stream.strided.scatter [tilespmem:s25], [sflag:$0x2], $0x640, s18, s17, $0x38;
	[tilespmem:$0x3500] =	vst v63  }
0x28: {  	s28 =	sor.u32 $0x2240, s24;
	s24 =	simm.s32 $0xA8;
	s25 =	sadd.s32 $0x10, s10  }
.LBB2_2:
0x29: {  	[hbm4b:s26+s17] =	stream.strided.scatter [tilespmem:s28], [sflag:$0x2], $0x640, s18, s17, $0x38;
	[tilespmem:$0x3500] =	vst v63  }
0x2a: {  	s28 =	smov.u32 s23;
	s26 =	smov.u32 s25  }
0x2b: {  	p0 =	sne.s32 s23, $0x7F;
	s23 =	sadd.s32 $0x1, s23;
	_ =	swait.ge [sflag:s20], $0x640  }
0x2c: {  	[sflag:s20] =	ssyncset.done $0x0  }
0x2d: {  	[sflag:s20] =	ssyncadd.s32 $0xFFFFF9C0  }
0x2e: {  	s28 =	sand.u32 $0x1, s28;
	_ =	swait.ge [sflag:s20], $0x640  }
0x2f: {  	p1 =	seq.s32 s28, $0x1;
	s28 =	simm.s32 $0x2880;
	[sflag:s20] =	ssyncset.done $0x0  }
0x30: {  	s28 =	simm.s32 @!p1 $0x1C00;
	[sflag:s20] =	ssyncadd.s32 $0xFFFFF9C0  }
0x31: {  	[tilespmem:s28], [sflag:$0x1] =	stream.indirect.gather [hbm4b:s3+s12], $0x40, s24, s12, $0xb8;
	[tilespmem:$0x3500] =	vst v63  }
.Ltmp0:
0x32: {  	s28 =	simm.s32 $0x0;
	_ =	swait.ge [sflag:s14], $0xC80;
	(pc) =	sbr.rel @p0 .LBB2_2-.Ltmp0, $4  }
0x33: {  	s28 =	simm.s32 @!p1 $0xC80;
	[sflag:s14] =	ssyncset.done $0x0  }
0x34: {  	s29 =	sadd.s32 $0xFFFFFFF8, s25;
	s30 =	sadd.s32 $0x1C00, s28;
	[sflag:s14] =	ssyncadd.s32 $0xFFFFF380  }
0x35: {  	[hbm4b:s29+s17] =	stream.strided.scatter [tilespmem:s30], [sflag:$0x2], $0x640, s18, s17, $0x38;
	[tilespmem:$0x3500] =	vst v63  }
0x36: {  	s25 =	sadd.s32 $0x10, s25;
	s24 =	sadd.s32 $0x38, s24;
	s28 =	sor.u32 $0x2240, s28  }
0x37: {  	[hbm4b:s26+s17] =	stream.strided.scatter [tilespmem:s28], [sflag:$0x2], $0x640, s18, s17, $0x38;
	[tilespmem:$0x3500] =	vst v63  }
0x38: {  	_ =	swait.ge [sflag:s20], $0x640  }
0x39: {  	[sflag:s20] =	ssyncset.done $0x0  }
0x3a: {  	[sflag:s20] =	ssyncadd.s32 $0xFFFFF9C0  }
0x3b: {  	_ =	swait.ge [sflag:s20], $0x640  }
0x3c: {  	[sflag:s20] =	ssyncset.done $0x0  }
0x3d: {  	[sflag:s20] =	ssyncadd.s32 $0xFFFFF9C0  }
0x3e: {  	_ =	swait.ge [sflag:s14], $0xC80  }
0x3f: {  	[sflag:s14] =	ssyncset.done $0x0  }
0x40: {  	[sflag:s14] =	ssyncadd.s32 $0xFFFFF380  }
0x41: {  	[hbm4b:s7+s17] =	stream.strided.scatter [tilespmem:s16], [sflag:$0x2], $0x640, s18, s17, $0x38;
	[tilespmem:$0x3500] =	vst v63  }
0x42: {  	s22 =	sadd.s32 $0x1, s22  }
0x43: {  	[hbm4b:s8+s17] =	stream.strided.scatter [tilespmem:s21], [sflag:$0x2], $0x640, s18, s17, $0x38;
	[tilespmem:$0x3500] =	vst v63  }
0x44: {  	p0 =	sne.s32 s22, s9;
	_ =	swait.ge [sflag:s20], $0x640  }
.Ltmp1:
0x45: {  	[sflag:s20] =	ssyncset.done $0x0;
	(pc) =	sbr.rel @p0 .LBB2_1-.Ltmp1, $4  }
0x46: {  	[sflag:s20] =	ssyncadd.s32 $0xFFFFF9C0  }
0x47: {  	_ =	swait.ge [sflag:s20], $0x640  }
0x48: {  	[sflag:s20] =	ssyncset.done $0x0  }
0x49: {  	[sflag:s20] =	ssyncadd.s32 $0xFFFFF9C0  }
0x4a: {  	_ =	sfence.sel $0x180000  }
0x4b: {  	[bflag:$0x0] =	sbarrier.arrive $0xFFFF  }
0x4c: {  	p0 =	sne.s32 s0, $0x0;
	_ =	strace $0x9000004D  }
0x4d: {  	s0 =	sadd.s32 @!p0 $0x100000, s1;
	[bflag:$0x2] =	sbarrier.arrive $0xFFFF  }
0x4e: {  	[sflag:s0] =	ssyncadd.tile.s32 @!p0 $0x1;
	_ =	shalt  }
.Lfunc_end2:
_tile_overlayer_lowered:
.L_overlay_start_2:
0x4f: {  	(tag) =	ssettag $0x2  }
0x50: {  	s0 =	rddreg [dreg:$0x0];
	s2 =	stileid.u32  }
0x51: {  	s1 =	rddreg [dreg:$0x1];
	p0 =	sne.s32 s2, $0x0  }
0x52: {  	s3 =	rddreg [dreg:$0x2];
	[bflag:$0x3] =	sbarrier.arrive $0xFFFF;
	s2 =	simm.s32 @!p0 $0x1C03  }
0x53: {  	[timem:s3], [sflag:s2] =	dma.local @!p0 [hbm:s0], s1  }
0x54: {  	s0 =	simm.s32 @!p0 $0x3  }
0x55: {  	_ =	swait.ge @!p0 [sflag:s0], s1  }
0x56: {  	s1 =	ssub.s32 @!p0 $0x0, s1;
	[sflag:s0] =	ssyncset.done @!p0 $0x0  }
0x57: {  	[sflag:s0] =	ssyncadd.s32 @!p0 s1  }
0x58: {  	[bflag:$0x3] =	sbarrier.arrive $0xFFFF  }
0x59: {  	_ =	shalt  }

// kernel: kernel.20.cloned.1.call-start
scs
__scs_entry_jumppad:
0x0: {  	(pc) =	sbr.rel $0x88, $3  }
0x1: {  	(tag) =	ssettag $0x0;
	lr =	simm.s32 $0x1  }
0x2: {  	[smem:$0x3F9F] =	sst lr;
	_ =	strace $0xD0000000  }
0x3: {  	_ = 	snop  }
0x4: {  	_ = 	snop  }
0x5: {  	_ = 	snop  }
0x6: {  	_ = 	snop  }
0x7: {  	_ = 	snop  }
__scs_overlays_trampoline_lowered:
0x8: {  	[smem:$0x3FAE] =	sst s0  }
0x9: {  	[smem:$0x3FAF] =	sst s1  }
0xa: {  	[smem:$0x3FB0] =	sst s2  }
0xb: {  	[smem:$0x3FB1] =	sst s3  }
0xc: {  	[smem:$0x3FB2] =	sst s4  }
0xd: {  	[smem:$0x3FB3] =	sst s5  }
0xe: {  	[smem:$0x3FB4] =	sst s6  }
0xf: {  	[smem:$0x3FB5] =	sst s7  }
0x10: {  	[smem:$0x3FB6] =	sst s8  }
0x11: {  	[smem:$0x3FB7] =	sst s9;
	s0 =	simm.s32 @!p0 $0x0  }
0x12: {  	s1 =	sld [smem:$0x3F9D];
	s0 =	simm.s32 @p0 $0x1  }
0x13: {  	[smem:$0x3FB8] =	sst s0;
	s0 =	simm.s32 @!p1 $0x0  }
0x14: {  	s2 =	sld [smem:$0x3F9C];
	s0 =	simm.s32 @p1 $0x1  }
0x15: {  	[smem:$0x3FB9] =	sst s0;
	s0 =	simm.s32 @!p2 $0x0  }
0x16: {  	s3 =	sld [smem:$0x3FDB];
	s0 =	simm.s32 @p2 $0x1  }
0x17: {  	s4 =	simm.s32 $0x1BF5;
	[smem:$0x3FBB] =	sst s0  }
0x18: {  	s0 =	sld [smem:$0x3F9E];
	_ =	swait.ge [sflag:s4], $0x0  }
0x19: {  	s7 =	sld [smem:$0x3F9F]  }
0x1a: {  	s8 =	sadd.s32 $0xFFFFE003, lr  }
0x1b: {  	s9 =	sadd.s32 $0xFFFFFEF7, lr;
	s5 =	simm.s32 $0xFFFFFFFF;
	p2 =	slt.u32 s8, $0xFFFFF086  }
0x1c: {  	p1 =	slt.u32 s9, $0xF7A;
	s5 =	simm.s32 @!p2 $0x0  }
0x1d: {  	s5 =	simm.s32 @p1 $0x1;
	p0 =	seq.s32 s7, s2  }
0x1e: {  	s7 =	smul.u32 @!p0 $0xF7A, s2;
	p2 =	seq.s32 @!p0 s5, $0x0  }
0x1f: {  	s9 =	smul.u32 $0xF7A, s1;
	s8 =	simm.s32 @!p0 $0x1BF5;
	p2 =	por !p2, p0  }
0x20: {  	[sflag:s8] =	ssyncset.s32 @!p0 $0xFFFFF086;
	s6 =	sadd.s32 @!p0 s3, s7;
	s7 =	simm.s32 @!p0 $0x108  }
0x21: {  	s3 =	sadd.s32 s3, s9;
	s6 =	sadd.s32 @!p0 $0x88, s6;
	s7 =	simm.s32 @p2 $0x1082  }
0x22: {  	[simem:s7], [sflag:s8] =	dma.local @!p0 [hbm:s6], $0xF7A  }
0x23: {  	s9 =	sor.u32 $0xD0000000, s2;
	s6 =	simm.s32 $0x108;
	_ =	swait.ge @!p0 [sflag:s8], $0x0  }
0x24: {  	s3 =	sadd.s32 $0x88, s3;
	s6 =	simm.s32 @!p1 $0x1082;
	[sflag:s4] =	ssyncset.s32 $0xFFFFF086  }
0x25: {  	[simem:s6], [sflag:s4] =	dma.local [hbm:s3], $0xF7A  }
0x26: {  	[smem:$0x3F9F] =	sst s1;
	(tag) =	ssettag s2;
	_ =	strace s9  }
0x27: {  	s1 =	sld [smem:$0x3FAF]  }
0x28: {  	s2 =	sld [smem:$0x3FB0]  }
0x29: {  	s4 =	sld [smem:$0x3FB2]  }
0x2a: {  	p0 =	seq.s32 s5, $0x0;
	s5 =	sld [smem:$0x3FB3]  }
0x2b: {  	s6 =	sld [smem:$0x3FB4]  }
0x2c: {  	s7 =	sld [smem:$0x3FB5]  }
0x2d: {  	s3 =	simm.s32 $0x108;
	s8 =	sld [smem:$0x3FB6]  }
0x2e: {  	s3 =	simm.s32 @!p0 $0x1082;
	s9 =	sld [smem:$0x3FB7]  }
0x2f: {  	lr =	sadd.s32 s0, s3;
	s0 =	sld [smem:$0x3FAE]  }
0x30: {  	s3 =	sld [smem:$0x3FB1]  }
0x31: {  	[smem:$0x3FBA] =	sst s10  }
0x32: {  	s10 =	sld [smem:$0x3FB8];
	_ =	sdelay $0x3  }
0x33: {  	p0 =	seq.s32 s10, $0x1;
	s10 =	sld [smem:$0x3FBA];
	_ =	sdelay $0x3  }
0x34: {  	[smem:$0x3FBA] =	sst s10  }
0x35: {  	s10 =	sld [smem:$0x3FB9];
	_ =	sdelay $0x3  }
0x36: {  	p1 =	seq.s32 s10, $0x1;
	s10 =	sld [smem:$0x3FBA];
	_ =	sdelay $0x3  }
0x37: {  	[smem:$0x3FBA] =	sst s10  }
0x38: {  	s10 =	sld [smem:$0x3FBB]  }
0x39: {  	_ = 	snop;
	(pc) =	sbr.ind lr, $3  }
0x3a: {  	_ = 	snop  }
0x3b: {  	_ = 	snop  }
0x3c: {  	p2 =	seq.s32 s10, $0x1;
	s10 =	sld [smem:$0x3FBA]  }
0x3d: {  	_ =	shalt  }
0x3e: {  	_ =	shalt  }
0x3f: {  	_ =	shalt  }
0x40: {  	_ =	shalt  }
0x41: {  	_ =	shalt  }
0x42: {  	_ =	shalt  }
0x43: {  	_ =	shalt  }
0x44: {  	_ =	shalt  }
0x45: {  	_ =	shalt  }
0x46: {  	_ =	shalt  }
0x47: {  	_ =	shalt  }
0x48: {  	_ =	shalt  }
0x49: {  	_ =	shalt  }
0x4a: {  	_ =	shalt  }
0x4b: {  	_ =	shalt  }
0x4c: {  	_ =	shalt  }
0x4d: {  	_ =	shalt  }
0x4e: {  	_ =	shalt  }
0x4f: {  	_ =	shalt  }
0x50: {  	_ =	shalt  }
0x51: {  	_ =	shalt  }
0x52: {  	_ =	shalt  }
0x53: {  	_ =	shalt  }
0x54: {  	_ =	shalt  }
0x55: {  	_ =	shalt  }
0x56: {  	_ =	shalt  }
0x57: {  	_ =	shalt  }
0x58: {  	_ =	shalt  }
0x59: {  	_ =	shalt  }
0x5a: {  	_ =	shalt  }
0x5b: {  	_ =	shalt  }
0x5c: {  	_ =	shalt  }
0x5d: {  	_ =	shalt  }
0x5e: {  	_ =	shalt  }
0x5f: {  	_ =	shalt  }
0x60: {  	_ =	shalt  }
0x61: {  	_ =	shalt  }
0x62: {  	_ =	shalt  }
0x63: {  	_ =	shalt  }
0x64: {  	_ =	shalt  }
0x65: {  	_ =	shalt  }
0x66: {  	_ =	shalt  }
0x67: {  	_ =	shalt  }
0x68: {  	_ =	shalt  }
0x69: {  	_ =	shalt  }
0x6a: {  	_ =	shalt  }
0x6b: {  	_ =	shalt  }
0x6c: {  	_ =	shalt  }
0x6d: {  	_ =	shalt  }
0x6e: {  	_ =	shalt  }
0x6f: {  	_ =	shalt  }
0x70: {  	_ =	shalt  }
0x71: {  	_ =	shalt  }
0x72: {  	_ =	shalt  }
0x73: {  	_ =	shalt  }
0x74: {  	_ =	shalt  }
0x75: {  	_ =	shalt  }
0x76: {  	_ =	shalt  }
0x77: {  	_ =	shalt  }
0x78: {  	_ =	shalt  }
0x79: {  	_ =	shalt  }
0x7a: {  	_ =	shalt  }
0x7b: {  	_ =	shalt  }
0x7c: {  	_ =	shalt  }
0x7d: {  	_ =	shalt  }
0x7e: {  	_ =	shalt  }
0x7f: {  	_ =	shalt  }
0x80: {  	_ =	shalt  }
0x81: {  	_ =	shalt  }
0x82: {  	_ =	shalt  }
0x83: {  	_ =	shalt  }
0x84: {  	_ =	shalt  }
0x85: {  	_ =	shalt  }
0x86: {  	_ =	shalt  }
0x87: {  	_ =	shalt  }
.Lfunc_end0:
.L_simem_size_0:
called_computation.3_lowered:
.L_overlay_start_0:
0x88: {  	s2 =	sld [smem:$0x3FD9]  }
0x89: {  	s3 =	sld [smem:$0x3FFE];
	_ =	sdelay $0x1  }
0x8a: {  	s1 =	srdreg.scid  }
0x8b: {  	s0 =	sand.u32 $0x1, s1  }
0x8c: {  	s17 =	sshll.u32 s0, $0xA;
	s2 =	sadd.s32 s3, s2  }
0x8d: {  	s2 =	sadd.s32 s2, s17  }
0x8e: {  	[smem:$0x3FC6] =	sst s2  }
0x8f: {  	_ = 	snop  }
0x90: {  	(tm) =	ssettm $0x1  }
0x91: {  	s18 =	sld [smem:$0x3FFB];
	_ =	sdelay $0x3  }
0x92: {  	_ =	strace s18  }
0x93: {  	s2 =	sld [smem:$0x3FFC];
	_ =	sdelay $0x3  }
0x94: {  	_ =	strace s2  }
0x95: {  	s2 =	sld [smem:$0x3FFD];
	_ =	sdelay $0x3  }
0x96: {  	_ =	strace s2  }
0x97: {  	_ =	strace $0x8FFFFFFF  }
0x98: {  	s19 =	sld [smem:$0x3FDB];
	_ =	sdelay $0x1  }
0x99: {  	s20 =	simm.s32 $_scs_section_size  }
0x9a: {  	s4 =	simm.s32 $_size__tile_overlayer_lowered;
	s5 =	simm.s32 $_tile_overlayer_lowered  }
0x9b: {  	s6 =	simm.s32 $0x1BFF;
	s21 =	sshll.u32 s5, $0x1;
	s3 =	sadd.s32 s20, s19  }
0x9c: {  	s22 =	simm.s32 $0x0;
	s4 =	sshll.u32 s4, $0x1;
	s5 =	sadd.s32 s21, s3  }
0x9d: {  	[timem:s22], [sflag:s6] =	dma.local [hbm:s5], s4  }
0x9e: {  	_ =	swait.ge [sflag:s6], s4  }
0x9f: {  	s4 =	ssub.s32 $0x0, s4;
	[sflag:s6] =	ssyncset.done $0x0  }
0xa0: {  	[sflag:s6] =	ssyncadd.s32 s4;
	_ =	sdelay $0x1  }
0xa1: {  	s23 =	simm.s32 $0x1B8B  }
0xa2: {  	_ =	swait.ge [sflag:s23], $0x1  }
0xa3: {  	[sflag:s23] =	ssyncset.done $0x0  }
0xa4: {  	[sflag:s23] =	ssyncadd.s32 $0xFFFFFFFF  }
0xa5: {  	s4 =	sld [smem:$0x0]  }
0xa6: {  	s5 =	sand.u32 $0xFFFFFFFE, s1  }
0xa7: {  	p0 =	sne.s32 s1, s5  }
0xa8: {  	s5 =	sshll.u32 @p0 s5, $0xE  }
0xa9: {  	s5 =	sadd.s32 @p0 $0x11B8D, s5;
	s6 =	sshll.u32 @p0 s4, $0x11  }
0xaa: {  	s5 =	sor.u32 @p0 s6, s5  }
0xab: {  	[sflag:s5] =	ssyncadd.remote.s32 @p0 $0x1;
	_ =	sdelay $0x1  }
0xac: {  	s5 =	simm.s32 @p0 $0x1B8D  }
0xad: {  	_ =	swait.eq @p0 [sflag:s5], $0x1  }
0xae: {  	[sflag:s5] =	ssyncadd.s32 @p0 $0xFFFFFFFF  }
0xaf: {  	s6 =	sshll.u32 @!p0 s1, $0xE  }
0xb0: {  	s6 =	sor.u32 @!p0 $0x4000, s6;
	s5 =	simm.s32 @!p0 $0x1B8D  }
0xb1: {  	s4 =	sshll.u32 @!p0 s4, $0x11;
	s6 =	sadd.s32 @!p0 $0x11B8D, s6;
	_ =	swait.eq @!p0 [sflag:s5], $0x1  }
0xb2: {  	s4 =	sor.u32 @!p0 s4, s6;
	[sflag:s5] =	ssyncadd.s32 @!p0 $0xFFFFFFFF  }
0xb3: {  	s25 =	simm.s32 $0x1B8E;
	s24 =	sld [smem:$0x3FFE];
	[sflag:s4] =	ssyncadd.remote.s32 @!p0 $0x1  }
0xb4: {  	s26 =	simm.s32 $execute0_lowered;
	[smem:$0x3FD2] =	sst s25  }
0xb5: {  	s5 =	sshll.u32 s26, $0x1;
	_ =	strace $0x8000004F;
	[dreg:$0x1] =	wrdreg $0xFFFFFFFF  }
0xb6: {  	s28 =	simm.s32 $_size_execute0_lowered;
	s3 =	sadd.s32 s3, s5;
	[dreg:$0x0] =	wrdreg $0x0  }
0xb7: {  	s5 =	sshll.u32 s28, $0x1;
	[dreg:$0x2] =	wrdreg s3  }
0xb8: {  	[dreg:$0x3] =	wrdreg s5  }
0xb9: {  	[dreg:$0x4] =	wrdreg $0xC0  }
0xba: {  	_ =	task [dreg:s22], $0x5FFFF  }
0xbb: {  	[dreg:$0x1] =	wrdreg $0xFFFFFFFF  }
0xbc: {  	[dreg:$0x0] =	wrdreg $0x60  }
0xbd: {  	[dreg:$0x2] =	wrdreg s24  }
0xbe: {  	[dreg:$0x3] =	wrdreg $0xC  }
0xbf: {  	_ =	task.clear_ibuf [dreg:s22], $0x4FFFF;
	_ =	strace $0x9000004F  }
0xc0: {  	s29 =	simm.s32 $0xC;
	_ =	strace $0x80000051  }
0xc1: {  	_ =	swait.ge [sflag:s29], $0x1  }
0xc2: {  	[sflag:s29] =	ssyncadd.s32 $0xFFFFFFFF  }
0xc3: {  	_ =	strace $0x90000051  }
0xc4: {  	_ =	sfence  }
0xc5: {  	s30 =	sld [smem:$0x0];
	_ =	sdelay $0x2  }
0xc6: {  	s31 =	sshll.u32 s1, $0xD;
	s1 =	sshrl.u32 s1, $0x2  }
0xc7: {  	s4 =	sand.u32 $0x4000, s31;
	s1 =	sadd.s32 s1, s30  }
0xc8: {  	s0 =	sor.u32 s4, s0;
	s1 =	sshll.u32 s1, $0x11  }
0xc9: {  	s0 =	sor.u32 s1, s0  }
0xca: {  	s0 =	sadd.s32 $0x8F2B, s0  }
0xcb: {  	[sflag:s0] =	ssyncadd.remote.s32 $0x1  }
0xcc: {  	_ =	sfence.sel $0xFFFF  }
0xcd: {  	[dreg:$0x0] =	wrdreg $0xFFFFFFFF;
	(pc) =	sbr.abs _section_cstart, $3  }
0xce: {  	[dreg:$0x1] =	wrdreg $0xFFFFFFFF  }
0xcf: {  	_ =	task.clear_ibuf [dreg:s22], $0x2FFFF;
	_ =	strace $0x9FFFFFFF  }
0xd0: {  	(tm) =	ssettm $0x7FFFFFFF  }
0xd1: {  	_ =	shalt  }
tec
execute0_lowered:
.L_overlay_start_1:
0x0: {  	(tag) =	ssettag $0x1  }
0x1: {  	s1 =	srdreg.scid  }
0x2: {  	s0 =	stileid.u32;
	s4 =	rddreg [dreg:$0x0]  }
0x3: {  	s2 =	simm.s32 $0x0;
	s11 =	simm.s32 $0x3;
	s12 =	simm.s32 $0x32  }
0x4: {  	s13 =	simm.s32 $0x1C00;
	s14 =	simm.s32 $0x1;
	s15 =	simm.s32 $0x38  }
0x5: {  	s16 =	simm.s32 $0x2880;
	s17 =	simm.s32 $0x40;
	s18 =	simm.s32 $0x80000  }
0x6: {  	s19 =	simm.s32 $0x2240;
	s20 =	simm.s32 $0x2;
	s21 =	simm.s32 $0x2EC0  }
0x7: {  	s22 =	simm.s32 $0x0;
	s6 =	sand.u32 $0x1, s1;
	s1 =	rddreg [dreg:$0x1]  }
0x8: {  	s3 =	sshll.u32 s0, $0x8;
	[smem:$0x7FF] =	sst s2;
	s10 =	sadd.s32 $0xC7F800, s4  }
0x9: {  	s29 =	sshll.u32 s0, $0xC;
	s5 =	sshll.u32 s6, $0x7;
	s8 =	ssub.s32 $0x2, s6  }
0xa: {  	_ =	strace $0x80000050;
	s30 =	sadd.s32 s29, s10;
	s31 =	sshll.u32 s6, $0xB  }
0xb: {  	s5 =	sor.u32 s5, s3;
	s3 =	sadd.s32 $0x18800, s4;
	s9 =	sshrl.u32 s8, $0x1  }
0xc: {  	s7 =	smul.u32 $0x7, s5;
	s9 =	ssub.s32 s8, s9;
	s5 =	sshll.u32 s5, $0x4  }
0xd: {  	s5 =	sadd.s32 s10, s5;
	s10 =	sadd.s32 s31, s30;
	s9 =	smax.u32 s9, $0x1  }
0xe: {  	s7 =	sadd.s32 s7, s4;
	s6 =	sadd.s32 $0x8, s5;
	s8 =	sadd.s32 $0x7F8, s5  }
0xf: {  	s10 =	sadd.s32 $0x18, s10;
	s4 =	sadd.s32 $0xC78800, s7;
	s7 =	sadd.s32 $0x7F0, s5  }
.LBB2_1:
0x10: {  	[tilespmem:s2], [sflag:$0x3] =	stream.linear.gather [hbm4b:s4+s2], $0x1C00, $0x38;
	[tilespmem:$0x3500] =	vst v63  }
0x11: {  	_ =	swait.ge [sflag:s11], $0x1C00  }
0x12: {  	[sflag:s11] =	ssyncset.done $0x0  }
0x13: {  	[sflag:s11] =	ssyncadd.s32 $0xFFFFE400  }
0x14: {  	[tilespmem:s13], [sflag:$0x1] =	stream.indirect.gather [hbm4b:s3+s12], $0x40, s2, s12, $0xb8;
	[tilespmem:$0x3500] =	vst v63  }
0x15: {  	_ =	swait.ge [sflag:s14], $0xC80  }
0x16: {  	[sflag:s14] =	ssyncset.done $0x0  }
0x17: {  	[sflag:s14] =	ssyncadd.s32 $0xFFFFF380  }
0x18: {  	[tilespmem:s16], [sflag:$0x1] =	stream.indirect.gather [hbm4b:s3+s12], $0x40, s15, s12, $0xb8;
	[tilespmem:$0x3500] =	vst v63  }
0x19: {  	_ = 	snop  }
0x1a: {  	[hbm4b:s5+s17] =	stream.strided.scatter [tilespmem:s13], [sflag:$0x2], $0x640, s18, s17, $0x38;
	[tilespmem:$0x3500] =	vst v63  }
0x1b: {  	_ = 	snop  }
0x1c: {  	[hbm4b:s6+s17] =	stream.strided.scatter [tilespmem:s19], [sflag:$0x2], $0x640, s18, s17, $0x38;
	[tilespmem:$0x3500] =	vst v63  }
0x1d: {  	_ =	swait.ge [sflag:s20], $0x640  }
0x1e: {  	[sflag:s20] =	ssyncset.done $0x0  }
0x1f: {  	[sflag:s20] =	ssyncadd.s32 $0xFFFFF9C0  }
0x20: {  	s23 =	sand.u32 $0x1, s20;
	_ =	swait.ge [sflag:s20], $0x640  }
0x21: {  	p0 =	seq.s32 s23, $0x1;
	s23 =	simm.s32 $0x2880;
	[sflag:s20] =	ssyncset.done $0x0  }
0x22: {  	s24 =	simm.s32 $0x70;
	s23 =	simm.s32 @!p0 $0x1C00;
	[sflag:s20] =	ssyncadd.s32 $0xFFFFF9C0  }
0x23: {  	[tilespmem:s23], [sflag:$0x1] =	stream.indirect.gather [hbm4b:s3+s12], $0x40, s24, s12, $0xb8;
	[tilespmem:$0x3500] =	vst v63  }
0x24: {  	s31 =	sadd.s32 $0xFFFFFFF8, s10;
	s24 =	simm.s32 $0x0;
	_ =	swait.ge [sflag:s14], $0xC80  }
0x25: {  	s26 =	smov.u32 s10;
	s24 =	simm.s32 @!p0 $0xC80;
	[sflag:s14] =	ssyncset.done $0x0  }
0x26: {  	s23 =	simm.s32 $0x3;
	s25 =	sadd.s32 $0x1C00, s24;
	[sflag:s14] =	ssyncadd.s32 $0xFFFFF380  }
0x27: {  	[hbm4b:s31+s17] =	stream.strided.scatter [tilespmem:s25], [sflag:$0x2], $0x640, s18, s17, $0x38;
	[tilespmem:$0x3500] =	vst v63  }
0x28: {  	s28 =	sor.u32 $0x2240, s24;
	s24 =	simm.s32 $0xA8;
	s25 =	sadd.s32 $0x10, s10  }
.LBB2_2:
0x29: {  	[hbm4b:s26+s17] =	stream.strided.scatter [tilespmem:s28], [sflag:$0x2], $0x640, s18, s17, $0x38;
	[tilespmem:$0x3500] =	vst v63  }
0x2a: {  	s28 =	smov.u32 s23;
	s26 =	smov.u32 s25  }
0x2b: {  	p0 =	sne.s32 s23, $0x7F;
	s23 =	sadd.s32 $0x1, s23;
	_ =	swait.ge [sflag:s20], $0x640  }
0x2c: {  	[sflag:s20] =	ssyncset.done $0x0  }
0x2d: {  	[sflag:s20] =	ssyncadd.s32 $0xFFFFF9C0  }
0x2e: {  	s28 =	sand.u32 $0x1, s28;
	_ =	swait.ge [sflag:s20], $0x640  }
0x2f: {  	p1 =	seq.s32 s28, $0x1;
	s28 =	simm.s32 $0x2880;
	[sflag:s20] =	ssyncset.done $0x0  }
0x30: {  	s28 =	simm.s32 @!p1 $0x1C00;
	[sflag:s20] =	ssyncadd.s32 $0xFFFFF9C0  }
0x31: {  	[tilespmem:s28], [sflag:$0x1] =	stream.indirect.gather [hbm4b:s3+s12], $0x40, s24, s12, $0xb8;
	[tilespmem:$0x3500] =	vst v63  }
.Ltmp0:
0x32: {  	s28 =	simm.s32 $0x0;
	_ =	swait.ge [sflag:s14], $0xC80;
	(pc) =	sbr.rel @p0 .LBB2_2-.Ltmp0, $4  }
0x33: {  	s28 =	simm.s32 @!p1 $0xC80;
	[sflag:s14] =	ssyncset.done $0x0  }
0x34: {  	s29 =	sadd.s32 $0xFFFFFFF8, s25;
	s30 =	sadd.s32 $0x1C00, s28;
	[sflag:s14] =	ssyncadd.s32 $0xFFFFF380  }
0x35: {  	[hbm4b:s29+s17] =	stream.strided.scatter [tilespmem:s30], [sflag:$0x2], $0x640, s18, s17, $0x38;
	[tilespmem:$0x3500] =	vst v63  }
0x36: {  	s25 =	sadd.s32 $0x10, s25;
	s24 =	sadd.s32 $0x38, s24;
	s28 =	sor.u32 $0x2240, s28  }
0x37: {  	[hbm4b:s26+s17] =	stream.strided.scatter [tilespmem:s28], [sflag:$0x2], $0x640, s18, s17, $0x38;
	[tilespmem:$0x3500] =	vst v63  }
0x38: {  	_ =	swait.ge [sflag:s20], $0x640  }
0x39: {  	[sflag:s20] =	ssyncset.done $0x0  }
0x3a: {  	[sflag:s20] =	ssyncadd.s32 $0xFFFFF9C0  }
0x3b: {  	_ =	swait.ge [sflag:s20], $0x640  }
0x3c: {  	[sflag:s20] =	ssyncset.done $0x0  }
0x3d: {  	[sflag:s20] =	ssyncadd.s32 $0xFFFFF9C0  }
0x3e: {  	_ =	swait.ge [sflag:s14], $0xC80  }
0x3f: {  	[sflag:s14] =	ssyncset.done $0x0  }
0x40: {  	[sflag:s14] =	ssyncadd.s32 $0xFFFFF380  }
0x41: {  	[hbm4b:s7+s17] =	stream.strided.scatter [tilespmem:s16], [sflag:$0x2], $0x640, s18, s17, $0x38;
	[tilespmem:$0x3500] =	vst v63  }
0x42: {  	s22 =	sadd.s32 $0x1, s22  }
0x43: {  	[hbm4b:s8+s17] =	stream.strided.scatter [tilespmem:s21], [sflag:$0x2], $0x640, s18, s17, $0x38;
	[tilespmem:$0x3500] =	vst v63  }
0x44: {  	p0 =	sne.s32 s22, s9;
	_ =	swait.ge [sflag:s20], $0x640  }
.Ltmp1:
0x45: {  	[sflag:s20] =	ssyncset.done $0x0;
	(pc) =	sbr.rel @p0 .LBB2_1-.Ltmp1, $4  }
0x46: {  	[sflag:s20] =	ssyncadd.s32 $0xFFFFF9C0  }
0x47: {  	_ =	swait.ge [sflag:s20], $0x640  }
0x48: {  	[sflag:s20] =	ssyncset.done $0x0  }
0x49: {  	[sflag:s20] =	ssyncadd.s32 $0xFFFFF9C0  }
0x4a: {  	_ =	sfence.sel $0x180000  }
0x4b: {  	[bflag:$0x0] =	sbarrier.arrive $0xFFFF  }
0x4c: {  	p0 =	sne.s32 s0, $0x0;
	_ =	strace $0x90000050  }
0x4d: {  	s0 =	sadd.s32 @!p0 $0x100000, s1;
	[bflag:$0x2] =	sbarrier.arrive $0xFFFF  }
0x4e: {  	[sflag:s0] =	ssyncadd.tile.s32 @!p0 $0x1;
	_ =	shalt  }
.Lfunc_end2:
_tile_overlayer_lowered:
.L_overlay_start_2:
0x4f: {  	(tag) =	ssettag $0x2  }
0x50: {  	s0 =	rddreg [dreg:$0x0];
	s2 =	stileid.u32  }
0x51: {  	s1 =	rddreg [dreg:$0x1];
	p0 =	sne.s32 s2, $0x0  }
0x52: {  	s3 =	rddreg [dreg:$0x2];
	[bflag:$0x3] =	sbarrier.arrive $0xFFFF;
	s2 =	simm.s32 @!p0 $0x1C03  }
0x53: {  	[timem:s3], [sflag:s2] =	dma.local @!p0 [hbm:s0], s1  }
0x54: {  	s0 =	simm.s32 @!p0 $0x3  }
0x55: {  	_ =	swait.ge @!p0 [sflag:s0], s1  }
0x56: {  	s1 =	ssub.s32 @!p0 $0x0, s1;
	[sflag:s0] =	ssyncset.done @!p0 $0x0  }
0x57: {  	[sflag:s0] =	ssyncadd.s32 @!p0 s1  }
0x58: {  	[bflag:$0x3] =	sbarrier.arrive $0xFFFF  }
0x59: {  	_ =	shalt  }

</sc_bundles>
